<compile_context>
chip_gen: v7x
topology: tpu7x:2x2x1
jax: 0.10.2.dev20260603
libtpu: 0.0.44.dev20260713+nightly
codegen_flags: <defaults>
</compile_context>

<pallas_src>
import functools

import jax
import jax.numpy as jnp
from jax import lax
from jax.experimental import pallas as pl
from jax.experimental.pallas import tpu as pltpu
from jax.experimental.pallas import tpu_sc as plsc

_INFO = plsc.get_sparse_core_info()
_NC, _NS = _INFO.num_cores, _INFO.num_subcores
_NW = _NC * _NS


def _embed_gather(table_hbm, idx_hbm, out_hbm,
                  idx00, idx01, idx10, idx11,
                  r128_0, r128_1, r64_0, r64_1,
                  sem_i00, sem_i01, sem_i10, sem_i11,
                  sem_g0, sem_g1, sem_s0, sem_s1,
                  *, b_per_w, chunk):
    wid = lax.axis_index("s") * _NC + lax.axis_index("c")
    base_w = wid * b_per_w
    n_chunks = b_per_w // chunk
    n_pairs = n_chunks // 2
    idx_v = ((idx00, idx01), (idx10, idx11))
    sem_i = ((sem_i00, sem_i01), (sem_i10, sem_i11))
    r128 = (r128_0, r128_1)
    r64 = (r64_0, r64_1)
    sem_g = (sem_g0, sem_g1)
    sem_s = (sem_s0, sem_s1)

    def chunk_slice(g):
        return pl.ds(pl.multiple_of(base_w + g * chunk, 8), chunk)

    def idx_issue(p, slot, b):
        pltpu.async_copy(idx_hbm.at[chunk_slice(2 * p + b)],
                         idx_v[slot][b], sem_i[slot][b])

    def idx_wait(p, slot, b):
        pltpu.make_async_copy(idx_hbm.at[chunk_slice(2 * p + b)],
                              idx_v[slot][b], sem_i[slot][b]).wait()

    def compact(b):
        def row(i, carry):
            for j in range(4):
                sl = pl.ds(j * 16, 16)
                r64[b][i, sl] = r128[b][i, sl]
            return carry
        lax.fori_loop(0, chunk, row, 0, unroll=8)

    def do_pair(p, slot, first):
        for b in range(2):
            g = 2 * p + b

            @pl.when(jnp.logical_not(first))
            def _wait_prev_store():
                pltpu.make_async_copy(
                    r64[b], out_hbm.at[chunk_slice(g), :], sem_s[b]
                ).wait()

            idx_wait(p, slot, b)
            pltpu.async_copy(table_hbm.at[idx_v[slot][b]], r128[b], sem_g[b])
        for b in range(2):
            g = 2 * p + b
            pltpu.make_async_copy(
                table_hbm.at[idx_v[slot][b]], r128[b], sem_g[b]
            ).wait()
            compact(b)
            pltpu.async_copy(r64[b], out_hbm.at[chunk_slice(g), :], sem_s[b])
        @pl.when(p + 2 < n_pairs)
        def _prefetch():
            for b in range(2):
                idx_issue(p + 2, slot, b)

    for b in range(2):
        idx_issue(0, 0, b)
    for b in range(2):
        idx_issue(1, 1, b)

    def body(k, carry):
        do_pair(2 * k, 0, first=(k == 0))
        do_pair(2 * k + 1, 1, first=False)
        return carry

    lax.fori_loop(0, n_pairs // 2, body, 0)
    for b in range(2):
        g = n_chunks - 2 + b
        pltpu.make_async_copy(
            r64[b], out_hbm.at[chunk_slice(g), :], sem_s[b]
        ).wait()


def kernel(input_ids, embed_table):
    B, S = input_ids.shape
    V, D = embed_table.shape
    n = B * S
    assert n % _NW == 0
    b_per_w = n // _NW
    chunk = 200
    assert b_per_w % (4 * chunk) == 0

    idx_flat = input_ids.reshape(n)
    one = lax.optimization_barrier(jnp.float32(1.0))
    padded = jnp.pad(embed_table * one, ((0, 0), (0, 128 - D)))

    mesh = plsc.VectorSubcoreMesh(core_axis_name="c", subcore_axis_name="s")
    k = pl.kernel(
        functools.partial(_embed_gather, b_per_w=b_per_w, chunk=chunk),
        mesh=mesh,
        out_type=jax.ShapeDtypeStruct((n, D), jnp.float32),
        scratch_types=[
            pltpu.VMEM((chunk,), jnp.int32),
            pltpu.VMEM((chunk,), jnp.int32),
            pltpu.VMEM((chunk,), jnp.int32),
            pltpu.VMEM((chunk,), jnp.int32),
            pltpu.VMEM((chunk, 128), jnp.float32),
            pltpu.VMEM((chunk, 128), jnp.float32),
            pltpu.VMEM((chunk, D), jnp.float32),
            pltpu.VMEM((chunk, D), jnp.float32),
            pltpu.SemaphoreType.DMA,
            pltpu.SemaphoreType.DMA,
            pltpu.SemaphoreType.DMA,
            pltpu.SemaphoreType.DMA,
            pltpu.SemaphoreType.DMA,
            pltpu.SemaphoreType.DMA,
            pltpu.SemaphoreType.DMA,
            pltpu.SemaphoreType.DMA,
        ],
        compiler_params=pltpu.CompilerParams(use_tc_tiling_on_sc=True),
    )
    out = k(padded, idx_flat)
    return out.reshape(B, S, D)

# --- scband reference (transcript-rebuilt; emitter-appended) ---
"""Pipeline reference for scband-tiny-lm-70145405878359 (READ-ONLY COPY).

The authoritative reference and input builder live on the scoring server;
editing this copy changes nothing except your own understanding.
"""

import jax, jax.numpy as jnp
import numpy as np

VOCAB = 1000000
D_MODEL = 64


def setup_inputs(seed: int = 0) -> dict:
    key = jax.random.key(seed)
    k_idx, k_tab = jax.random.split(key)
    input_ids = jax.random.randint(k_idx, (4096, 200), 0, VOCAB, dtype=jnp.int64 if jax.config.jax_enable_x64 else jnp.int32)
    embed_table = jax.random.normal(k_tab, (VOCAB, D_MODEL), dtype=jnp.float32)
    return {"input_ids": input_ids, "embed_table": embed_table}


def reference(input_ids, embed_table):
    # nn.Embedding forward: gather rows of the table by index
    return jnp.take(embed_table, input_ids, axis=0)

if __name__ == "__main__":
    import jax
    _d = setup_inputs()
    print(jax.jit(kernel)(*tuple(_d.values())))

</pallas_src>

<mosaic_0001>
#map = affine_map<(d0, d1) -> (0, 0)>
#map1 = affine_map<(d0, d1) -> (0)>
module attributes {stable_mosaic.version = 14 : i64} {
  func.func @_embed_gather(%arg0: i32, %arg1: i32, %arg2: memref<1000000x128xf32, #tpu.memory_space<hbm>>, %arg3: memref<819200xi32, #tpu.memory_space<hbm>>, %arg4: memref<819200x64xf32, #tpu.memory_space<hbm>>, %arg5: memref<200xi32, #tpu.memory_space<vmem>>, %arg6: memref<200xi32, #tpu.memory_space<vmem>>, %arg7: memref<200xi32, #tpu.memory_space<vmem>>, %arg8: memref<200xi32, #tpu.memory_space<vmem>>, %arg9: memref<200x128xf32, #tpu.memory_space<vmem>>, %arg10: memref<200x128xf32, #tpu.memory_space<vmem>>, %arg11: memref<200x64xf32, #tpu.memory_space<vmem>>, %arg12: memref<200x64xf32, #tpu.memory_space<vmem>>, %arg13: memref<!tpu.dma_semaphore, #tpu.memory_space<semaphore_mem>>, %arg14: memref<!tpu.dma_semaphore, #tpu.memory_space<semaphore_mem>>, %arg15: memref<!tpu.dma_semaphore, #tpu.memory_space<semaphore_mem>>, %arg16: memref<!tpu.dma_semaphore, #tpu.memory_space<semaphore_mem>>, %arg17: memref<!tpu.dma_semaphore, #tpu.memory_space<semaphore_mem>>, %arg18: memref<!tpu.dma_semaphore, #tpu.memory_space<semaphore_mem>>, %arg19: memref<!tpu.dma_semaphore, #tpu.memory_space<semaphore_mem>>, %arg20: memref<!tpu.dma_semaphore, #tpu.memory_space<semaphore_mem>>) attributes {dimension_semantics = [#tpu.dimension_semantics<core_parallel>, #tpu.dimension_semantics<subcore_parallel>], iteration_bounds = array<i64: 2, 16>, scalar_prefetch = 0 : i64, scratch_operands = 16 : i64, tpu.core_type = #tpu.core_type<sc_vector_subcore>, window_params = [{transform_indices = #map}, {transform_indices = #map1}, {transform_indices = #map}]} {
    %mul3A = arith.constant 2 : i32
    %mul3A_0 = arith.muli %arg1, %mul3A : i32
    %add3A = arith.addi %mul3A_0, %arg0 : i32
    %mul3A_1 = arith.constant 25600 : i32
    %mul3A_2 = arith.muli %add3A, %mul3A_1 : i32
    %add3A_3 = arith.constant 0 : i32
    %add3A_4 = arith.addi %mul3A_2, %add3A_3 : i32
    %multiple_of3A = tpu.assume_multiple %add3A_4, 8 : i32
    %dma_start3A = tpu.memref_slice %arg3[%multiple_of3A] : memref<819200xi32, #tpu.memory_space<hbm>> -> memref<200xi32, #tpu.memory_space<hbm>>
    %dma_start3A_5 = tpu.memref_slice %arg3[%multiple_of3A] : memref<819200xi32, #tpu.memory_space<hbm>> -> memref<200xi32, #tpu.memory_space<hbm>>
    tpu.enqueue_dma source(%dma_start3A_5 : memref<200xi32, #tpu.memory_space<hbm>>) target(%arg5 : memref<200xi32, #tpu.memory_space<vmem>>) target_semaphore(%arg13 : memref<!tpu.dma_semaphore, #tpu.memory_space<semaphore_mem>>)
    %add3A_6 = arith.constant 200 : i32
    %add3A_7 = arith.addi %mul3A_2, %add3A_6 : i32
    %multiple_of3A_8 = tpu.assume_multiple %add3A_7, 8 : i32
    %dma_start3A_9 = tpu.memref_slice %arg3[%multiple_of3A_8] : memref<819200xi32, #tpu.memory_space<hbm>> -> memref<200xi32, #tpu.memory_space<hbm>>
    %dma_start3A_10 = tpu.memref_slice %arg3[%multiple_of3A_8] : memref<819200xi32, #tpu.memory_space<hbm>> -> memref<200xi32, #tpu.memory_space<hbm>>
    tpu.enqueue_dma source(%dma_start3A_10 : memref<200xi32, #tpu.memory_space<hbm>>) target(%arg6 : memref<200xi32, #tpu.memory_space<vmem>>) target_semaphore(%arg14 : memref<!tpu.dma_semaphore, #tpu.memory_space<semaphore_mem>>)
    %add3A_11 = arith.constant 400 : i32
    %add3A_12 = arith.addi %mul3A_2, %add3A_11 : i32
    %multiple_of3A_13 = tpu.assume_multiple %add3A_12, 8 : i32
    %dma_start3A_14 = tpu.memref_slice %arg3[%multiple_of3A_13] : memref<819200xi32, #tpu.memory_space<hbm>> -> memref<200xi32, #tpu.memory_space<hbm>>
    %dma_start3A_15 = tpu.memref_slice %arg3[%multiple_of3A_13] : memref<819200xi32, #tpu.memory_space<hbm>> -> memref<200xi32, #tpu.memory_space<hbm>>
    tpu.enqueue_dma source(%dma_start3A_15 : memref<200xi32, #tpu.memory_space<hbm>>) target(%arg7 : memref<200xi32, #tpu.memory_space<vmem>>) target_semaphore(%arg15 : memref<!tpu.dma_semaphore, #tpu.memory_space<semaphore_mem>>)
    %add3A_16 = arith.constant 600 : i32
    %add3A_17 = arith.addi %mul3A_2, %add3A_16 : i32
    %multiple_of3A_18 = tpu.assume_multiple %add3A_17, 8 : i32
    %dma_start3A_19 = tpu.memref_slice %arg3[%multiple_of3A_18] : memref<819200xi32, #tpu.memory_space<hbm>> -> memref<200xi32, #tpu.memory_space<hbm>>
    %dma_start3A_20 = tpu.memref_slice %arg3[%multiple_of3A_18] : memref<819200xi32, #tpu.memory_space<hbm>> -> memref<200xi32, #tpu.memory_space<hbm>>
    tpu.enqueue_dma source(%dma_start3A_20 : memref<200xi32, #tpu.memory_space<hbm>>) target(%arg8 : memref<200xi32, #tpu.memory_space<vmem>>) target_semaphore(%arg16 : memref<!tpu.dma_semaphore, #tpu.memory_space<semaphore_mem>>)
    %scan3A = arith.constant 0 : i32
    %scan3A_21 = arith.constant 0 : i32
    %scan3A_22 = arith.constant 32 : i32
    %scan3A_23 = arith.addi %scan3A_21, %scan3A_22 : i32
    %scan3A_24 = arith.constant 1 : i32
    scf.for %scan3A_39 = %scan3A_21 to %scan3A_23 step %scan3A_24  : i32 {
      %mul3A_40 = arith.constant 2 : i32
      %mul3A_41 = arith.muli %mul3A_40, %scan3A_39 : i32
      %eq3A = arith.constant 0 : i32
      %eq3A_42 = arith.cmpi eq, %scan3A_39, %eq3A : i32
      %mul3A_43 = arith.constant 2 : i32
      %mul3A_44 = arith.muli %mul3A_43, %mul3A_41 : i32
      %add3A_45 = arith.constant 0 : i32
      %add3A_46 = arith.addi %mul3A_44, %add3A_45 : i32
      %not3A = arith.constant true
      %not3A_47 = arith.xori %eq3A_42, %not3A : i1
      %convert_element_type3A = arith.extui %not3A_47 : i1 to i32
      %cond3A = arith.constant 0 : i32
      %cond3A_48 = arith.cmpi ne, %convert_element_type3A, %cond3A : i32
      scf.if %cond3A_48 {
        %mul3A_231 = arith.constant 200 : i32
        %mul3A_232 = arith.muli %add3A_46, %mul3A_231 : i32
        %add3A_233 = arith.addi %mul3A_2, %mul3A_232 : i32
        %multiple_of3A_234 = tpu.assume_multiple %add3A_233, 8 : i32
        %dma_wait3A_235 = arith.constant 0 : i32
        %dma_wait3A_236 = tpu.memref_slice %arg4[%multiple_of3A_234, %dma_wait3A_235] : memref<819200x64xf32, #tpu.memory_space<hbm>> -> memref<200x64xf32, #tpu.memory_space<hbm>>
        %dma_wait3A_237 = arith.constant 0 : i32
        %dma_wait3A_238 = tpu.memref_slice %arg4[%multiple_of3A_234, %dma_wait3A_237] : memref<819200x64xf32, #tpu.memory_space<hbm>> -> memref<200x64xf32, #tpu.memory_space<hbm>>
        tpu.wait_dma2 semaphore(%arg19 : memref<!tpu.dma_semaphore, #tpu.memory_space<semaphore_mem>>) src(%arg11 : memref<200x64xf32, #tpu.memory_space<vmem>>) dst(%dma_wait3A_238 : memref<200x64xf32, #tpu.memory_space<hbm>>)
      } else {
      }
      %mul3A_49 = arith.constant 2 : i32
      %mul3A_50 = arith.muli %mul3A_49, %mul3A_41 : i32
      %add3A_51 = arith.constant 0 : i32
      %add3A_52 = arith.addi %mul3A_50, %add3A_51 : i32
      %mul3A_53 = arith.constant 200 : i32
      %mul3A_54 = arith.muli %add3A_52, %mul3A_53 : i32
      %add3A_55 = arith.addi %mul3A_2, %mul3A_54 : i32
      %multiple_of3A_56 = tpu.assume_multiple %add3A_55, 8 : i32
      %dma_wait3A_57 = tpu.memref_slice %arg3[%multiple_of3A_56] : memref<819200xi32, #tpu.memory_space<hbm>> -> memref<200xi32, #tpu.memory_space<hbm>>
      %dma_wait3A_58 = tpu.memref_slice %arg3[%multiple_of3A_56] : memref<819200xi32, #tpu.memory_space<hbm>> -> memref<200xi32, #tpu.memory_space<hbm>>
      tpu.wait_dma2 semaphore(%arg13 : memref<!tpu.dma_semaphore, #tpu.memory_space<semaphore_mem>>) src(%dma_wait3A_58 : memref<200xi32, #tpu.memory_space<hbm>>) dst(%arg5 : memref<200xi32, #tpu.memory_space<vmem>>)
      %dma_start3A_59 = arith.constant 0 : i32
      %dma_start3A_60 = arith.constant 0 : i32
      %dma_start3A_61 = tpu.memref_slice %arg2[%dma_start3A_59, %dma_start3A_60] : memref<1000000x128xf32, #tpu.memory_space<hbm>> -> memref<1000000x128xf32, #tpu.memory_space<hbm>>
      tpu.enqueue_indirect_dma source(%dma_start3A_61 : memref<1000000x128xf32, #tpu.memory_space<hbm>>) target(%arg9 : memref<200x128xf32, #tpu.memory_space<vmem>>) offsets(%arg5 : memref<200xi32, #tpu.memory_space<vmem>>) semaphore(%arg17 : memref<!tpu.dma_semaphore, #tpu.memory_space<semaphore_mem>>)
      %mul3A_62 = arith.constant 2 : i32
      %mul3A_63 = arith.muli %mul3A_62, %mul3A_41 : i32
      %add3A_64 = arith.constant 1 : i32
      %add3A_65 = arith.addi %mul3A_63, %add3A_64 : i32
      %not3A_66 = arith.constant true
      %not3A_67 = arith.xori %eq3A_42, %not3A_66 : i1
      %convert_element_type3A_68 = arith.extui %not3A_67 : i1 to i32
      %cond3A_69 = arith.constant 0 : i32
      %cond3A_70 = arith.cmpi ne, %convert_element_type3A_68, %cond3A_69 : i32
      scf.if %cond3A_70 {
        %mul3A_231 = arith.constant 200 : i32
        %mul3A_232 = arith.muli %add3A_65, %mul3A_231 : i32
        %add3A_233 = arith.addi %mul3A_2, %mul3A_232 : i32
        %multiple_of3A_234 = tpu.assume_multiple %add3A_233, 8 : i32
        %dma_wait3A_235 = arith.constant 0 : i32
        %dma_wait3A_236 = tpu.memref_slice %arg4[%multiple_of3A_234, %dma_wait3A_235] : memref<819200x64xf32, #tpu.memory_space<hbm>> -> memref<200x64xf32, #tpu.memory_space<hbm>>
        %dma_wait3A_237 = arith.constant 0 : i32
        %dma_wait3A_238 = tpu.memref_slice %arg4[%multiple_of3A_234, %dma_wait3A_237] : memref<819200x64xf32, #tpu.memory_space<hbm>> -> memref<200x64xf32, #tpu.memory_space<hbm>>
        tpu.wait_dma2 semaphore(%arg20 : memref<!tpu.dma_semaphore, #tpu.memory_space<semaphore_mem>>) src(%arg12 : memref<200x64xf32, #tpu.memory_space<vmem>>) dst(%dma_wait3A_238 : memref<200x64xf32, #tpu.memory_space<hbm>>)
      } else {
      }
      %mul3A_71 = arith.constant 2 : i32
      %mul3A_72 = arith.muli %mul3A_71, %mul3A_41 : i32
      %add3A_73 = arith.constant 1 : i32
      %add3A_74 = arith.addi %mul3A_72, %add3A_73 : i32
      %mul3A_75 = arith.constant 200 : i32
      %mul3A_76 = arith.muli %add3A_74, %mul3A_75 : i32
      %add3A_77 = arith.addi %mul3A_2, %mul3A_76 : i32
      %multiple_of3A_78 = tpu.assume_multiple %add3A_77, 8 : i32
      %dma_wait3A_79 = tpu.memref_slice %arg3[%multiple_of3A_78] : memref<819200xi32, #tpu.memory_space<hbm>> -> memref<200xi32, #tpu.memory_space<hbm>>
      %dma_wait3A_80 = tpu.memref_slice %arg3[%multiple_of3A_78] : memref<819200xi32, #tpu.memory_space<hbm>> -> memref<200xi32, #tpu.memory_space<hbm>>
      tpu.wait_dma2 semaphore(%arg14 : memref<!tpu.dma_semaphore, #tpu.memory_space<semaphore_mem>>) src(%dma_wait3A_80 : memref<200xi32, #tpu.memory_space<hbm>>) dst(%arg6 : memref<200xi32, #tpu.memory_space<vmem>>)
      %dma_start3A_81 = arith.constant 0 : i32
      %dma_start3A_82 = arith.constant 0 : i32
      %dma_start3A_83 = tpu.memref_slice %arg2[%dma_start3A_81, %dma_start3A_82] : memref<1000000x128xf32, #tpu.memory_space<hbm>> -> memref<1000000x128xf32, #tpu.memory_space<hbm>>
      tpu.enqueue_indirect_dma source(%dma_start3A_83 : memref<1000000x128xf32, #tpu.memory_space<hbm>>) target(%arg10 : memref<200x128xf32, #tpu.memory_space<vmem>>) offsets(%arg6 : memref<200xi32, #tpu.memory_space<vmem>>) semaphore(%arg18 : memref<!tpu.dma_semaphore, #tpu.memory_space<semaphore_mem>>)
      %mul3A_84 = arith.constant 2 : i32
      %mul3A_85 = arith.muli %mul3A_84, %mul3A_41 : i32
      %add3A_86 = arith.constant 0 : i32
      %add3A_87 = arith.addi %mul3A_85, %add3A_86 : i32
      %dma_wait3A_88 = arith.constant 0 : i32
      %dma_wait3A_89 = arith.constant 0 : i32
      %dma_wait3A_90 = tpu.memref_slice %arg2[%dma_wait3A_88, %dma_wait3A_89] : memref<1000000x128xf32, #tpu.memory_space<hbm>> -> memref<1000000x128xf32, #tpu.memory_space<hbm>>
      tpu.wait_indirect_dma semaphore(%arg17 : memref<!tpu.dma_semaphore, #tpu.memory_space<semaphore_mem>>) src(%dma_wait3A_90 : memref<1000000x128xf32, #tpu.memory_space<hbm>>) dst(%arg9 : memref<200x128xf32, #tpu.memory_space<vmem>>)
      %scan3A_91 = arith.constant 0 : i32
      %scan3A_92 = arith.constant 0 : i32
      %scan3A_93 = arith.constant 200 : i32
      %scan3A_94 = arith.addi %scan3A_92, %scan3A_93 : i32
      %scan3A_95 = arith.constant 8 : i32
      scf.for %scan3A_231 = %scan3A_92 to %scan3A_94 step %scan3A_95  : i32 {
        %get3A = arith.index_cast %scan3A_231 : i32 to index
        %get3A_232 = arith.constant 0 : index
        %get3A_233 = tpu.vector_load %arg9[%get3A, %get3A_232] {strides = array<i32>} : memref<200x128xf32, #tpu.memory_space<vmem>>, vector<1x16xf32>,
        %get3A_234 = vector.shape_cast %get3A_233 : vector<1x16xf32> to vector<16xf32>
        %swap3A = arith.index_cast %scan3A_231 : i32 to index
        %swap3A_235 = arith.constant 0 : index
        %swap3A_236 = tpu.vector_load %arg11[%swap3A, %swap3A_235] {strides = array<i32>} : memref<200x64xf32, #tpu.memory_space<vmem>>, vector<1x16xf32>,
        %swap3A_237 = vector.shape_cast %swap3A_236 : vector<1x16xf32> to vector<16xf32>
        %swap3A_238 = vector.shape_cast %get3A_234 : vector<16xf32> to vector<1x16xf32>
        tpu.vector_store %arg11[%swap3A, %swap3A_235], %swap3A_238 {strides = array<i32>} : memref<200x64xf32, #tpu.memory_space<vmem>>, vector<1x16xf32>,
        %get3A_239 = arith.index_cast %scan3A_231 : i32 to index
        %get3A_240 = arith.constant 16 : index
        %get3A_241 = tpu.vector_load %arg9[%get3A_239, %get3A_240] {strides = array<i32>} : memref<200x128xf32, #tpu.memory_space<vmem>>, vector<1x16xf32>,
        %get3A_242 = vector.shape_cast %get3A_241 : vector<1x16xf32> to vector<16xf32>
        %swap3A_243 = arith.index_cast %scan3A_231 : i32 to index
        %swap3A_244 = arith.constant 16 : index
        %swap3A_245 = tpu.vector_load %arg11[%swap3A_243, %swap3A_244] {strides = array<i32>} : memref<200x64xf32, #tpu.memory_space<vmem>>, vector<1x16xf32>,
        %swap3A_246 = vector.shape_cast %swap3A_245 : vector<1x16xf32> to vector<16xf32>
        %swap3A_247 = vector.shape_cast %get3A_242 : vector<16xf32> to vector<1x16xf32>
        tpu.vector_store %arg11[%swap3A_243, %swap3A_244], %swap3A_247 {strides = array<i32>} : memref<200x64xf32, #tpu.memory_space<vmem>>, vector<1x16xf32>,
        %get3A_248 = arith.index_cast %scan3A_231 : i32 to index
        %get3A_249 = arith.constant 32 : index
        %get3A_250 = tpu.vector_load %arg9[%get3A_248, %get3A_249] {strides = array<i32>} : memref<200x128xf32, #tpu.memory_space<vmem>>, vector<1x16xf32>,
        %get3A_251 = vector.shape_cast %get3A_250 : vector<1x16xf32> to vector<16xf32>
        %swap3A_252 = arith.index_cast %scan3A_231 : i32 to index
        %swap3A_253 = arith.constant 32 : index
        %swap3A_254 = tpu.vector_load %arg11[%swap3A_252, %swap3A_253] {strides = array<i32>} : memref<200x64xf32, #tpu.memory_space<vmem>>, vector<1x16xf32>,
        %swap3A_255 = vector.shape_cast %swap3A_254 : vector<1x16xf32> to vector<16xf32>
        %swap3A_256 = vector.shape_cast %get3A_251 : vector<16xf32> to vector<1x16xf32>
        tpu.vector_store %arg11[%swap3A_252, %swap3A_253], %swap3A_256 {strides = array<i32>} : memref<200x64xf32, #tpu.memory_space<vmem>>, vector<1x16xf32>,
        %get3A_257 = arith.index_cast %scan3A_231 : i32 to index
        %get3A_258 = arith.constant 48 : index
        %get3A_259 = tpu.vector_load %arg9[%get3A_257, %get3A_258] {strides = array<i32>} : memref<200x128xf32, #tpu.memory_space<vmem>>, vector<1x16xf32>,
        %get3A_260 = vector.shape_cast %get3A_259 : vector<1x16xf32> to vector<16xf32>
        %swap3A_261 = arith.index_cast %scan3A_231 : i32 to index
        %swap3A_262 = arith.constant 48 : index
        %swap3A_263 = tpu.vector_load %arg11[%swap3A_261, %swap3A_262] {strides = array<i32>} : memref<200x64xf32, #tpu.memory_space<vmem>>, vector<1x16xf32>,
        %swap3A_264 = vector.shape_cast %swap3A_263 : vector<1x16xf32> to vector<16xf32>
        %swap3A_265 = vector.shape_cast %get3A_260 : vector<16xf32> to vector<1x16xf32>
        tpu.vector_store %arg11[%swap3A_261, %swap3A_262], %swap3A_265 {strides = array<i32>} : memref<200x64xf32, #tpu.memory_space<vmem>>, vector<1x16xf32>,
        %scan3A_266 = arith.constant 1 : i32
        %scan3A_267 = arith.addi %scan3A_231, %scan3A_266 : i32
        %get3A_268 = arith.index_cast %scan3A_267 : i32 to index
        %get3A_269 = arith.constant 0 : index
        %get3A_270 = tpu.vector_load %arg9[%get3A_268, %get3A_269] {strides = array<i32>} : memref<200x128xf32, #tpu.memory_space<vmem>>, vector<1x16xf32>,
        %get3A_271 = vector.shape_cast %get3A_270 : vector<1x16xf32> to vector<16xf32>
        %swap3A_272 = arith.index_cast %scan3A_267 : i32 to index
        %swap3A_273 = arith.constant 0 : index
        %swap3A_274 = tpu.vector_load %arg11[%swap3A_272, %swap3A_273] {strides = array<i32>} : memref<200x64xf32, #tpu.memory_space<vmem>>, vector<1x16xf32>,
        %swap3A_275 = vector.shape_cast %swap3A_274 : vector<1x16xf32> to vector<16xf32>
        %swap3A_276 = vector.shape_cast %get3A_271 : vector<16xf32> to vector<1x16xf32>
        tpu.vector_store %arg11[%swap3A_272, %swap3A_273], %swap3A_276 {strides = array<i32>} : memref<200x64xf32, #tpu.memory_space<vmem>>, vector<1x16xf32>,
        %get3A_277 = arith.index_cast %scan3A_267 : i32 to index
        %get3A_278 = arith.constant 16 : index
        %get3A_279 = tpu.vector_load %arg9[%get3A_277, %get3A_278] {strides = array<i32>} : memref<200x128xf32, #tpu.memory_space<vmem>>, vector<1x16xf32>,
        %get3A_280 = vector.shape_cast %get3A_279 : vector<1x16xf32> to vector<16xf32>
        %swap3A_281 = arith.index_cast %scan3A_267 : i32 to index
        %swap3A_282 = arith.constant 16 : index
        %swap3A_283 = tpu.vector_load %arg11[%swap3A_281, %swap3A_282] {strides = array<i32>} : memref<200x64xf32, #tpu.memory_space<vmem>>, vector<1x16xf32>,
        %swap3A_284 = vector.shape_cast %swap3A_283 : vector<1x16xf32> to vector<16xf32>
        %swap3A_285 = vector.shape_cast %get3A_280 : vector<16xf32> to vector<1x16xf32>
        tpu.vector_store %arg11[%swap3A_281, %swap3A_282], %swap3A_285 {strides = array<i32>} : memref<200x64xf32, #tpu.memory_space<vmem>>, vector<1x16xf32>,
        %get3A_286 = arith.index_cast %scan3A_267 : i32 to index
        %get3A_287 = arith.constant 32 : index
        %get3A_288 = tpu.vector_load %arg9[%get3A_286, %get3A_287] {strides = array<i32>} : memref<200x128xf32, #tpu.memory_space<vmem>>, vector<1x16xf32>,
        %get3A_289 = vector.shape_cast %get3A_288 : vector<1x16xf32> to vector<16xf32>
        %swap3A_290 = arith.index_cast %scan3A_267 : i32 to index
        %swap3A_291 = arith.constant 32 : index
        %swap3A_292 = tpu.vector_load %arg11[%swap3A_290, %swap3A_291] {strides = array<i32>} : memref<200x64xf32, #tpu.memory_space<vmem>>, vector<1x16xf32>,
        %swap3A_293 = vector.shape_cast %swap3A_292 : vector<1x16xf32> to vector<16xf32>
        %swap3A_294 = vector.shape_cast %get3A_289 : vector<16xf32> to vector<1x16xf32>
        tpu.vector_store %arg11[%swap3A_290, %swap3A_291], %swap3A_294 {strides = array<i32>} : memref<200x64xf32, #tpu.memory_space<vmem>>, vector<1x16xf32>,
        %get3A_295 = arith.index_cast %scan3A_267 : i32 to index
        %get3A_296 = arith.constant 48 : index
        %get3A_297 = tpu.vector_load %arg9[%get3A_295, %get3A_296] {strides = array<i32>} : memref<200x128xf32, #tpu.memory_space<vmem>>, vector<1x16xf32>,
        %get3A_298 = vector.shape_cast %get3A_297 : vector<1x16xf32> to vector<16xf32>
        %swap3A_299 = arith.index_cast %scan3A_267 : i32 to index
        %swap3A_300 = arith.constant 48 : index
        %swap3A_301 = tpu.vector_load %arg11[%swap3A_299, %swap3A_300] {strides = array<i32>} : memref<200x64xf32, #tpu.memory_space<vmem>>, vector<1x16xf32>,
        %swap3A_302 = vector.shape_cast %swap3A_301 : vector<1x16xf32> to vector<16xf32>
        %swap3A_303 = vector.shape_cast %get3A_298 : vector<16xf32> to vector<1x16xf32>
        tpu.vector_store %arg11[%swap3A_299, %swap3A_300], %swap3A_303 {strides = array<i32>} : memref<200x64xf32, #tpu.memory_space<vmem>>, vector<1x16xf32>,
        %scan3A_304 = arith.constant 2 : i32
        %scan3A_305 = arith.addi %scan3A_231, %scan3A_304 : i32
        %get3A_306 = arith.index_cast %scan3A_305 : i32 to index
        %get3A_307 = arith.constant 0 : index
        %get3A_308 = tpu.vector_load %arg9[%get3A_306, %get3A_307] {strides = array<i32>} : memref<200x128xf32, #tpu.memory_space<vmem>>, vector<1x16xf32>,
        %get3A_309 = vector.shape_cast %get3A_308 : vector<1x16xf32> to vector<16xf32>
        %swap3A_310 = arith.index_cast %scan3A_305 : i32 to index
        %swap3A_311 = arith.constant 0 : index
        %swap3A_312 = tpu.vector_load %arg11[%swap3A_310, %swap3A_311] {strides = array<i32>} : memref<200x64xf32, #tpu.memory_space<vmem>>, vector<1x16xf32>,
        %swap3A_313 = vector.shape_cast %swap3A_312 : vector<1x16xf32> to vector<16xf32>
        %swap3A_314 = vector.shape_cast %get3A_309 : vector<16xf32> to vector<1x16xf32>
        tpu.vector_store %arg11[%swap3A_310, %swap3A_311], %swap3A_314 {strides = array<i32>} : memref<200x64xf32, #tpu.memory_space<vmem>>, vector<1x16xf32>,
        %get3A_315 = arith.index_cast %scan3A_305 : i32 to index
        %get3A_316 = arith.constant 16 : index
        %get3A_317 = tpu.vector_load %arg9[%get3A_315, %get3A_316] {strides = array<i32>} : memref<200x128xf32, #tpu.memory_space<vmem>>, vector<1x16xf32>,
        %get3A_318 = vector.shape_cast %get3A_317 : vector<1x16xf32> to vector<16xf32>
        %swap3A_319 = arith.index_cast %scan3A_305 : i32 to index
        %swap3A_320 = arith.constant 16 : index
        %swap3A_321 = tpu.vector_load %arg11[%swap3A_319, %swap3A_320] {strides = array<i32>} : memref<200x64xf32, #tpu.memory_space<vmem>>, vector<1x16xf32>,
        %swap3A_322 = vector.shape_cast %swap3A_321 : vector<1x16xf32> to vector<16xf32>
        %swap3A_323 = vector.shape_cast %get3A_318 : vector<16xf32> to vector<1x16xf32>
        tpu.vector_store %arg11[%swap3A_319, %swap3A_320], %swap3A_323 {strides = array<i32>} : memref<200x64xf32, #tpu.memory_space<vmem>>, vector<1x16xf32>,
        %get3A_324 = arith.index_cast %scan3A_305 : i32 to index
        %get3A_325 = arith.constant 32 : index
        %get3A_326 = tpu.vector_load %arg9[%get3A_324, %get3A_325] {strides = array<i32>} : memref<200x128xf32, #tpu.memory_space<vmem>>, vector<1x16xf32>,
        %get3A_327 = vector.shape_cast %get3A_326 : vector<1x16xf32> to vector<16xf32>
        %swap3A_328 = arith.index_cast %scan3A_305 : i32 to index
        %swap3A_329 = arith.constant 32 : index
        %swap3A_330 = tpu.vector_load %arg11[%swap3A_328, %swap3A_329] {strides = array<i32>} : memref<200x64xf32, #tpu.memory_space<vmem>>, vector<1x16xf32>,
        %swap3A_331 = vector.shape_cast %swap3A_330 : vector<1x16xf32> to vector<16xf32>
        %swap3A_332 = vector.shape_cast %get3A_327 : vector<16xf32> to vector<1x16xf32>
        tpu.vector_store %arg11[%swap3A_328, %swap3A_329], %swap3A_332 {strides = array<i32>} : memref<200x64xf32, #tpu.memory_space<vmem>>, vector<1x16xf32>,
        %get3A_333 = arith.index_cast %scan3A_305 : i32 to index
        %get3A_334 = arith.constant 48 : index
        %get3A_335 = tpu.vector_load %arg9[%get3A_333, %get3A_334] {strides = array<i32>} : memref<200x128xf32, #tpu.memory_space<vmem>>, vector<1x16xf32>,
        %get3A_336 = vector.shape_cast %get3A_335 : vector<1x16xf32> to vector<16xf32>
        %swap3A_337 = arith.index_cast %scan3A_305 : i32 to index
        %swap3A_338 = arith.constant 48 : index
        %swap3A_339 = tpu.vector_load %arg11[%swap3A_337, %swap3A_338] {strides = array<i32>} : memref<200x64xf32, #tpu.memory_space<vmem>>, vector<1x16xf32>,
        %swap3A_340 = vector.shape_cast %swap3A_339 : vector<1x16xf32> to vector<16xf32>
        %swap3A_341 = vector.shape_cast %get3A_336 : vector<16xf32> to vector<1x16xf32>
        tpu.vector_store %arg11[%swap3A_337, %swap3A_338], %swap3A_341 {strides = array<i32>} : memref<200x64xf32, #tpu.memory_space<vmem>>, vector<1x16xf32>,
        %scan3A_342 = arith.constant 3 : i32
        %scan3A_343 = arith.addi %scan3A_231, %scan3A_342 : i32
        %get3A_344 = arith.index_cast %scan3A_343 : i32 to index
        %get3A_345 = arith.constant 0 : index
        %get3A_346 = tpu.vector_load %arg9[%get3A_344, %get3A_345] {strides = array<i32>} : memref<200x128xf32, #tpu.memory_space<vmem>>, vector<1x16xf32>,
        %get3A_347 = vector.shape_cast %get3A_346 : vector<1x16xf32> to vector<16xf32>
        %swap3A_348 = arith.index_cast %scan3A_343 : i32 to index
        %swap3A_349 = arith.constant 0 : index
        %swap3A_350 = tpu.vector_load %arg11[%swap3A_348, %swap3A_349] {strides = array<i32>} : memref<200x64xf32, #tpu.memory_space<vmem>>, vector<1x16xf32>,
        %swap3A_351 = vector.shape_cast %swap3A_350 : vector<1x16xf32> to vector<16xf32>
        %swap3A_352 = vector.shape_cast %get3A_347 : vector<16xf32> to vector<1x16xf32>
        tpu.vector_store %arg11[%swap3A_348, %swap3A_349], %swap3A_352 {strides = array<i32>} : memref<200x64xf32, #tpu.memory_space<vmem>>, vector<1x16xf32>,
        %get3A_353 = arith.index_cast %scan3A_343 : i32 to index
        %get3A_354 = arith.constant 16 : index
        %get3A_355 = tpu.vector_load %arg9[%get3A_353, %get3A_354] {strides = array<i32>} : memref<200x128xf32, #tpu.memory_space<vmem>>, vector<1x16xf32>,
        %get3A_356 = vector.shape_cast %get3A_355 : vector<1x16xf32> to vector<16xf32>
        %swap3A_357 = arith.index_cast %scan3A_343 : i32 to index
        %swap3A_358 = arith.constant 16 : index
        %swap3A_359 = tpu.vector_load %arg11[%swap3A_357, %swap3A_358] {strides = array<i32>} : memref<200x64xf32, #tpu.memory_space<vmem>>, vector<1x16xf32>,
        %swap3A_360 = vector.shape_cast %swap3A_359 : vector<1x16xf32> to vector<16xf32>
        %swap3A_361 = vector.shape_cast %get3A_356 : vector<16xf32> to vector<1x16xf32>
        tpu.vector_store %arg11[%swap3A_357, %swap3A_358], %swap3A_361 {strides = array<i32>} : memref<200x64xf32, #tpu.memory_space<vmem>>, vector<1x16xf32>,
        %get3A_362 = arith.index_cast %scan3A_343 : i32 to index
        %get3A_363 = arith.constant 32 : index
        %get3A_364 = tpu.vector_load %arg9[%get3A_362, %get3A_363] {strides = array<i32>} : memref<200x128xf32, #tpu.memory_space<vmem>>, vector<1x16xf32>,
        %get3A_365 = vector.shape_cast %get3A_364 : vector<1x16xf32> to vector<16xf32>
        %swap3A_366 = arith.index_cast %scan3A_343 : i32 to index
        %swap3A_367 = arith.constant 32 : index
        %swap3A_368 = tpu.vector_load %arg11[%swap3A_366, %swap3A_367] {strides = array<i32>} : memref<200x64xf32, #tpu.memory_space<vmem>>, vector<1x16xf32>,
        %swap3A_369 = vector.shape_cast %swap3A_368 : vector<1x16xf32> to vector<16xf32>
        %swap3A_370 = vector.shape_cast %get3A_365 : vector<16xf32> to vector<1x16xf32>
        tpu.vector_store %arg11[%swap3A_366, %swap3A_367], %swap3A_370 {strides = array<i32>} : memref<200x64xf32, #tpu.memory_space<vmem>>, vector<1x16xf32>,
        %get3A_371 = arith.index_cast %scan3A_343 : i32 to index
        %get3A_372 = arith.constant 48 : index
        %get3A_373 = tpu.vector_load %arg9[%get3A_371, %get3A_372] {strides = array<i32>} : memref<200x128xf32, #tpu.memory_space<vmem>>, vector<1x16xf32>,
        %get3A_374 = vector.shape_cast %get3A_373 : vector<1x16xf32> to vector<16xf32>
        %swap3A_375 = arith.index_cast %scan3A_343 : i32 to index
        %swap3A_376 = arith.constant 48 : index
        %swap3A_377 = tpu.vector_load %arg11[%swap3A_375, %swap3A_376] {strides = array<i32>} : memref<200x64xf32, #tpu.memory_space<vmem>>, vector<1x16xf32>,
        %swap3A_378 = vector.shape_cast %swap3A_377 : vector<1x16xf32> to vector<16xf32>
        %swap3A_379 = vector.shape_cast %get3A_374 : vector<16xf32> to vector<1x16xf32>
        tpu.vector_store %arg11[%swap3A_375, %swap3A_376], %swap3A_379 {strides = array<i32>} : memref<200x64xf32, #tpu.memory_space<vmem>>, vector<1x16xf32>,
        %scan3A_380 = arith.constant 4 : i32
        %scan3A_381 = arith.addi %scan3A_231, %scan3A_380 : i32
        %get3A_382 = arith.index_cast %scan3A_381 : i32 to index
        %get3A_383 = arith.constant 0 : index
        %get3A_384 = tpu.vector_load %arg9[%get3A_382, %get3A_383] {strides = array<i32>} : memref<200x128xf32, #tpu.memory_space<vmem>>, vector<1x16xf32>,
        %get3A_385 = vector.shape_cast %get3A_384 : vector<1x16xf32> to vector<16xf32>
        %swap3A_386 = arith.index_cast %scan3A_381 : i32 to index
        %swap3A_387 = arith.constant 0 : index
        %swap3A_388 = tpu.vector_load %arg11[%swap3A_386, %swap3A_387] {strides = array<i32>} : memref<200x64xf32, #tpu.memory_space<vmem>>, vector<1x16xf32>,
        %swap3A_389 = vector.shape_cast %swap3A_388 : vector<1x16xf32> to vector<16xf32>
        %swap3A_390 = vector.shape_cast %get3A_385 : vector<16xf32> to vector<1x16xf32>
        tpu.vector_store %arg11[%swap3A_386, %swap3A_387], %swap3A_390 {strides = array<i32>} : memref<200x64xf32, #tpu.memory_space<vmem>>, vector<1x16xf32>,
        %get3A_391 = arith.index_cast %scan3A_381 : i32 to index
        %get3A_392 = arith.constant 16 : index
        %get3A_393 = tpu.vector_load %arg9[%get3A_391, %get3A_392] {strides = array<i32>} : memref<200x128xf32, #tpu.memory_space<vmem>>, vector<1x16xf32>,
        %get3A_394 = vector.shape_cast %get3A_393 : vector<1x16xf32> to vector<16xf32>
        %swap3A_395 = arith.index_cast %scan3A_381 : i32 to index
        %swap3A_396 = arith.constant 16 : index
        %swap3A_397 = tpu.vector_load %arg11[%swap3A_395, %swap3A_396] {strides = array<i32>} : memref<200x64xf32, #tpu.memory_space<vmem>>, vector<1x16xf32>,
        %swap3A_398 = vector.shape_cast %swap3A_397 : vector<1x16xf32> to vector<16xf32>
        %swap3A_399 = vector.shape_cast %get3A_394 : vector<16xf32> to vector<1x16xf32>
        tpu.vector_store %arg11[%swap3A_395, %swap3A_396], %swap3A_399 {strides = array<i32>} : memref<200x64xf32, #tpu.memory_space<vmem>>, vector<1x16xf32>,
        %get3A_400 = arith.index_cast %scan3A_381 : i32 to index
        %get3A_401 = arith.constant 32 : index
        %get3A_402 = tpu.vector_load %arg9[%get3A_400, %get3A_401] {strides = array<i32>} : memref<200x128xf32, #tpu.memory_space<vmem>>, vector<1x16xf32>,
        %get3A_403 = vector.shape_cast %get3A_402 : vector<1x16xf32> to vector<16xf32>
        %swap3A_404 = arith.index_cast %scan3A_381 : i32 to index
        %swap3A_405 = arith.constant 32 : index
        %swap3A_406 = tpu.vector_load %arg11[%swap3A_404, %swap3A_405] {strides = array<i32>} : memref<200x64xf32, #tpu.memory_space<vmem>>, vector<1x16xf32>,
        %swap3A_407 = vector.shape_cast %swap3A_406 : vector<1x16xf32> to vector<16xf32>
        %swap3A_408 = vector.shape_cast %get3A_403 : vector<16xf32> to vector<1x16xf32>
        tpu.vector_store %arg11[%swap3A_404, %swap3A_405], %swap3A_408 {strides = array<i32>} : memref<200x64xf32, #tpu.memory_space<vmem>>, vector<1x16xf32>,
        %get3A_409 = arith.index_cast %scan3A_381 : i32 to index
        %get3A_410 = arith.constant 48 : index
        %get3A_411 = tpu.vector_load %arg9[%get3A_409, %get3A_410] {strides = array<i32>} : memref<200x128xf32, #tpu.memory_space<vmem>>, vector<1x16xf32>,
        %get3A_412 = vector.shape_cast %get3A_411 : vector<1x16xf32> to vector<16xf32>
        %swap3A_413 = arith.index_cast %scan3A_381 : i32 to index
        %swap3A_414 = arith.constant 48 : index
        %swap3A_415 = tpu.vector_load %arg11[%swap3A_413, %swap3A_414] {strides = array<i32>} : memref<200x64xf32, #tpu.memory_space<vmem>>, vector<1x16xf32>,
        %swap3A_416 = vector.shape_cast %swap3A_415 : vector<1x16xf32> to vector<16xf32>
        %swap3A_417 = vector.shape_cast %get3A_412 : vector<16xf32> to vector<1x16xf32>
        tpu.vector_store %arg11[%swap3A_413, %swap3A_414], %swap3A_417 {strides = array<i32>} : memref<200x64xf32, #tpu.memory_space<vmem>>, vector<1x16xf32>,
        %scan3A_418 = arith.constant 5 : i32
        %scan3A_419 = arith.addi %scan3A_231, %scan3A_418 : i32
        %get3A_420 = arith.index_cast %scan3A_419 : i32 to index
        %get3A_421 = arith.constant 0 : index
        %get3A_422 = tpu.vector_load %arg9[%get3A_420, %get3A_421] {strides = array<i32>} : memref<200x128xf32, #tpu.memory_space<vmem>>, vector<1x16xf32>,
        %get3A_423 = vector.shape_cast %get3A_422 : vector<1x16xf32> to vector<16xf32>
        %swap3A_424 = arith.index_cast %scan3A_419 : i32 to index
        %swap3A_425 = arith.constant 0 : index
        %swap3A_426 = tpu.vector_load %arg11[%swap3A_424, %swap3A_425] {strides = array<i32>} : memref<200x64xf32, #tpu.memory_space<vmem>>, vector<1x16xf32>,
        %swap3A_427 = vector.shape_cast %swap3A_426 : vector<1x16xf32> to vector<16xf32>
        %swap3A_428 = vector.shape_cast %get3A_423 : vector<16xf32> to vector<1x16xf32>
        tpu.vector_store %arg11[%swap3A_424, %swap3A_425], %swap3A_428 {strides = array<i32>} : memref<200x64xf32, #tpu.memory_space<vmem>>, vector<1x16xf32>,
        %get3A_429 = arith.index_cast %scan3A_419 : i32 to index
        %get3A_430 = arith.constant 16 : index
        %get3A_431 = tpu.vector_load %arg9[%get3A_429, %get3A_430] {strides = array<i32>} : memref<200x128xf32, #tpu.memory_space<vmem>>, vector<1x16xf32>,
        %get3A_432 = vector.shape_cast %get3A_431 : vector<1x16xf32> to vector<16xf32>
        %swap3A_433 = arith.index_cast %scan3A_419 : i32 to index
        %swap3A_434 = arith.constant 16 : index
        %swap3A_435 = tpu.vector_load %arg11[%swap3A_433, %swap3A_434] {strides = array<i32>} : memref<200x64xf32, #tpu.memory_space<vmem>>, vector<1x16xf32>,
        %swap3A_436 = vector.shape_cast %swap3A_435 : vector<1x16xf32> to vector<16xf32>
        %swap3A_437 = vector.shape_cast %get3A_432 : vector<16xf32> to vector<1x16xf32>
        tpu.vector_store %arg11[%swap3A_433, %swap3A_434], %swap3A_437 {strides = array<i32>} : memref<200x64xf32, #tpu.memory_space<vmem>>, vector<1x16xf32>,
        %get3A_438 = arith.index_cast %scan3A_419 : i32 to index
        %get3A_439 = arith.constant 32 : index
        %get3A_440 = tpu.vector_load %arg9[%get3A_438, %get3A_439] {strides = array<i32>} : memref<200x128xf32, #tpu.memory_space<vmem>>, vector<1x16xf32>,
        %get3A_441 = vector.shape_cast %get3A_440 : vector<1x16xf32> to vector<16xf32>
        %swap3A_442 = arith.index_cast %scan3A_419 : i32 to index
        %swap3A_443 = arith.constant 32 : index
        %swap3A_444 = tpu.vector_load %arg11[%swap3A_442, %swap3A_443] {strides = array<i32>} : memref<200x64xf32, #tpu.memory_space<vmem>>, vector<1x16xf32>,
        %swap3A_445 = vector.shape_cast %swap3A_444 : vector<1x16xf32> to vector<16xf32>
        %swap3A_446 = vector.shape_cast %get3A_441 : vector<16xf32> to vector<1x16xf32>
        tpu.vector_store %arg11[%swap3A_442, %swap3A_443], %swap3A_446 {strides = array<i32>} : memref<200x64xf32, #tpu.memory_space<vmem>>, vector<1x16xf32>,
        %get3A_447 = arith.index_cast %scan3A_419 : i32 to index
        %get3A_448 = arith.constant 48 : index
        %get3A_449 = tpu.vector_load %arg9[%get3A_447, %get3A_448] {strides = array<i32>} : memref<200x128xf32, #tpu.memory_space<vmem>>, vector<1x16xf32>,
        %get3A_450 = vector.shape_cast %get3A_449 : vector<1x16xf32> to vector<16xf32>
        %swap3A_451 = arith.index_cast %scan3A_419 : i32 to index
        %swap3A_452 = arith.constant 48 : index
        %swap3A_453 = tpu.vector_load %arg11[%swap3A_451, %swap3A_452] {strides = array<i32>} : memref<200x64xf32, #tpu.memory_space<vmem>>, vector<1x16xf32>,
        %swap3A_454 = vector.shape_cast %swap3A_453 : vector<1x16xf32> to vector<16xf32>
        %swap3A_455 = vector.shape_cast %get3A_450 : vector<16xf32> to vector<1x16xf32>
        tpu.vector_store %arg11[%swap3A_451, %swap3A_452], %swap3A_455 {strides = array<i32>} : memref<200x64xf32, #tpu.memory_space<vmem>>, vector<1x16xf32>,
        %scan3A_456 = arith.constant 6 : i32
        %scan3A_457 = arith.addi %scan3A_231, %scan3A_456 : i32
        %get3A_458 = arith.index_cast %scan3A_457 : i32 to index
        %get3A_459 = arith.constant 0 : index
        %get3A_460 = tpu.vector_load %arg9[%get3A_458, %get3A_459] {strides = array<i32>} : memref<200x128xf32, #tpu.memory_space<vmem>>, vector<1x16xf32>,
        %get3A_461 = vector.shape_cast %get3A_460 : vector<1x16xf32> to vector<16xf32>
        %swap3A_462 = arith.index_cast %scan3A_457 : i32 to index
        %swap3A_463 = arith.constant 0 : index
        %swap3A_464 = tpu.vector_load %arg11[%swap3A_462, %swap3A_463] {strides = array<i32>} : memref<200x64xf32, #tpu.memory_space<vmem>>, vector<1x16xf32>,
        %swap3A_465 = vector.shape_cast %swap3A_464 : vector<1x16xf32> to vector<16xf32>
        %swap3A_466 = vector.shape_cast %get3A_461 : vector<16xf32> to vector<1x16xf32>
        tpu.vector_store %arg11[%swap3A_462, %swap3A_463], %swap3A_466 {strides = array<i32>} : memref<200x64xf32, #tpu.memory_space<vmem>>, vector<1x16xf32>,
        %get3A_467 = arith.index_cast %scan3A_457 : i32 to index
        %get3A_468 = arith.constant 16 : index
        %get3A_469 = tpu.vector_load %arg9[%get3A_467, %get3A_468] {strides = array<i32>} : memref<200x128xf32, #tpu.memory_space<vmem>>, vector<1x16xf32>,
        %get3A_470 = vector.shape_cast %get3A_469 : vector<1x16xf32> to vector<16xf32>
        %swap3A_471 = arith.index_cast %scan3A_457 : i32 to index
        %swap3A_472 = arith.constant 16 : index
        %swap3A_473 = tpu.vector_load %arg11[%swap3A_471, %swap3A_472] {strides = array<i32>} : memref<200x64xf32, #tpu.memory_space<vmem>>, vector<1x16xf32>,
        %swap3A_474 = vector.shape_cast %swap3A_473 : vector<1x16xf32> to vector<16xf32>
        %swap3A_475 = vector.shape_cast %get3A_470 : vector<16xf32> to vector<1x16xf32>
        tpu.vector_store %arg11[%swap3A_471, %swap3A_472], %swap3A_475 {strides = array<i32>} : memref<200x64xf32, #tpu.memory_space<vmem>>, vector<1x16xf32>,
        %get3A_476 = arith.index_cast %scan3A_457 : i32 to index
        %get3A_477 = arith.constant 32 : index
        %get3A_478 = tpu.vector_load %arg9[%get3A_476, %get3A_477] {strides = array<i32>} : memref<200x128xf32, #tpu.memory_space<vmem>>, vector<1x16xf32>,
        %get3A_479 = vector.shape_cast %get3A_478 : vector<1x16xf32> to vector<16xf32>
        %swap3A_480 = arith.index_cast %scan3A_457 : i32 to index
        %swap3A_481 = arith.constant 32 : index
        %swap3A_482 = tpu.vector_load %arg11[%swap3A_480, %swap3A_481] {strides = array<i32>} : memref<200x64xf32, #tpu.memory_space<vmem>>, vector<1x16xf32>,
        %swap3A_483 = vector.shape_cast %swap3A_482 : vector<1x16xf32> to vector<16xf32>
        %swap3A_484 = vector.shape_cast %get3A_479 : vector<16xf32> to vector<1x16xf32>
        tpu.vector_store %arg11[%swap3A_480, %swap3A_481], %swap3A_484 {strides = array<i32>} : memref<200x64xf32, #tpu.memory_space<vmem>>, vector<1x16xf32>,
        %get3A_485 = arith.index_cast %scan3A_457 : i32 to index
        %get3A_486 = arith.constant 48 : index
        %get3A_487 = tpu.vector_load %arg9[%get3A_485, %get3A_486] {strides = array<i32>} : memref<200x128xf32, #tpu.memory_space<vmem>>, vector<1x16xf32>,
        %get3A_488 = vector.shape_cast %get3A_487 : vector<1x16xf32> to vector<16xf32>
        %swap3A_489 = arith.index_cast %scan3A_457 : i32 to index
        %swap3A_490 = arith.constant 48 : index
        %swap3A_491 = tpu.vector_load %arg11[%swap3A_489, %swap3A_490] {strides = array<i32>} : memref<200x64xf32, #tpu.memory_space<vmem>>, vector<1x16xf32>,
        %swap3A_492 = vector.shape_cast %swap3A_491 : vector<1x16xf32> to vector<16xf32>
        %swap3A_493 = vector.shape_cast %get3A_488 : vector<16xf32> to vector<1x16xf32>
        tpu.vector_store %arg11[%swap3A_489, %swap3A_490], %swap3A_493 {strides = array<i32>} : memref<200x64xf32, #tpu.memory_space<vmem>>, vector<1x16xf32>,
        %scan3A_494 = arith.constant 7 : i32
        %scan3A_495 = arith.addi %scan3A_231, %scan3A_494 : i32
        %get3A_496 = arith.index_cast %scan3A_495 : i32 to index
        %get3A_497 = arith.constant 0 : index
        %get3A_498 = tpu.vector_load %arg9[%get3A_496, %get3A_497] {strides = array<i32>} : memref<200x128xf32, #tpu.memory_space<vmem>>, vector<1x16xf32>,
        %get3A_499 = vector.shape_cast %get3A_498 : vector<1x16xf32> to vector<16xf32>
        %swap3A_500 = arith.index_cast %scan3A_495 : i32 to index
        %swap3A_501 = arith.constant 0 : index
        %swap3A_502 = tpu.vector_load %arg11[%swap3A_500, %swap3A_501] {strides = array<i32>} : memref<200x64xf32, #tpu.memory_space<vmem>>, vector<1x16xf32>,
        %swap3A_503 = vector.shape_cast %swap3A_502 : vector<1x16xf32> to vector<16xf32>
        %swap3A_504 = vector.shape_cast %get3A_499 : vector<16xf32> to vector<1x16xf32>
        tpu.vector_store %arg11[%swap3A_500, %swap3A_501], %swap3A_504 {strides = array<i32>} : memref<200x64xf32, #tpu.memory_space<vmem>>, vector<1x16xf32>,
        %get3A_505 = arith.index_cast %scan3A_495 : i32 to index
        %get3A_506 = arith.constant 16 : index
        %get3A_507 = tpu.vector_load %arg9[%get3A_505, %get3A_506] {strides = array<i32>} : memref<200x128xf32, #tpu.memory_space<vmem>>, vector<1x16xf32>,
        %get3A_508 = vector.shape_cast %get3A_507 : vector<1x16xf32> to vector<16xf32>
        %swap3A_509 = arith.index_cast %scan3A_495 : i32 to index
        %swap3A_510 = arith.constant 16 : index
        %swap3A_511 = tpu.vector_load %arg11[%swap3A_509, %swap3A_510] {strides = array<i32>} : memref<200x64xf32, #tpu.memory_space<vmem>>, vector<1x16xf32>,
        %swap3A_512 = vector.shape_cast %swap3A_511 : vector<1x16xf32> to vector<16xf32>
        %swap3A_513 = vector.shape_cast %get3A_508 : vector<16xf32> to vector<1x16xf32>
        tpu.vector_store %arg11[%swap3A_509, %swap3A_510], %swap3A_513 {strides = array<i32>} : memref<200x64xf32, #tpu.memory_space<vmem>>, vector<1x16xf32>,
        %get3A_514 = arith.index_cast %scan3A_495 : i32 to index
        %get3A_515 = arith.constant 32 : index
        %get3A_516 = tpu.vector_load %arg9[%get3A_514, %get3A_515] {strides = array<i32>} : memref<200x128xf32, #tpu.memory_space<vmem>>, vector<1x16xf32>,
        %get3A_517 = vector.shape_cast %get3A_516 : vector<1x16xf32> to vector<16xf32>
        %swap3A_518 = arith.index_cast %scan3A_495 : i32 to index
        %swap3A_519 = arith.constant 32 : index
        %swap3A_520 = tpu.vector_load %arg11[%swap3A_518, %swap3A_519] {strides = array<i32>} : memref<200x64xf32, #tpu.memory_space<vmem>>, vector<1x16xf32>,
        %swap3A_521 = vector.shape_cast %swap3A_520 : vector<1x16xf32> to vector<16xf32>
        %swap3A_522 = vector.shape_cast %get3A_517 : vector<16xf32> to vector<1x16xf32>
        tpu.vector_store %arg11[%swap3A_518, %swap3A_519], %swap3A_522 {strides = array<i32>} : memref<200x64xf32, #tpu.memory_space<vmem>>, vector<1x16xf32>,
        %get3A_523 = arith.index_cast %scan3A_495 : i32 to index
        %get3A_524 = arith.constant 48 : index
        %get3A_525 = tpu.vector_load %arg9[%get3A_523, %get3A_524] {strides = array<i32>} : memref<200x128xf32, #tpu.memory_space<vmem>>, vector<1x16xf32>,
        %get3A_526 = vector.shape_cast %get3A_525 : vector<1x16xf32> to vector<16xf32>
        %swap3A_527 = arith.index_cast %scan3A_495 : i32 to index
        %swap3A_528 = arith.constant 48 : index
        %swap3A_529 = tpu.vector_load %arg11[%swap3A_527, %swap3A_528] {strides = array<i32>} : memref<200x64xf32, #tpu.memory_space<vmem>>, vector<1x16xf32>,
        %swap3A_530 = vector.shape_cast %swap3A_529 : vector<1x16xf32> to vector<16xf32>
        %swap3A_531 = vector.shape_cast %get3A_526 : vector<16xf32> to vector<1x16xf32>
        tpu.vector_store %arg11[%swap3A_527, %swap3A_528], %swap3A_531 {strides = array<i32>} : memref<200x64xf32, #tpu.memory_space<vmem>>, vector<1x16xf32>,
      }
      %scan3A_96 = arith.constant 200 : i32
      %mul3A_97 = arith.constant 200 : i32
      %mul3A_98 = arith.muli %add3A_87, %mul3A_97 : i32
      %add3A_99 = arith.addi %mul3A_2, %mul3A_98 : i32
      %multiple_of3A_100 = tpu.assume_multiple %add3A_99, 8 : i32
      %dma_start3A_101 = arith.constant 0 : i32
      %dma_start3A_102 = tpu.memref_slice %arg4[%multiple_of3A_100, %dma_start3A_101] : memref<819200x64xf32, #tpu.memory_space<hbm>> -> memref<200x64xf32, #tpu.memory_space<hbm>>
      %dma_start3A_103 = arith.constant 0 : i32
      %dma_start3A_104 = tpu.memref_slice %arg4[%multiple_of3A_100, %dma_start3A_103] : memref<819200x64xf32, #tpu.memory_space<hbm>> -> memref<200x64xf32, #tpu.memory_space<hbm>>
      tpu.enqueue_dma source(%arg11 : memref<200x64xf32, #tpu.memory_space<vmem>>) target(%dma_start3A_104 : memref<200x64xf32, #tpu.memory_space<hbm>>) target_semaphore(%arg19 : memref<!tpu.dma_semaphore, #tpu.memory_space<semaphore_mem>>)
      %mul3A_105 = arith.constant 2 : i32
      %mul3A_106 = arith.muli %mul3A_105, %mul3A_41 : i32
      %add3A_107 = arith.constant 1 : i32
      %add3A_108 = arith.addi %mul3A_106, %add3A_107 : i32
      %dma_wait3A_109 = arith.constant 0 : i32
      %dma_wait3A_110 = arith.constant 0 : i32
      %dma_wait3A_111 = tpu.memref_slice %arg2[%dma_wait3A_109, %dma_wait3A_110] : memref<1000000x128xf32, #tpu.memory_space<hbm>> -> memref<1000000x128xf32, #tpu.memory_space<hbm>>
      tpu.wait_indirect_dma semaphore(%arg18 : memref<!tpu.dma_semaphore, #tpu.memory_space<semaphore_mem>>) src(%dma_wait3A_111 : memref<1000000x128xf32, #tpu.memory_space<hbm>>) dst(%arg10 : memref<200x128xf32, #tpu.memory_space<vmem>>)
      %scan3A_112 = arith.constant 0 : i32
      %scan3A_113 = arith.constant 0 : i32
      %scan3A_114 = arith.constant 200 : i32
      %scan3A_115 = arith.addi %scan3A_113, %scan3A_114 : i32
      %scan3A_116 = arith.constant 8 : i32
      scf.for %scan3A_231 = %scan3A_113 to %scan3A_115 step %scan3A_116  : i32 {
        %get3A = arith.index_cast %scan3A_231 : i32 to index
        %get3A_232 = arith.constant 0 : index
        %get3A_233 = tpu.vector_load %arg10[%get3A, %get3A_232] {strides = array<i32>} : memref<200x128xf32, #tpu.memory_space<vmem>>, vector<1x16xf32>,
        %get3A_234 = vector.shape_cast %get3A_233 : vector<1x16xf32> to vector<16xf32>
        %swap3A = arith.index_cast %scan3A_231 : i32 to index
        %swap3A_235 = arith.constant 0 : index
        %swap3A_236 = tpu.vector_load %arg12[%swap3A, %swap3A_235] {strides = array<i32>} : memref<200x64xf32, #tpu.memory_space<vmem>>, vector<1x16xf32>,
        %swap3A_237 = vector.shape_cast %swap3A_236 : vector<1x16xf32> to vector<16xf32>
        %swap3A_238 = vector.shape_cast %get3A_234 : vector<16xf32> to vector<1x16xf32>
        tpu.vector_store %arg12[%swap3A, %swap3A_235], %swap3A_238 {strides = array<i32>} : memref<200x64xf32, #tpu.memory_space<vmem>>, vector<1x16xf32>,
        %get3A_239 = arith.index_cast %scan3A_231 : i32 to index
        %get3A_240 = arith.constant 16 : index
        %get3A_241 = tpu.vector_load %arg10[%get3A_239, %get3A_240] {strides = array<i32>} : memref<200x128xf32, #tpu.memory_space<vmem>>, vector<1x16xf32>,
        %get3A_242 = vector.shape_cast %get3A_241 : vector<1x16xf32> to vector<16xf32>
        %swap3A_243 = arith.index_cast %scan3A_231 : i32 to index
        %swap3A_244 = arith.constant 16 : index
        %swap3A_245 = tpu.vector_load %arg12[%swap3A_243, %swap3A_244] {strides = array<i32>} : memref<200x64xf32, #tpu.memory_space<vmem>>, vector<1x16xf32>,
        %swap3A_246 = vector.shape_cast %swap3A_245 : vector<1x16xf32> to vector<16xf32>
        %swap3A_247 = vector.shape_cast %get3A_242 : vector<16xf32> to vector<1x16xf32>
        tpu.vector_store %arg12[%swap3A_243, %swap3A_244], %swap3A_247 {strides = array<i32>} : memref<200x64xf32, #tpu.memory_space<vmem>>, vector<1x16xf32>,
        %get3A_248 = arith.index_cast %scan3A_231 : i32 to index
        %get3A_249 = arith.constant 32 : index
        %get3A_250 = tpu.vector_load %arg10[%get3A_248, %get3A_249] {strides = array<i32>} : memref<200x128xf32, #tpu.memory_space<vmem>>, vector<1x16xf32>,
        %get3A_251 = vector.shape_cast %get3A_250 : vector<1x16xf32> to vector<16xf32>
        %swap3A_252 = arith.index_cast %scan3A_231 : i32 to index
        %swap3A_253 = arith.constant 32 : index
        %swap3A_254 = tpu.vector_load %arg12[%swap3A_252, %swap3A_253] {strides = array<i32>} : memref<200x64xf32, #tpu.memory_space<vmem>>, vector<1x16xf32>,
        %swap3A_255 = vector.shape_cast %swap3A_254 : vector<1x16xf32> to vector<16xf32>
        %swap3A_256 = vector.shape_cast %get3A_251 : vector<16xf32> to vector<1x16xf32>
        tpu.vector_store %arg12[%swap3A_252, %swap3A_253], %swap3A_256 {strides = array<i32>} : memref<200x64xf32, #tpu.memory_space<vmem>>, vector<1x16xf32>,
        %get3A_257 = arith.index_cast %scan3A_231 : i32 to index
        %get3A_258 = arith.constant 48 : index
        %get3A_259 = tpu.vector_load %arg10[%get3A_257, %get3A_258] {strides = array<i32>} : memref<200x128xf32, #tpu.memory_space<vmem>>, vector<1x16xf32>,
        %get3A_260 = vector.shape_cast %get3A_259 : vector<1x16xf32> to vector<16xf32>
        %swap3A_261 = arith.index_cast %scan3A_231 : i32 to index
        %swap3A_262 = arith.constant 48 : index
        %swap3A_263 = tpu.vector_load %arg12[%swap3A_261, %swap3A_262] {strides = array<i32>} : memref<200x64xf32, #tpu.memory_space<vmem>>, vector<1x16xf32>,
        %swap3A_264 = vector.shape_cast %swap3A_263 : vector<1x16xf32> to vector<16xf32>
        %swap3A_265 = vector.shape_cast %get3A_260 : vector<16xf32> to vector<1x16xf32>
        tpu.vector_store %arg12[%swap3A_261, %swap3A_262], %swap3A_265 {strides = array<i32>} : memref<200x64xf32, #tpu.memory_space<vmem>>, vector<1x16xf32>,
        %scan3A_266 = arith.constant 1 : i32
        %scan3A_267 = arith.addi %scan3A_231, %scan3A_266 : i32
        %get3A_268 = arith.index_cast %scan3A_267 : i32 to index
        %get3A_269 = arith.constant 0 : index
        %get3A_270 = tpu.vector_load %arg10[%get3A_268, %get3A_269] {strides = array<i32>} : memref<200x128xf32, #tpu.memory_space<vmem>>, vector<1x16xf32>,
        %get3A_271 = vector.shape_cast %get3A_270 : vector<1x16xf32> to vector<16xf32>
        %swap3A_272 = arith.index_cast %scan3A_267 : i32 to index
        %swap3A_273 = arith.constant 0 : index
        %swap3A_274 = tpu.vector_load %arg12[%swap3A_272, %swap3A_273] {strides = array<i32>} : memref<200x64xf32, #tpu.memory_space<vmem>>, vector<1x16xf32>,
        %swap3A_275 = vector.shape_cast %swap3A_274 : vector<1x16xf32> to vector<16xf32>
        %swap3A_276 = vector.shape_cast %get3A_271 : vector<16xf32> to vector<1x16xf32>
        tpu.vector_store %arg12[%swap3A_272, %swap3A_273], %swap3A_276 {strides = array<i32>} : memref<200x64xf32, #tpu.memory_space<vmem>>, vector<1x16xf32>,
        %get3A_277 = arith.index_cast %scan3A_267 : i32 to index
        %get3A_278 = arith.constant 16 : index
        %get3A_279 = tpu.vector_load %arg10[%get3A_277, %get3A_278] {strides = array<i32>} : memref<200x128xf32, #tpu.memory_space<vmem>>, vector<1x16xf32>,
        %get3A_280 = vector.shape_cast %get3A_279 : vector<1x16xf32> to vector<16xf32>
        %swap3A_281 = arith.index_cast %scan3A_267 : i32 to index
        %swap3A_282 = arith.constant 16 : index
        %swap3A_283 = tpu.vector_load %arg12[%swap3A_281, %swap3A_282] {strides = array<i32>} : memref<200x64xf32, #tpu.memory_space<vmem>>, vector<1x16xf32>,
        %swap3A_284 = vector.shape_cast %swap3A_283 : vector<1x16xf32> to vector<16xf32>
        %swap3A_285 = vector.shape_cast %get3A_280 : vector<16xf32> to vector<1x16xf32>
        tpu.vector_store %arg12[%swap3A_281, %swap3A_282], %swap3A_285 {strides = array<i32>} : memref<200x64xf32, #tpu.memory_space<vmem>>, vector<1x16xf32>,
        %get3A_286 = arith.index_cast %scan3A_267 : i32 to index
        %get3A_287 = arith.constant 32 : index
        %get3A_288 = tpu.vector_load %arg10[%get3A_286, %get3A_287] {strides = array<i32>} : memref<200x128xf32, #tpu.memory_space<vmem>>, vector<1x16xf32>,
        %get3A_289 = vector.shape_cast %get3A_288 : vector<1x16xf32> to vector<16xf32>
        %swap3A_290 = arith.index_cast %scan3A_267 : i32 to index
        %swap3A_291 = arith.constant 32 : index
        %swap3A_292 = tpu.vector_load %arg12[%swap3A_290, %swap3A_291] {strides = array<i32>} : memref<200x64xf32, #tpu.memory_space<vmem>>, vector<1x16xf32>,
        %swap3A_293 = vector.shape_cast %swap3A_292 : vector<1x16xf32> to vector<16xf32>
        %swap3A_294 = vector.shape_cast %get3A_289 : vector<16xf32> to vector<1x16xf32>
        tpu.vector_store %arg12[%swap3A_290, %swap3A_291], %swap3A_294 {strides = array<i32>} : memref<200x64xf32, #tpu.memory_space<vmem>>, vector<1x16xf32>,
        %get3A_295 = arith.index_cast %scan3A_267 : i32 to index
        %get3A_296 = arith.constant 48 : index
        %get3A_297 = tpu.vector_load %arg10[%get3A_295, %get3A_296] {strides = array<i32>} : memref<200x128xf32, #tpu.memory_space<vmem>>, vector<1x16xf32>,
        %get3A_298 = vector.shape_cast %get3A_297 : vector<1x16xf32> to vector<16xf32>
        %swap3A_299 = arith.index_cast %scan3A_267 : i32 to index
        %swap3A_300 = arith.constant 48 : index
        %swap3A_301 = tpu.vector_load %arg12[%swap3A_299, %swap3A_300] {strides = array<i32>} : memref<200x64xf32, #tpu.memory_space<vmem>>, vector<1x16xf32>,
        %swap3A_302 = vector.shape_cast %swap3A_301 : vector<1x16xf32> to vector<16xf32>
        %swap3A_303 = vector.shape_cast %get3A_298 : vector<16xf32> to vector<1x16xf32>
        tpu.vector_store %arg12[%swap3A_299, %swap3A_300], %swap3A_303 {strides = array<i32>} : memref<200x64xf32, #tpu.memory_space<vmem>>, vector<1x16xf32>,
        %scan3A_304 = arith.constant 2 : i32
        %scan3A_305 = arith.addi %scan3A_231, %scan3A_304 : i32
        %get3A_306 = arith.index_cast %scan3A_305 : i32 to index
        %get3A_307 = arith.constant 0 : index
        %get3A_308 = tpu.vector_load %arg10[%get3A_306, %get3A_307] {strides = array<i32>} : memref<200x128xf32, #tpu.memory_space<vmem>>, vector<1x16xf32>,
        %get3A_309 = vector.shape_cast %get3A_308 : vector<1x16xf32> to vector<16xf32>
        %swap3A_310 = arith.index_cast %scan3A_305 : i32 to index
        %swap3A_311 = arith.constant 0 : index
        %swap3A_312 = tpu.vector_load %arg12[%swap3A_310, %swap3A_311] {strides = array<i32>} : memref<200x64xf32, #tpu.memory_space<vmem>>, vector<1x16xf32>,
        %swap3A_313 = vector.shape_cast %swap3A_312 : vector<1x16xf32> to vector<16xf32>
        %swap3A_314 = vector.shape_cast %get3A_309 : vector<16xf32> to vector<1x16xf32>
        tpu.vector_store %arg12[%swap3A_310, %swap3A_311], %swap3A_314 {strides = array<i32>} : memref<200x64xf32, #tpu.memory_space<vmem>>, vector<1x16xf32>,
        %get3A_315 = arith.index_cast %scan3A_305 : i32 to index
        %get3A_316 = arith.constant 16 : index
        %get3A_317 = tpu.vector_load %arg10[%get3A_315, %get3A_316] {strides = array<i32>} : memref<200x128xf32, #tpu.memory_space<vmem>>, vector<1x16xf32>,
        %get3A_318 = vector.shape_cast %get3A_317 : vector<1x16xf32> to vector<16xf32>
        %swap3A_319 = arith.index_cast %scan3A_305 : i32 to index
        %swap3A_320 = arith.constant 16 : index
        %swap3A_321 = tpu.vector_load %arg12[%swap3A_319, %swap3A_320] {strides = array<i32>} : memref<200x64xf32, #tpu.memory_space<vmem>>, vector<1x16xf32>,
        %swap3A_322 = vector.shape_cast %swap3A_321 : vector<1x16xf32> to vector<16xf32>
        %swap3A_323 = vector.shape_cast %get3A_318 : vector<16xf32> to vector<1x16xf32>
        tpu.vector_store %arg12[%swap3A_319, %swap3A_320], %swap3A_323 {strides = array<i32>} : memref<200x64xf32, #tpu.memory_space<vmem>>, vector<1x16xf32>,
        %get3A_324 = arith.index_cast %scan3A_305 : i32 to index
        %get3A_325 = arith.constant 32 : index
        %get3A_326 = tpu.vector_load %arg10[%get3A_324, %get3A_325] {strides = array<i32>} : memref<200x128xf32, #tpu.memory_space<vmem>>, vector<1x16xf32>,
        %get3A_327 = vector.shape_cast %get3A_326 : vector<1x16xf32> to vector<16xf32>
        %swap3A_328 = arith.index_cast %scan3A_305 : i32 to index
        %swap3A_329 = arith.constant 32 : index
        %swap3A_330 = tpu.vector_load %arg12[%swap3A_328, %swap3A_329] {strides = array<i32>} : memref<200x64xf32, #tpu.memory_space<vmem>>, vector<1x16xf32>,
        %swap3A_331 = vector.shape_cast %swap3A_330 : vector<1x16xf32> to vector<16xf32>
        %swap3A_332 = vector.shape_cast %get3A_327 : vector<16xf32> to vector<1x16xf32>
        tpu.vector_store %arg12[%swap3A_328, %swap3A_329], %swap3A_332 {strides = array<i32>} : memref<200x64xf32, #tpu.memory_space<vmem>>, vector<1x16xf32>,
        %get3A_333 = arith.index_cast %scan3A_305 : i32 to index
        %get3A_334 = arith.constant 48 : index
        %get3A_335 = tpu.vector_load %arg10[%get3A_333, %get3A_334] {strides = array<i32>} : memref<200x128xf32, #tpu.memory_space<vmem>>, vector<1x16xf32>,
        %get3A_336 = vector.shape_cast %get3A_335 : vector<1x16xf32> to vector<16xf32>
        %swap3A_337 = arith.index_cast %scan3A_305 : i32 to index
        %swap3A_338 = arith.constant 48 : index
        %swap3A_339 = tpu.vector_load %arg12[%swap3A_337, %swap3A_338] {strides = array<i32>} : memref<200x64xf32, #tpu.memory_space<vmem>>, vector<1x16xf32>,
        %swap3A_340 = vector.shape_cast %swap3A_339 : vector<1x16xf32> to vector<16xf32>
        %swap3A_341 = vector.shape_cast %get3A_336 : vector<16xf32> to vector<1x16xf32>
        tpu.vector_store %arg12[%swap3A_337, %swap3A_338], %swap3A_341 {strides = array<i32>} : memref<200x64xf32, #tpu.memory_space<vmem>>, vector<1x16xf32>,
        %scan3A_342 = arith.constant 3 : i32
        %scan3A_343 = arith.addi %scan3A_231, %scan3A_342 : i32
        %get3A_344 = arith.index_cast %scan3A_343 : i32 to index
        %get3A_345 = arith.constant 0 : index
        %get3A_346 = tpu.vector_load %arg10[%get3A_344, %get3A_345] {strides = array<i32>} : memref<200x128xf32, #tpu.memory_space<vmem>>, vector<1x16xf32>,
        %get3A_347 = vector.shape_cast %get3A_346 : vector<1x16xf32> to vector<16xf32>
        %swap3A_348 = arith.index_cast %scan3A_343 : i32 to index
        %swap3A_349 = arith.constant 0 : index
        %swap3A_350 = tpu.vector_load %arg12[%swap3A_348, %swap3A_349] {strides = array<i32>} : memref<200x64xf32, #tpu.memory_space<vmem>>, vector<1x16xf32>,
        %swap3A_351 = vector.shape_cast %swap3A_350 : vector<1x16xf32> to vector<16xf32>
        %swap3A_352 = vector.shape_cast %get3A_347 : vector<16xf32> to vector<1x16xf32>
        tpu.vector_store %arg12[%swap3A_348, %swap3A_349], %swap3A_352 {strides = array<i32>} : memref<200x64xf32, #tpu.memory_space<vmem>>, vector<1x16xf32>,
        %get3A_353 = arith.index_cast %scan3A_343 : i32 to index
        %get3A_354 = arith.constant 16 : index
        %get3A_355 = tpu.vector_load %arg10[%get3A_353, %get3A_354] {strides = array<i32>} : memref<200x128xf32, #tpu.memory_space<vmem>>, vector<1x16xf32>,
        %get3A_356 = vector.shape_cast %get3A_355 : vector<1x16xf32> to vector<16xf32>
        %swap3A_357 = arith.index_cast %scan3A_343 : i32 to index
        %swap3A_358 = arith.constant 16 : index
        %swap3A_359 = tpu.vector_load %arg12[%swap3A_357, %swap3A_358] {strides = array<i32>} : memref<200x64xf32, #tpu.memory_space<vmem>>, vector<1x16xf32>,
        %swap3A_360 = vector.shape_cast %swap3A_359 : vector<1x16xf32> to vector<16xf32>
        %swap3A_361 = vector.shape_cast %get3A_356 : vector<16xf32> to vector<1x16xf32>
        tpu.vector_store %arg12[%swap3A_357, %swap3A_358], %swap3A_361 {strides = array<i32>} : memref<200x64xf32, #tpu.memory_space<vmem>>, vector<1x16xf32>,
        %get3A_362 = arith.index_cast %scan3A_343 : i32 to index
        %get3A_363 = arith.constant 32 : index
        %get3A_364 = tpu.vector_load %arg10[%get3A_362, %get3A_363] {strides = array<i32>} : memref<200x128xf32, #tpu.memory_space<vmem>>, vector<1x16xf32>,
        %get3A_365 = vector.shape_cast %get3A_364 : vector<1x16xf32> to vector<16xf32>
        %swap3A_366 = arith.index_cast %scan3A_343 : i32 to index
        %swap3A_367 = arith.constant 32 : index
        %swap3A_368 = tpu.vector_load %arg12[%swap3A_366, %swap3A_367] {strides = array<i32>} : memref<200x64xf32, #tpu.memory_space<vmem>>, vector<1x16xf32>,
        %swap3A_369 = vector.shape_cast %swap3A_368 : vector<1x16xf32> to vector<16xf32>
        %swap3A_370 = vector.shape_cast %get3A_365 : vector<16xf32> to vector<1x16xf32>
        tpu.vector_store %arg12[%swap3A_366, %swap3A_367], %swap3A_370 {strides = array<i32>} : memref<200x64xf32, #tpu.memory_space<vmem>>, vector<1x16xf32>,
        %get3A_371 = arith.index_cast %scan3A_343 : i32 to index
        %get3A_372 = arith.constant 48 : index
        %get3A_373 = tpu.vector_load %arg10[%get3A_371, %get3A_372] {strides = array<i32>} : memref<200x128xf32, #tpu.memory_space<vmem>>, vector<1x16xf32>,
        %get3A_374 = vector.shape_cast %get3A_373 : vector<1x16xf32> to vector<16xf32>
        %swap3A_375 = arith.index_cast %scan3A_343 : i32 to index
        %swap3A_376 = arith.constant 48 : index
        %swap3A_377 = tpu.vector_load %arg12[%swap3A_375, %swap3A_376] {strides = array<i32>} : memref<200x64xf32, #tpu.memory_space<vmem>>, vector<1x16xf32>,
        %swap3A_378 = vector.shape_cast %swap3A_377 : vector<1x16xf32> to vector<16xf32>
        %swap3A_379 = vector.shape_cast %get3A_374 : vector<16xf32> to vector<1x16xf32>
        tpu.vector_store %arg12[%swap3A_375, %swap3A_376], %swap3A_379 {strides = array<i32>} : memref<200x64xf32, #tpu.memory_space<vmem>>, vector<1x16xf32>,
        %scan3A_380 = arith.constant 4 : i32
        %scan3A_381 = arith.addi %scan3A_231, %scan3A_380 : i32
        %get3A_382 = arith.index_cast %scan3A_381 : i32 to index
        %get3A_383 = arith.constant 0 : index
        %get3A_384 = tpu.vector_load %arg10[%get3A_382, %get3A_383] {strides = array<i32>} : memref<200x128xf32, #tpu.memory_space<vmem>>, vector<1x16xf32>,
        %get3A_385 = vector.shape_cast %get3A_384 : vector<1x16xf32> to vector<16xf32>
        %swap3A_386 = arith.index_cast %scan3A_381 : i32 to index
        %swap3A_387 = arith.constant 0 : index
        %swap3A_388 = tpu.vector_load %arg12[%swap3A_386, %swap3A_387] {strides = array<i32>} : memref<200x64xf32, #tpu.memory_space<vmem>>, vector<1x16xf32>,
        %swap3A_389 = vector.shape_cast %swap3A_388 : vector<1x16xf32> to vector<16xf32>
        %swap3A_390 = vector.shape_cast %get3A_385 : vector<16xf32> to vector<1x16xf32>
        tpu.vector_store %arg12[%swap3A_386, %swap3A_387], %swap3A_390 {strides = array<i32>} : memref<200x64xf32, #tpu.memory_space<vmem>>, vector<1x16xf32>,
        %get3A_391 = arith.index_cast %scan3A_381 : i32 to index
        %get3A_392 = arith.constant 16 : index
        %get3A_393 = tpu.vector_load %arg10[%get3A_391, %get3A_392] {strides = array<i32>} : memref<200x128xf32, #tpu.memory_space<vmem>>, vector<1x16xf32>,
        %get3A_394 = vector.shape_cast %get3A_393 : vector<1x16xf32> to vector<16xf32>
        %swap3A_395 = arith.index_cast %scan3A_381 : i32 to index
        %swap3A_396 = arith.constant 16 : index
        %swap3A_397 = tpu.vector_load %arg12[%swap3A_395, %swap3A_396] {strides = array<i32>} : memref<200x64xf32, #tpu.memory_space<vmem>>, vector<1x16xf32>,
        %swap3A_398 = vector.shape_cast %swap3A_397 : vector<1x16xf32> to vector<16xf32>
        %swap3A_399 = vector.shape_cast %get3A_394 : vector<16xf32> to vector<1x16xf32>
        tpu.vector_store %arg12[%swap3A_395, %swap3A_396], %swap3A_399 {strides = array<i32>} : memref<200x64xf32, #tpu.memory_space<vmem>>, vector<1x16xf32>,
        %get3A_400 = arith.index_cast %scan3A_381 : i32 to index
        %get3A_401 = arith.constant 32 : index
        %get3A_402 = tpu.vector_load %arg10[%get3A_400, %get3A_401] {strides = array<i32>} : memref<200x128xf32, #tpu.memory_space<vmem>>, vector<1x16xf32>,
        %get3A_403 = vector.shape_cast %get3A_402 : vector<1x16xf32> to vector<16xf32>
        %swap3A_404 = arith.index_cast %scan3A_381 : i32 to index
        %swap3A_405 = arith.constant 32 : index
        %swap3A_406 = tpu.vector_load %arg12[%swap3A_404, %swap3A_405] {strides = array<i32>} : memref<200x64xf32, #tpu.memory_space<vmem>>, vector<1x16xf32>,
        %swap3A_407 = vector.shape_cast %swap3A_406 : vector<1x16xf32> to vector<16xf32>
        %swap3A_408 = vector.shape_cast %get3A_403 : vector<16xf32> to vector<1x16xf32>
        tpu.vector_store %arg12[%swap3A_404, %swap3A_405], %swap3A_408 {strides = array<i32>} : memref<200x64xf32, #tpu.memory_space<vmem>>, vector<1x16xf32>,
        %get3A_409 = arith.index_cast %scan3A_381 : i32 to index
        %get3A_410 = arith.constant 48 : index
        %get3A_411 = tpu.vector_load %arg10[%get3A_409, %get3A_410] {strides = array<i32>} : memref<200x128xf32, #tpu.memory_space<vmem>>, vector<1x16xf32>,
        %get3A_412 = vector.shape_cast %get3A_411 : vector<1x16xf32> to vector<16xf32>
        %swap3A_413 = arith.index_cast %scan3A_381 : i32 to index
        %swap3A_414 = arith.constant 48 : index
        %swap3A_415 = tpu.vector_load %arg12[%swap3A_413, %swap3A_414] {strides = array<i32>} : memref<200x64xf32, #tpu.memory_space<vmem>>, vector<1x16xf32>,
        %swap3A_416 = vector.shape_cast %swap3A_415 : vector<1x16xf32> to vector<16xf32>
        %swap3A_417 = vector.shape_cast %get3A_412 : vector<16xf32> to vector<1x16xf32>
        tpu.vector_store %arg12[%swap3A_413, %swap3A_414], %swap3A_417 {strides = array<i32>} : memref<200x64xf32, #tpu.memory_space<vmem>>, vector<1x16xf32>,
        %scan3A_418 = arith.constant 5 : i32
        %scan3A_419 = arith.addi %scan3A_231, %scan3A_418 : i32
        %get3A_420 = arith.index_cast %scan3A_419 : i32 to index
        %get3A_421 = arith.constant 0 : index
        %get3A_422 = tpu.vector_load %arg10[%get3A_420, %get3A_421] {strides = array<i32>} : memref<200x128xf32, #tpu.memory_space<vmem>>, vector<1x16xf32>,
        %get3A_423 = vector.shape_cast %get3A_422 : vector<1x16xf32> to vector<16xf32>
        %swap3A_424 = arith.index_cast %scan3A_419 : i32 to index
        %swap3A_425 = arith.constant 0 : index
        %swap3A_426 = tpu.vector_load %arg12[%swap3A_424, %swap3A_425] {strides = array<i32>} : memref<200x64xf32, #tpu.memory_space<vmem>>, vector<1x16xf32>,
        %swap3A_427 = vector.shape_cast %swap3A_426 : vector<1x16xf32> to vector<16xf32>
        %swap3A_428 = vector.shape_cast %get3A_423 : vector<16xf32> to vector<1x16xf32>
        tpu.vector_store %arg12[%swap3A_424, %swap3A_425], %swap3A_428 {strides = array<i32>} : memref<200x64xf32, #tpu.memory_space<vmem>>, vector<1x16xf32>,
        %get3A_429 = arith.index_cast %scan3A_419 : i32 to index
        %get3A_430 = arith.constant 16 : index
        %get3A_431 = tpu.vector_load %arg10[%get3A_429, %get3A_430] {strides = array<i32>} : memref<200x128xf32, #tpu.memory_space<vmem>>, vector<1x16xf32>,
        %get3A_432 = vector.shape_cast %get3A_431 : vector<1x16xf32> to vector<16xf32>
        %swap3A_433 = arith.index_cast %scan3A_419 : i32 to index
        %swap3A_434 = arith.constant 16 : index
        %swap3A_435 = tpu.vector_load %arg12[%swap3A_433, %swap3A_434] {strides = array<i32>} : memref<200x64xf32, #tpu.memory_space<vmem>>, vector<1x16xf32>,
        %swap3A_436 = vector.shape_cast %swap3A_435 : vector<1x16xf32> to vector<16xf32>
        %swap3A_437 = vector.shape_cast %get3A_432 : vector<16xf32> to vector<1x16xf32>
        tpu.vector_store %arg12[%swap3A_433, %swap3A_434], %swap3A_437 {strides = array<i32>} : memref<200x64xf32, #tpu.memory_space<vmem>>, vector<1x16xf32>,
        %get3A_438 = arith.index_cast %scan3A_419 : i32 to index
        %get3A_439 = arith.constant 32 : index
        %get3A_440 = tpu.vector_load %arg10[%get3A_438, %get3A_439] {strides = array<i32>} : memref<200x128xf32, #tpu.memory_space<vmem>>, vector<1x16xf32>,
        %get3A_441 = vector.shape_cast %get3A_440 : vector<1x16xf32> to vector<16xf32>
        %swap3A_442 = arith.index_cast %scan3A_419 : i32 to index
        %swap3A_443 = arith.constant 32 : index
        %swap3A_444 = tpu.vector_load %arg12[%swap3A_442, %swap3A_443] {strides = array<i32>} : memref<200x64xf32, #tpu.memory_space<vmem>>, vector<1x16xf32>,
        %swap3A_445 = vector.shape_cast %swap3A_444 : vector<1x16xf32> to vector<16xf32>
        %swap3A_446 = vector.shape_cast %get3A_441 : vector<16xf32> to vector<1x16xf32>
        tpu.vector_store %arg12[%swap3A_442, %swap3A_443], %swap3A_446 {strides = array<i32>} : memref<200x64xf32, #tpu.memory_space<vmem>>, vector<1x16xf32>,
        %get3A_447 = arith.index_cast %scan3A_419 : i32 to index
        %get3A_448 = arith.constant 48 : index
        %get3A_449 = tpu.vector_load %arg10[%get3A_447, %get3A_448] {strides = array<i32>} : memref<200x128xf32, #tpu.memory_space<vmem>>, vector<1x16xf32>,
        %get3A_450 = vector.shape_cast %get3A_449 : vector<1x16xf32> to vector<16xf32>
        %swap3A_451 = arith.index_cast %scan3A_419 : i32 to index
        %swap3A_452 = arith.constant 48 : index
        %swap3A_453 = tpu.vector_load %arg12[%swap3A_451, %swap3A_452] {strides = array<i32>} : memref<200x64xf32, #tpu.memory_space<vmem>>, vector<1x16xf32>,
        %swap3A_454 = vector.shape_cast %swap3A_453 : vector<1x16xf32> to vector<16xf32>
        %swap3A_455 = vector.shape_cast %get3A_450 : vector<16xf32> to vector<1x16xf32>
        tpu.vector_store %arg12[%swap3A_451, %swap3A_452], %swap3A_455 {strides = array<i32>} : memref<200x64xf32, #tpu.memory_space<vmem>>, vector<1x16xf32>,
        %scan3A_456 = arith.constant 6 : i32
        %scan3A_457 = arith.addi %scan3A_231, %scan3A_456 : i32
        %get3A_458 = arith.index_cast %scan3A_457 : i32 to index
        %get3A_459 = arith.constant 0 : index
        %get3A_460 = tpu.vector_load %arg10[%get3A_458, %get3A_459] {strides = array<i32>} : memref<200x128xf32, #tpu.memory_space<vmem>>, vector<1x16xf32>,
        %get3A_461 = vector.shape_cast %get3A_460 : vector<1x16xf32> to vector<16xf32>
        %swap3A_462 = arith.index_cast %scan3A_457 : i32 to index
        %swap3A_463 = arith.constant 0 : index
        %swap3A_464 = tpu.vector_load %arg12[%swap3A_462, %swap3A_463] {strides = array<i32>} : memref<200x64xf32, #tpu.memory_space<vmem>>, vector<1x16xf32>,
        %swap3A_465 = vector.shape_cast %swap3A_464 : vector<1x16xf32> to vector<16xf32>
        %swap3A_466 = vector.shape_cast %get3A_461 : vector<16xf32> to vector<1x16xf32>
        tpu.vector_store %arg12[%swap3A_462, %swap3A_463], %swap3A_466 {strides = array<i32>} : memref<200x64xf32, #tpu.memory_space<vmem>>, vector<1x16xf32>,
        %get3A_467 = arith.index_cast %scan3A_457 : i32 to index
        %get3A_468 = arith.constant 16 : index
        %get3A_469 = tpu.vector_load %arg10[%get3A_467, %get3A_468] {strides = array<i32>} : memref<200x128xf32, #tpu.memory_space<vmem>>, vector<1x16xf32>,
        %get3A_470 = vector.shape_cast %get3A_469 : vector<1x16xf32> to vector<16xf32>
        %swap3A_471 = arith.index_cast %scan3A_457 : i32 to index
        %swap3A_472 = arith.constant 16 : index
        %swap3A_473 = tpu.vector_load %arg12[%swap3A_471, %swap3A_472] {strides = array<i32>} : memref<200x64xf32, #tpu.memory_space<vmem>>, vector<1x16xf32>,
        %swap3A_474 = vector.shape_cast %swap3A_473 : vector<1x16xf32> to vector<16xf32>
        %swap3A_475 = vector.shape_cast %get3A_470 : vector<16xf32> to vector<1x16xf32>
        tpu.vector_store %arg12[%swap3A_471, %swap3A_472], %swap3A_475 {strides = array<i32>} : memref<200x64xf32, #tpu.memory_space<vmem>>, vector<1x16xf32>,
        %get3A_476 = arith.index_cast %scan3A_457 : i32 to index
        %get3A_477 = arith.constant 32 : index
        %get3A_478 = tpu.vector_load %arg10[%get3A_476, %get3A_477] {strides = array<i32>} : memref<200x128xf32, #tpu.memory_space<vmem>>, vector<1x16xf32>,
        %get3A_479 = vector.shape_cast %get3A_478 : vector<1x16xf32> to vector<16xf32>
        %swap3A_480 = arith.index_cast %scan3A_457 : i32 to index
        %swap3A_481 = arith.constant 32 : index
        %swap3A_482 = tpu.vector_load %arg12[%swap3A_480, %swap3A_481] {strides = array<i32>} : memref<200x64xf32, #tpu.memory_space<vmem>>, vector<1x16xf32>,
        %swap3A_483 = vector.shape_cast %swap3A_482 : vector<1x16xf32> to vector<16xf32>
        %swap3A_484 = vector.shape_cast %get3A_479 : vector<16xf32> to vector<1x16xf32>
        tpu.vector_store %arg12[%swap3A_480, %swap3A_481], %swap3A_484 {strides = array<i32>} : memref<200x64xf32, #tpu.memory_space<vmem>>, vector<1x16xf32>,
        %get3A_485 = arith.index_cast %scan3A_457 : i32 to index
        %get3A_486 = arith.constant 48 : index
        %get3A_487 = tpu.vector_load %arg10[%get3A_485, %get3A_486] {strides = array<i32>} : memref<200x128xf32, #tpu.memory_space<vmem>>, vector<1x16xf32>,
        %get3A_488 = vector.shape_cast %get3A_487 : vector<1x16xf32> to vector<16xf32>
        %swap3A_489 = arith.index_cast %scan3A_457 : i32 to index
        %swap3A_490 = arith.constant 48 : index
        %swap3A_491 = tpu.vector_load %arg12[%swap3A_489, %swap3A_490] {strides = array<i32>} : memref<200x64xf32, #tpu.memory_space<vmem>>, vector<1x16xf32>,
        %swap3A_492 = vector.shape_cast %swap3A_491 : vector<1x16xf32> to vector<16xf32>
        %swap3A_493 = vector.shape_cast %get3A_488 : vector<16xf32> to vector<1x16xf32>
        tpu.vector_store %arg12[%swap3A_489, %swap3A_490], %swap3A_493 {strides = array<i32>} : memref<200x64xf32, #tpu.memory_space<vmem>>, vector<1x16xf32>,
        %scan3A_494 = arith.constant 7 : i32
        %scan3A_495 = arith.addi %scan3A_231, %scan3A_494 : i32
        %get3A_496 = arith.index_cast %scan3A_495 : i32 to index
        %get3A_497 = arith.constant 0 : index
        %get3A_498 = tpu.vector_load %arg10[%get3A_496, %get3A_497] {strides = array<i32>} : memref<200x128xf32, #tpu.memory_space<vmem>>, vector<1x16xf32>,
        %get3A_499 = vector.shape_cast %get3A_498 : vector<1x16xf32> to vector<16xf32>
        %swap3A_500 = arith.index_cast %scan3A_495 : i32 to index
        %swap3A_501 = arith.constant 0 : index
        %swap3A_502 = tpu.vector_load %arg12[%swap3A_500, %swap3A_501] {strides = array<i32>} : memref<200x64xf32, #tpu.memory_space<vmem>>, vector<1x16xf32>,
        %swap3A_503 = vector.shape_cast %swap3A_502 : vector<1x16xf32> to vector<16xf32>
        %swap3A_504 = vector.shape_cast %get3A_499 : vector<16xf32> to vector<1x16xf32>
        tpu.vector_store %arg12[%swap3A_500, %swap3A_501], %swap3A_504 {strides = array<i32>} : memref<200x64xf32, #tpu.memory_space<vmem>>, vector<1x16xf32>,
        %get3A_505 = arith.index_cast %scan3A_495 : i32 to index
        %get3A_506 = arith.constant 16 : index
        %get3A_507 = tpu.vector_load %arg10[%get3A_505, %get3A_506] {strides = array<i32>} : memref<200x128xf32, #tpu.memory_space<vmem>>, vector<1x16xf32>,
        %get3A_508 = vector.shape_cast %get3A_507 : vector<1x16xf32> to vector<16xf32>
        %swap3A_509 = arith.index_cast %scan3A_495 : i32 to index
        %swap3A_510 = arith.constant 16 : index
        %swap3A_511 = tpu.vector_load %arg12[%swap3A_509, %swap3A_510] {strides = array<i32>} : memref<200x64xf32, #tpu.memory_space<vmem>>, vector<1x16xf32>,
        %swap3A_512 = vector.shape_cast %swap3A_511 : vector<1x16xf32> to vector<16xf32>
        %swap3A_513 = vector.shape_cast %get3A_508 : vector<16xf32> to vector<1x16xf32>
        tpu.vector_store %arg12[%swap3A_509, %swap3A_510], %swap3A_513 {strides = array<i32>} : memref<200x64xf32, #tpu.memory_space<vmem>>, vector<1x16xf32>,
        %get3A_514 = arith.index_cast %scan3A_495 : i32 to index
        %get3A_515 = arith.constant 32 : index
        %get3A_516 = tpu.vector_load %arg10[%get3A_514, %get3A_515] {strides = array<i32>} : memref<200x128xf32, #tpu.memory_space<vmem>>, vector<1x16xf32>,
        %get3A_517 = vector.shape_cast %get3A_516 : vector<1x16xf32> to vector<16xf32>
        %swap3A_518 = arith.index_cast %scan3A_495 : i32 to index
        %swap3A_519 = arith.constant 32 : index
        %swap3A_520 = tpu.vector_load %arg12[%swap3A_518, %swap3A_519] {strides = array<i32>} : memref<200x64xf32, #tpu.memory_space<vmem>>, vector<1x16xf32>,
        %swap3A_521 = vector.shape_cast %swap3A_520 : vector<1x16xf32> to vector<16xf32>
        %swap3A_522 = vector.shape_cast %get3A_517 : vector<16xf32> to vector<1x16xf32>
        tpu.vector_store %arg12[%swap3A_518, %swap3A_519], %swap3A_522 {strides = array<i32>} : memref<200x64xf32, #tpu.memory_space<vmem>>, vector<1x16xf32>,
        %get3A_523 = arith.index_cast %scan3A_495 : i32 to index
        %get3A_524 = arith.constant 48 : index
        %get3A_525 = tpu.vector_load %arg10[%get3A_523, %get3A_524] {strides = array<i32>} : memref<200x128xf32, #tpu.memory_space<vmem>>, vector<1x16xf32>,
        %get3A_526 = vector.shape_cast %get3A_525 : vector<1x16xf32> to vector<16xf32>
        %swap3A_527 = arith.index_cast %scan3A_495 : i32 to index
        %swap3A_528 = arith.constant 48 : index
        %swap3A_529 = tpu.vector_load %arg12[%swap3A_527, %swap3A_528] {strides = array<i32>} : memref<200x64xf32, #tpu.memory_space<vmem>>, vector<1x16xf32>,
        %swap3A_530 = vector.shape_cast %swap3A_529 : vector<1x16xf32> to vector<16xf32>
        %swap3A_531 = vector.shape_cast %get3A_526 : vector<16xf32> to vector<1x16xf32>
        tpu.vector_store %arg12[%swap3A_527, %swap3A_528], %swap3A_531 {strides = array<i32>} : memref<200x64xf32, #tpu.memory_space<vmem>>, vector<1x16xf32>,
      }
      %scan3A_117 = arith.constant 200 : i32
      %mul3A_118 = arith.constant 200 : i32
      %mul3A_119 = arith.muli %add3A_108, %mul3A_118 : i32
      %add3A_120 = arith.addi %mul3A_2, %mul3A_119 : i32
      %multiple_of3A_121 = tpu.assume_multiple %add3A_120, 8 : i32
      %dma_start3A_122 = arith.constant 0 : i32
      %dma_start3A_123 = tpu.memref_slice %arg4[%multiple_of3A_121, %dma_start3A_122] : memref<819200x64xf32, #tpu.memory_space<hbm>> -> memref<200x64xf32, #tpu.memory_space<hbm>>
      %dma_start3A_124 = arith.constant 0 : i32
      %dma_start3A_125 = tpu.memref_slice %arg4[%multiple_of3A_121, %dma_start3A_124] : memref<819200x64xf32, #tpu.memory_space<hbm>> -> memref<200x64xf32, #tpu.memory_space<hbm>>
      tpu.enqueue_dma source(%arg12 : memref<200x64xf32, #tpu.memory_space<vmem>>) target(%dma_start3A_125 : memref<200x64xf32, #tpu.memory_space<hbm>>) target_semaphore(%arg20 : memref<!tpu.dma_semaphore, #tpu.memory_space<semaphore_mem>>)
      %add3A_126 = arith.constant 2 : i32
      %add3A_127 = arith.addi %mul3A_41, %add3A_126 : i32
      %lt3A = arith.constant 64 : i32
      %lt3A_128 = arith.cmpi slt, %add3A_127, %lt3A : i32
      %convert_element_type3A_129 = arith.extui %lt3A_128 : i1 to i32
      %cond3A_130 = arith.constant 0 : i32
      %cond3A_131 = arith.cmpi ne, %convert_element_type3A_129, %cond3A_130 : i32
      scf.if %cond3A_131 {
        %add3A_231 = arith.constant 2 : i32
        %add3A_232 = arith.addi %mul3A_41, %add3A_231 : i32
        %mul3A_233 = arith.constant 2 : i32
        %mul3A_234 = arith.muli %mul3A_233, %add3A_232 : i32
        %add3A_235 = arith.constant 0 : i32
        %add3A_236 = arith.addi %mul3A_234, %add3A_235 : i32
        %mul3A_237 = arith.constant 200 : i32
        %mul3A_238 = arith.muli %add3A_236, %mul3A_237 : i32
        %add3A_239 = arith.addi %mul3A_2, %mul3A_238 : i32
        %multiple_of3A_240 = tpu.assume_multiple %add3A_239, 8 : i32
        %dma_start3A_241 = tpu.memref_slice %arg3[%multiple_of3A_240] : memref<819200xi32, #tpu.memory_space<hbm>> -> memref<200xi32, #tpu.memory_space<hbm>>
        %dma_start3A_242 = tpu.memref_slice %arg3[%multiple_of3A_240] : memref<819200xi32, #tpu.memory_space<hbm>> -> memref<200xi32, #tpu.memory_space<hbm>>
        tpu.enqueue_dma source(%dma_start3A_242 : memref<200xi32, #tpu.memory_space<hbm>>) target(%arg5 : memref<200xi32, #tpu.memory_space<vmem>>) target_semaphore(%arg13 : memref<!tpu.dma_semaphore, #tpu.memory_space<semaphore_mem>>)
        %add3A_243 = arith.constant 2 : i32
        %add3A_244 = arith.addi %mul3A_41, %add3A_243 : i32
        %mul3A_245 = arith.constant 2 : i32
        %mul3A_246 = arith.muli %mul3A_245, %add3A_244 : i32
        %add3A_247 = arith.constant 1 : i32
        %add3A_248 = arith.addi %mul3A_246, %add3A_247 : i32
        %mul3A_249 = arith.constant 200 : i32
        %mul3A_250 = arith.muli %add3A_248, %mul3A_249 : i32
        %add3A_251 = arith.addi %mul3A_2, %mul3A_250 : i32
        %multiple_of3A_252 = tpu.assume_multiple %add3A_251, 8 : i32
        %dma_start3A_253 = tpu.memref_slice %arg3[%multiple_of3A_252] : memref<819200xi32, #tpu.memory_space<hbm>> -> memref<200xi32, #tpu.memory_space<hbm>>
        %dma_start3A_254 = tpu.memref_slice %arg3[%multiple_of3A_252] : memref<819200xi32, #tpu.memory_space<hbm>> -> memref<200xi32, #tpu.memory_space<hbm>>
        tpu.enqueue_dma source(%dma_start3A_254 : memref<200xi32, #tpu.memory_space<hbm>>) target(%arg6 : memref<200xi32, #tpu.memory_space<vmem>>) target_semaphore(%arg14 : memref<!tpu.dma_semaphore, #tpu.memory_space<semaphore_mem>>)
      } else {
      }
      %mul3A_132 = arith.constant 2 : i32
      %mul3A_133 = arith.muli %mul3A_132, %scan3A_39 : i32
      %add3A_134 = arith.constant 1 : i32
      %add3A_135 = arith.addi %mul3A_133, %add3A_134 : i32
      %mul3A_136 = arith.constant 2 : i32
      %mul3A_137 = arith.muli %mul3A_136, %add3A_135 : i32
      %add3A_138 = arith.constant 0 : i32
      %add3A_139 = arith.addi %mul3A_137, %add3A_138 : i32
      %not3A_140 = arith.constant false
      %not3A_141 = arith.constant true
      %not3A_142 = arith.xori %not3A_140, %not3A_141 : i1
      %convert_element_type3A_143 = arith.extui %not3A_142 : i1 to i32
      %cond3A_144 = arith.constant 0 : i32
      %cond3A_145 = arith.cmpi ne, %convert_element_type3A_143, %cond3A_144 : i32
      scf.if %cond3A_145 {
        %mul3A_231 = arith.constant 200 : i32
        %mul3A_232 = arith.muli %add3A_139, %mul3A_231 : i32
        %add3A_233 = arith.addi %mul3A_2, %mul3A_232 : i32
        %multiple_of3A_234 = tpu.assume_multiple %add3A_233, 8 : i32
        %dma_wait3A_235 = arith.constant 0 : i32
        %dma_wait3A_236 = tpu.memref_slice %arg4[%multiple_of3A_234, %dma_wait3A_235] : memref<819200x64xf32, #tpu.memory_space<hbm>> -> memref<200x64xf32, #tpu.memory_space<hbm>>
        %dma_wait3A_237 = arith.constant 0 : i32
        %dma_wait3A_238 = tpu.memref_slice %arg4[%multiple_of3A_234, %dma_wait3A_237] : memref<819200x64xf32, #tpu.memory_space<hbm>> -> memref<200x64xf32, #tpu.memory_space<hbm>>
        tpu.wait_dma2 semaphore(%arg19 : memref<!tpu.dma_semaphore, #tpu.memory_space<semaphore_mem>>) src(%arg11 : memref<200x64xf32, #tpu.memory_space<vmem>>) dst(%dma_wait3A_238 : memref<200x64xf32, #tpu.memory_space<hbm>>)
      } else {
      }
      %mul3A_146 = arith.constant 2 : i32
      %mul3A_147 = arith.muli %mul3A_146, %add3A_135 : i32
      %add3A_148 = arith.constant 0 : i32
      %add3A_149 = arith.addi %mul3A_147, %add3A_148 : i32
      %mul3A_150 = arith.constant 200 : i32
      %mul3A_151 = arith.muli %add3A_149, %mul3A_150 : i32
      %add3A_152 = arith.addi %mul3A_2, %mul3A_151 : i32
      %multiple_of3A_153 = tpu.assume_multiple %add3A_152, 8 : i32
      %dma_wait3A_154 = tpu.memref_slice %arg3[%multiple_of3A_153] : memref<819200xi32, #tpu.memory_space<hbm>> -> memref<200xi32, #tpu.memory_space<hbm>>
      %dma_wait3A_155 = tpu.memref_slice %arg3[%multiple_of3A_153] : memref<819200xi32, #tpu.memory_space<hbm>> -> memref<200xi32, #tpu.memory_space<hbm>>
      tpu.wait_dma2 semaphore(%arg15 : memref<!tpu.dma_semaphore, #tpu.memory_space<semaphore_mem>>) src(%dma_wait3A_155 : memref<200xi32, #tpu.memory_space<hbm>>) dst(%arg7 : memref<200xi32, #tpu.memory_space<vmem>>)
      %dma_start3A_156 = arith.constant 0 : i32
      %dma_start3A_157 = arith.constant 0 : i32
      %dma_start3A_158 = tpu.memref_slice %arg2[%dma_start3A_156, %dma_start3A_157] : memref<1000000x128xf32, #tpu.memory_space<hbm>> -> memref<1000000x128xf32, #tpu.memory_space<hbm>>
      tpu.enqueue_indirect_dma source(%dma_start3A_158 : memref<1000000x128xf32, #tpu.memory_space<hbm>>) target(%arg9 : memref<200x128xf32, #tpu.memory_space<vmem>>) offsets(%arg7 : memref<200xi32, #tpu.memory_space<vmem>>) semaphore(%arg17 : memref<!tpu.dma_semaphore, #tpu.memory_space<semaphore_mem>>)
      %mul3A_159 = arith.constant 2 : i32
      %mul3A_160 = arith.muli %mul3A_159, %add3A_135 : i32
      %add3A_161 = arith.constant 1 : i32
      %add3A_162 = arith.addi %mul3A_160, %add3A_161 : i32
      %not3A_163 = arith.constant false
      %not3A_164 = arith.constant true
      %not3A_165 = arith.xori %not3A_163, %not3A_164 : i1
      %convert_element_type3A_166 = arith.extui %not3A_165 : i1 to i32
      %cond3A_167 = arith.constant 0 : i32
      %cond3A_168 = arith.cmpi ne, %convert_element_type3A_166, %cond3A_167 : i32
      scf.if %cond3A_168 {
        %mul3A_231 = arith.constant 200 : i32
        %mul3A_232 = arith.muli %add3A_162, %mul3A_231 : i32
        %add3A_233 = arith.addi %mul3A_2, %mul3A_232 : i32
        %multiple_of3A_234 = tpu.assume_multiple %add3A_233, 8 : i32
        %dma_wait3A_235 = arith.constant 0 : i32
        %dma_wait3A_236 = tpu.memref_slice %arg4[%multiple_of3A_234, %dma_wait3A_235] : memref<819200x64xf32, #tpu.memory_space<hbm>> -> memref<200x64xf32, #tpu.memory_space<hbm>>
        %dma_wait3A_237 = arith.constant 0 : i32
        %dma_wait3A_238 = tpu.memref_slice %arg4[%multiple_of3A_234, %dma_wait3A_237] : memref<819200x64xf32, #tpu.memory_space<hbm>> -> memref<200x64xf32, #tpu.memory_space<hbm>>
        tpu.wait_dma2 semaphore(%arg20 : memref<!tpu.dma_semaphore, #tpu.memory_space<semaphore_mem>>) src(%arg12 : memref<200x64xf32, #tpu.memory_space<vmem>>) dst(%dma_wait3A_238 : memref<200x64xf32, #tpu.memory_space<hbm>>)
      } else {
      }
      %mul3A_169 = arith.constant 2 : i32
      %mul3A_170 = arith.muli %mul3A_169, %add3A_135 : i32
      %add3A_171 = arith.constant 1 : i32
      %add3A_172 = arith.addi %mul3A_170, %add3A_171 : i32
      %mul3A_173 = arith.constant 200 : i32
      %mul3A_174 = arith.muli %add3A_172, %mul3A_173 : i32
      %add3A_175 = arith.addi %mul3A_2, %mul3A_174 : i32
      %multiple_of3A_176 = tpu.assume_multiple %add3A_175, 8 : i32
      %dma_wait3A_177 = tpu.memref_slice %arg3[%multiple_of3A_176] : memref<819200xi32, #tpu.memory_space<hbm>> -> memref<200xi32, #tpu.memory_space<hbm>>
      %dma_wait3A_178 = tpu.memref_slice %arg3[%multiple_of3A_176] : memref<819200xi32, #tpu.memory_space<hbm>> -> memref<200xi32, #tpu.memory_space<hbm>>
      tpu.wait_dma2 semaphore(%arg16 : memref<!tpu.dma_semaphore, #tpu.memory_space<semaphore_mem>>) src(%dma_wait3A_178 : memref<200xi32, #tpu.memory_space<hbm>>) dst(%arg8 : memref<200xi32, #tpu.memory_space<vmem>>)
      %dma_start3A_179 = arith.constant 0 : i32
      %dma_start3A_180 = arith.constant 0 : i32
      %dma_start3A_181 = tpu.memref_slice %arg2[%dma_start3A_179, %dma_start3A_180] : memref<1000000x128xf32, #tpu.memory_space<hbm>> -> memref<1000000x128xf32, #tpu.memory_space<hbm>>
      tpu.enqueue_indirect_dma source(%dma_start3A_181 : memref<1000000x128xf32, #tpu.memory_space<hbm>>) target(%arg10 : memref<200x128xf32, #tpu.memory_space<vmem>>) offsets(%arg8 : memref<200xi32, #tpu.memory_space<vmem>>) semaphore(%arg18 : memref<!tpu.dma_semaphore, #tpu.memory_space<semaphore_mem>>)
      %mul3A_182 = arith.constant 2 : i32
      %mul3A_183 = arith.muli %mul3A_182, %add3A_135 : i32
      %add3A_184 = arith.constant 0 : i32
      %add3A_185 = arith.addi %mul3A_183, %add3A_184 : i32
      %dma_wait3A_186 = arith.constant 0 : i32
      %dma_wait3A_187 = arith.constant 0 : i32
      %dma_wait3A_188 = tpu.memref_slice %arg2[%dma_wait3A_186, %dma_wait3A_187] : memref<1000000x128xf32, #tpu.memory_space<hbm>> -> memref<1000000x128xf32, #tpu.memory_space<hbm>>
      tpu.wait_indirect_dma semaphore(%arg17 : memref<!tpu.dma_semaphore, #tpu.memory_space<semaphore_mem>>) src(%dma_wait3A_188 : memref<1000000x128xf32, #tpu.memory_space<hbm>>) dst(%arg9 : memref<200x128xf32, #tpu.memory_space<vmem>>)
      %scan3A_189 = arith.constant 0 : i32
      %scan3A_190 = arith.constant 0 : i32
      %scan3A_191 = arith.constant 200 : i32
      %scan3A_192 = arith.addi %scan3A_190, %scan3A_191 : i32
      %scan3A_193 = arith.constant 8 : i32
      scf.for %scan3A_231 = %scan3A_190 to %scan3A_192 step %scan3A_193  : i32 {
        %get3A = arith.index_cast %scan3A_231 : i32 to index
        %get3A_232 = arith.constant 0 : index
        %get3A_233 = tpu.vector_load %arg9[%get3A, %get3A_232] {strides = array<i32>} : memref<200x128xf32, #tpu.memory_space<vmem>>, vector<1x16xf32>,
        %get3A_234 = vector.shape_cast %get3A_233 : vector<1x16xf32> to vector<16xf32>
        %swap3A = arith.index_cast %scan3A_231 : i32 to index
        %swap3A_235 = arith.constant 0 : index
        %swap3A_236 = tpu.vector_load %arg11[%swap3A, %swap3A_235] {strides = array<i32>} : memref<200x64xf32, #tpu.memory_space<vmem>>, vector<1x16xf32>,
        %swap3A_237 = vector.shape_cast %swap3A_236 : vector<1x16xf32> to vector<16xf32>
        %swap3A_238 = vector.shape_cast %get3A_234 : vector<16xf32> to vector<1x16xf32>
        tpu.vector_store %arg11[%swap3A, %swap3A_235], %swap3A_238 {strides = array<i32>} : memref<200x64xf32, #tpu.memory_space<vmem>>, vector<1x16xf32>,
        %get3A_239 = arith.index_cast %scan3A_231 : i32 to index
        %get3A_240 = arith.constant 16 : index
        %get3A_241 = tpu.vector_load %arg9[%get3A_239, %get3A_240] {strides = array<i32>} : memref<200x128xf32, #tpu.memory_space<vmem>>, vector<1x16xf32>,
        %get3A_242 = vector.shape_cast %get3A_241 : vector<1x16xf32> to vector<16xf32>
        %swap3A_243 = arith.index_cast %scan3A_231 : i32 to index
        %swap3A_244 = arith.constant 16 : index
        %swap3A_245 = tpu.vector_load %arg11[%swap3A_243, %swap3A_244] {strides = array<i32>} : memref<200x64xf32, #tpu.memory_space<vmem>>, vector<1x16xf32>,
        %swap3A_246 = vector.shape_cast %swap3A_245 : vector<1x16xf32> to vector<16xf32>
        %swap3A_247 = vector.shape_cast %get3A_242 : vector<16xf32> to vector<1x16xf32>
        tpu.vector_store %arg11[%swap3A_243, %swap3A_244], %swap3A_247 {strides = array<i32>} : memref<200x64xf32, #tpu.memory_space<vmem>>, vector<1x16xf32>,
        %get3A_248 = arith.index_cast %scan3A_231 : i32 to index
        %get3A_249 = arith.constant 32 : index
        %get3A_250 = tpu.vector_load %arg9[%get3A_248, %get3A_249] {strides = array<i32>} : memref<200x128xf32, #tpu.memory_space<vmem>>, vector<1x16xf32>,
        %get3A_251 = vector.shape_cast %get3A_250 : vector<1x16xf32> to vector<16xf32>
        %swap3A_252 = arith.index_cast %scan3A_231 : i32 to index
        %swap3A_253 = arith.constant 32 : index
        %swap3A_254 = tpu.vector_load %arg11[%swap3A_252, %swap3A_253] {strides = array<i32>} : memref<200x64xf32, #tpu.memory_space<vmem>>, vector<1x16xf32>,
        %swap3A_255 = vector.shape_cast %swap3A_254 : vector<1x16xf32> to vector<16xf32>
        %swap3A_256 = vector.shape_cast %get3A_251 : vector<16xf32> to vector<1x16xf32>
        tpu.vector_store %arg11[%swap3A_252, %swap3A_253], %swap3A_256 {strides = array<i32>} : memref<200x64xf32, #tpu.memory_space<vmem>>, vector<1x16xf32>,
        %get3A_257 = arith.index_cast %scan3A_231 : i32 to index
        %get3A_258 = arith.constant 48 : index
        %get3A_259 = tpu.vector_load %arg9[%get3A_257, %get3A_258] {strides = array<i32>} : memref<200x128xf32, #tpu.memory_space<vmem>>, vector<1x16xf32>,
        %get3A_260 = vector.shape_cast %get3A_259 : vector<1x16xf32> to vector<16xf32>
        %swap3A_261 = arith.index_cast %scan3A_231 : i32 to index
        %swap3A_262 = arith.constant 48 : index
        %swap3A_263 = tpu.vector_load %arg11[%swap3A_261, %swap3A_262] {strides = array<i32>} : memref<200x64xf32, #tpu.memory_space<vmem>>, vector<1x16xf32>,
        %swap3A_264 = vector.shape_cast %swap3A_263 : vector<1x16xf32> to vector<16xf32>
        %swap3A_265 = vector.shape_cast %get3A_260 : vector<16xf32> to vector<1x16xf32>
        tpu.vector_store %arg11[%swap3A_261, %swap3A_262], %swap3A_265 {strides = array<i32>} : memref<200x64xf32, #tpu.memory_space<vmem>>, vector<1x16xf32>,
        %scan3A_266 = arith.constant 1 : i32
        %scan3A_267 = arith.addi %scan3A_231, %scan3A_266 : i32
        %get3A_268 = arith.index_cast %scan3A_267 : i32 to index
        %get3A_269 = arith.constant 0 : index
        %get3A_270 = tpu.vector_load %arg9[%get3A_268, %get3A_269] {strides = array<i32>} : memref<200x128xf32, #tpu.memory_space<vmem>>, vector<1x16xf32>,
        %get3A_271 = vector.shape_cast %get3A_270 : vector<1x16xf32> to vector<16xf32>
        %swap3A_272 = arith.index_cast %scan3A_267 : i32 to index
        %swap3A_273 = arith.constant 0 : index
        %swap3A_274 = tpu.vector_load %arg11[%swap3A_272, %swap3A_273] {strides = array<i32>} : memref<200x64xf32, #tpu.memory_space<vmem>>, vector<1x16xf32>,
        %swap3A_275 = vector.shape_cast %swap3A_274 : vector<1x16xf32> to vector<16xf32>
        %swap3A_276 = vector.shape_cast %get3A_271 : vector<16xf32> to vector<1x16xf32>
        tpu.vector_store %arg11[%swap3A_272, %swap3A_273], %swap3A_276 {strides = array<i32>} : memref<200x64xf32, #tpu.memory_space<vmem>>, vector<1x16xf32>,
        %get3A_277 = arith.index_cast %scan3A_267 : i32 to index
        %get3A_278 = arith.constant 16 : index
        %get3A_279 = tpu.vector_load %arg9[%get3A_277, %get3A_278] {strides = array<i32>} : memref<200x128xf32, #tpu.memory_space<vmem>>, vector<1x16xf32>,
        %get3A_280 = vector.shape_cast %get3A_279 : vector<1x16xf32> to vector<16xf32>
        %swap3A_281 = arith.index_cast %scan3A_267 : i32 to index
        %swap3A_282 = arith.constant 16 : index
        %swap3A_283 = tpu.vector_load %arg11[%swap3A_281, %swap3A_282] {strides = array<i32>} : memref<200x64xf32, #tpu.memory_space<vmem>>, vector<1x16xf32>,
        %swap3A_284 = vector.shape_cast %swap3A_283 : vector<1x16xf32> to vector<16xf32>
        %swap3A_285 = vector.shape_cast %get3A_280 : vector<16xf32> to vector<1x16xf32>
        tpu.vector_store %arg11[%swap3A_281, %swap3A_282], %swap3A_285 {strides = array<i32>} : memref<200x64xf32, #tpu.memory_space<vmem>>, vector<1x16xf32>,
        %get3A_286 = arith.index_cast %scan3A_267 : i32 to index
        %get3A_287 = arith.constant 32 : index
        %get3A_288 = tpu.vector_load %arg9[%get3A_286, %get3A_287] {strides = array<i32>} : memref<200x128xf32, #tpu.memory_space<vmem>>, vector<1x16xf32>,
        %get3A_289 = vector.shape_cast %get3A_288 : vector<1x16xf32> to vector<16xf32>
        %swap3A_290 = arith.index_cast %scan3A_267 : i32 to index
        %swap3A_291 = arith.constant 32 : index
        %swap3A_292 = tpu.vector_load %arg11[%swap3A_290, %swap3A_291] {strides = array<i32>} : memref<200x64xf32, #tpu.memory_space<vmem>>, vector<1x16xf32>,
        %swap3A_293 = vector.shape_cast %swap3A_292 : vector<1x16xf32> to vector<16xf32>
        %swap3A_294 = vector.shape_cast %get3A_289 : vector<16xf32> to vector<1x16xf32>
        tpu.vector_store %arg11[%swap3A_290, %swap3A_291], %swap3A_294 {strides = array<i32>} : memref<200x64xf32, #tpu.memory_space<vmem>>, vector<1x16xf32>,
        %get3A_295 = arith.index_cast %scan3A_267 : i32 to index
        %get3A_296 = arith.constant 48 : index
        %get3A_297 = tpu.vector_load %arg9[%get3A_295, %get3A_296] {strides = array<i32>} : memref<200x128xf32, #tpu.memory_space<vmem>>, vector<1x16xf32>,
        %get3A_298 = vector.shape_cast %get3A_297 : vector<1x16xf32> to vector<16xf32>
        %swap3A_299 = arith.index_cast %scan3A_267 : i32 to index
        %swap3A_300 = arith.constant 48 : index
        %swap3A_301 = tpu.vector_load %arg11[%swap3A_299, %swap3A_300] {strides = array<i32>} : memref<200x64xf32, #tpu.memory_space<vmem>>, vector<1x16xf32>,
        %swap3A_302 = vector.shape_cast %swap3A_301 : vector<1x16xf32> to vector<16xf32>
        %swap3A_303 = vector.shape_cast %get3A_298 : vector<16xf32> to vector<1x16xf32>
        tpu.vector_store %arg11[%swap3A_299, %swap3A_300], %swap3A_303 {strides = array<i32>} : memref<200x64xf32, #tpu.memory_space<vmem>>, vector<1x16xf32>,
        %scan3A_304 = arith.constant 2 : i32
        %scan3A_305 = arith.addi %scan3A_231, %scan3A_304 : i32
        %get3A_306 = arith.index_cast %scan3A_305 : i32 to index
        %get3A_307 = arith.constant 0 : index
        %get3A_308 = tpu.vector_load %arg9[%get3A_306, %get3A_307] {strides = array<i32>} : memref<200x128xf32, #tpu.memory_space<vmem>>, vector<1x16xf32>,
        %get3A_309 = vector.shape_cast %get3A_308 : vector<1x16xf32> to vector<16xf32>
        %swap3A_310 = arith.index_cast %scan3A_305 : i32 to index
        %swap3A_311 = arith.constant 0 : index
        %swap3A_312 = tpu.vector_load %arg11[%swap3A_310, %swap3A_311] {strides = array<i32>} : memref<200x64xf32, #tpu.memory_space<vmem>>, vector<1x16xf32>,
        %swap3A_313 = vector.shape_cast %swap3A_312 : vector<1x16xf32> to vector<16xf32>
        %swap3A_314 = vector.shape_cast %get3A_309 : vector<16xf32> to vector<1x16xf32>
        tpu.vector_store %arg11[%swap3A_310, %swap3A_311], %swap3A_314 {strides = array<i32>} : memref<200x64xf32, #tpu.memory_space<vmem>>, vector<1x16xf32>,
        %get3A_315 = arith.index_cast %scan3A_305 : i32 to index
        %get3A_316 = arith.constant 16 : index
        %get3A_317 = tpu.vector_load %arg9[%get3A_315, %get3A_316] {strides = array<i32>} : memref<200x128xf32, #tpu.memory_space<vmem>>, vector<1x16xf32>,
        %get3A_318 = vector.shape_cast %get3A_317 : vector<1x16xf32> to vector<16xf32>
        %swap3A_319 = arith.index_cast %scan3A_305 : i32 to index
        %swap3A_320 = arith.constant 16 : index
        %swap3A_321 = tpu.vector_load %arg11[%swap3A_319, %swap3A_320] {strides = array<i32>} : memref<200x64xf32, #tpu.memory_space<vmem>>, vector<1x16xf32>,
        %swap3A_322 = vector.shape_cast %swap3A_321 : vector<1x16xf32> to vector<16xf32>
        %swap3A_323 = vector.shape_cast %get3A_318 : vector<16xf32> to vector<1x16xf32>
        tpu.vector_store %arg11[%swap3A_319, %swap3A_320], %swap3A_323 {strides = array<i32>} : memref<200x64xf32, #tpu.memory_space<vmem>>, vector<1x16xf32>,
        %get3A_324 = arith.index_cast %scan3A_305 : i32 to index
        %get3A_325 = arith.constant 32 : index
        %get3A_326 = tpu.vector_load %arg9[%get3A_324, %get3A_325] {strides = array<i32>} : memref<200x128xf32, #tpu.memory_space<vmem>>, vector<1x16xf32>,
        %get3A_327 = vector.shape_cast %get3A_326 : vector<1x16xf32> to vector<16xf32>
        %swap3A_328 = arith.index_cast %scan3A_305 : i32 to index
        %swap3A_329 = arith.constant 32 : index
        %swap3A_330 = tpu.vector_load %arg11[%swap3A_328, %swap3A_329] {strides = array<i32>} : memref<200x64xf32, #tpu.memory_space<vmem>>, vector<1x16xf32>,
        %swap3A_331 = vector.shape_cast %swap3A_330 : vector<1x16xf32> to vector<16xf32>
        %swap3A_332 = vector.shape_cast %get3A_327 : vector<16xf32> to vector<1x16xf32>
        tpu.vector_store %arg11[%swap3A_328, %swap3A_329], %swap3A_332 {strides = array<i32>} : memref<200x64xf32, #tpu.memory_space<vmem>>, vector<1x16xf32>,
        %get3A_333 = arith.index_cast %scan3A_305 : i32 to index
        %get3A_334 = arith.constant 48 : index
        %get3A_335 = tpu.vector_load %arg9[%get3A_333, %get3A_334] {strides = array<i32>} : memref<200x128xf32, #tpu.memory_space<vmem>>, vector<1x16xf32>,
        %get3A_336 = vector.shape_cast %get3A_335 : vector<1x16xf32> to vector<16xf32>
        %swap3A_337 = arith.index_cast %scan3A_305 : i32 to index
        %swap3A_338 = arith.constant 48 : index
        %swap3A_339 = tpu.vector_load %arg11[%swap3A_337, %swap3A_338] {strides = array<i32>} : memref<200x64xf32, #tpu.memory_space<vmem>>, vector<1x16xf32>,
        %swap3A_340 = vector.shape_cast %swap3A_339 : vector<1x16xf32> to vector<16xf32>
        %swap3A_341 = vector.shape_cast %get3A_336 : vector<16xf32> to vector<1x16xf32>
        tpu.vector_store %arg11[%swap3A_337, %swap3A_338], %swap3A_341 {strides = array<i32>} : memref<200x64xf32, #tpu.memory_space<vmem>>, vector<1x16xf32>,
        %scan3A_342 = arith.constant 3 : i32
        %scan3A_343 = arith.addi %scan3A_231, %scan3A_342 : i32
        %get3A_344 = arith.index_cast %scan3A_343 : i32 to index
        %get3A_345 = arith.constant 0 : index
        %get3A_346 = tpu.vector_load %arg9[%get3A_344, %get3A_345] {strides = array<i32>} : memref<200x128xf32, #tpu.memory_space<vmem>>, vector<1x16xf32>,
        %get3A_347 = vector.shape_cast %get3A_346 : vector<1x16xf32> to vector<16xf32>
        %swap3A_348 = arith.index_cast %scan3A_343 : i32 to index
        %swap3A_349 = arith.constant 0 : index
        %swap3A_350 = tpu.vector_load %arg11[%swap3A_348, %swap3A_349] {strides = array<i32>} : memref<200x64xf32, #tpu.memory_space<vmem>>, vector<1x16xf32>,
        %swap3A_351 = vector.shape_cast %swap3A_350 : vector<1x16xf32> to vector<16xf32>
        %swap3A_352 = vector.shape_cast %get3A_347 : vector<16xf32> to vector<1x16xf32>
        tpu.vector_store %arg11[%swap3A_348, %swap3A_349], %swap3A_352 {strides = array<i32>} : memref<200x64xf32, #tpu.memory_space<vmem>>, vector<1x16xf32>,
        %get3A_353 = arith.index_cast %scan3A_343 : i32 to index
        %get3A_354 = arith.constant 16 : index
        %get3A_355 = tpu.vector_load %arg9[%get3A_353, %get3A_354] {strides = array<i32>} : memref<200x128xf32, #tpu.memory_space<vmem>>, vector<1x16xf32>,
        %get3A_356 = vector.shape_cast %get3A_355 : vector<1x16xf32> to vector<16xf32>
        %swap3A_357 = arith.index_cast %scan3A_343 : i32 to index
        %swap3A_358 = arith.constant 16 : index
        %swap3A_359 = tpu.vector_load %arg11[%swap3A_357, %swap3A_358] {strides = array<i32>} : memref<200x64xf32, #tpu.memory_space<vmem>>, vector<1x16xf32>,
        %swap3A_360 = vector.shape_cast %swap3A_359 : vector<1x16xf32> to vector<16xf32>
        %swap3A_361 = vector.shape_cast %get3A_356 : vector<16xf32> to vector<1x16xf32>
        tpu.vector_store %arg11[%swap3A_357, %swap3A_358], %swap3A_361 {strides = array<i32>} : memref<200x64xf32, #tpu.memory_space<vmem>>, vector<1x16xf32>,
        %get3A_362 = arith.index_cast %scan3A_343 : i32 to index
        %get3A_363 = arith.constant 32 : index
        %get3A_364 = tpu.vector_load %arg9[%get3A_362, %get3A_363] {strides = array<i32>} : memref<200x128xf32, #tpu.memory_space<vmem>>, vector<1x16xf32>,
        %get3A_365 = vector.shape_cast %get3A_364 : vector<1x16xf32> to vector<16xf32>
        %swap3A_366 = arith.index_cast %scan3A_343 : i32 to index
        %swap3A_367 = arith.constant 32 : index
        %swap3A_368 = tpu.vector_load %arg11[%swap3A_366, %swap3A_367] {strides = array<i32>} : memref<200x64xf32, #tpu.memory_space<vmem>>, vector<1x16xf32>,
        %swap3A_369 = vector.shape_cast %swap3A_368 : vector<1x16xf32> to vector<16xf32>
        %swap3A_370 = vector.shape_cast %get3A_365 : vector<16xf32> to vector<1x16xf32>
        tpu.vector_store %arg11[%swap3A_366, %swap3A_367], %swap3A_370 {strides = array<i32>} : memref<200x64xf32, #tpu.memory_space<vmem>>, vector<1x16xf32>,
        %get3A_371 = arith.index_cast %scan3A_343 : i32 to index
        %get3A_372 = arith.constant 48 : index
        %get3A_373 = tpu.vector_load %arg9[%get3A_371, %get3A_372] {strides = array<i32>} : memref<200x128xf32, #tpu.memory_space<vmem>>, vector<1x16xf32>,
        %get3A_374 = vector.shape_cast %get3A_373 : vector<1x16xf32> to vector<16xf32>
        %swap3A_375 = arith.index_cast %scan3A_343 : i32 to index
        %swap3A_376 = arith.constant 48 : index
        %swap3A_377 = tpu.vector_load %arg11[%swap3A_375, %swap3A_376] {strides = array<i32>} : memref<200x64xf32, #tpu.memory_space<vmem>>, vector<1x16xf32>,
        %swap3A_378 = vector.shape_cast %swap3A_377 : vector<1x16xf32> to vector<16xf32>
        %swap3A_379 = vector.shape_cast %get3A_374 : vector<16xf32> to vector<1x16xf32>
        tpu.vector_store %arg11[%swap3A_375, %swap3A_376], %swap3A_379 {strides = array<i32>} : memref<200x64xf32, #tpu.memory_space<vmem>>, vector<1x16xf32>,
        %scan3A_380 = arith.constant 4 : i32
        %scan3A_381 = arith.addi %scan3A_231, %scan3A_380 : i32
        %get3A_382 = arith.index_cast %scan3A_381 : i32 to index
        %get3A_383 = arith.constant 0 : index
        %get3A_384 = tpu.vector_load %arg9[%get3A_382, %get3A_383] {strides = array<i32>} : memref<200x128xf32, #tpu.memory_space<vmem>>, vector<1x16xf32>,
        %get3A_385 = vector.shape_cast %get3A_384 : vector<1x16xf32> to vector<16xf32>
        %swap3A_386 = arith.index_cast %scan3A_381 : i32 to index
        %swap3A_387 = arith.constant 0 : index
        %swap3A_388 = tpu.vector_load %arg11[%swap3A_386, %swap3A_387] {strides = array<i32>} : memref<200x64xf32, #tpu.memory_space<vmem>>, vector<1x16xf32>,
        %swap3A_389 = vector.shape_cast %swap3A_388 : vector<1x16xf32> to vector<16xf32>
        %swap3A_390 = vector.shape_cast %get3A_385 : vector<16xf32> to vector<1x16xf32>
        tpu.vector_store %arg11[%swap3A_386, %swap3A_387], %swap3A_390 {strides = array<i32>} : memref<200x64xf32, #tpu.memory_space<vmem>>, vector<1x16xf32>,
        %get3A_391 = arith.index_cast %scan3A_381 : i32 to index
        %get3A_392 = arith.constant 16 : index
        %get3A_393 = tpu.vector_load %arg9[%get3A_391, %get3A_392] {strides = array<i32>} : memref<200x128xf32, #tpu.memory_space<vmem>>, vector<1x16xf32>,
        %get3A_394 = vector.shape_cast %get3A_393 : vector<1x16xf32> to vector<16xf32>
        %swap3A_395 = arith.index_cast %scan3A_381 : i32 to index
        %swap3A_396 = arith.constant 16 : index
        %swap3A_397 = tpu.vector_load %arg11[%swap3A_395, %swap3A_396] {strides = array<i32>} : memref<200x64xf32, #tpu.memory_space<vmem>>, vector<1x16xf32>,
        %swap3A_398 = vector.shape_cast %swap3A_397 : vector<1x16xf32> to vector<16xf32>
        %swap3A_399 = vector.shape_cast %get3A_394 : vector<16xf32> to vector<1x16xf32>
        tpu.vector_store %arg11[%swap3A_395, %swap3A_396], %swap3A_399 {strides = array<i32>} : memref<200x64xf32, #tpu.memory_space<vmem>>, vector<1x16xf32>,
        %get3A_400 = arith.index_cast %scan3A_381 : i32 to index
        %get3A_401 = arith.constant 32 : index
        %get3A_402 = tpu.vector_load %arg9[%get3A_400, %get3A_401] {strides = array<i32>} : memref<200x128xf32, #tpu.memory_space<vmem>>, vector<1x16xf32>,
        %get3A_403 = vector.shape_cast %get3A_402 : vector<1x16xf32> to vector<16xf32>
        %swap3A_404 = arith.index_cast %scan3A_381 : i32 to index
        %swap3A_405 = arith.constant 32 : index
        %swap3A_406 = tpu.vector_load %arg11[%swap3A_404, %swap3A_405] {strides = array<i32>} : memref<200x64xf32, #tpu.memory_space<vmem>>, vector<1x16xf32>,
        %swap3A_407 = vector.shape_cast %swap3A_406 : vector<1x16xf32> to vector<16xf32>
        %swap3A_408 = vector.shape_cast %get3A_403 : vector<16xf32> to vector<1x16xf32>
        tpu.vector_store %arg11[%swap3A_404, %swap3A_405], %swap3A_408 {strides = array<i32>} : memref<200x64xf32, #tpu.memory_space<vmem>>, vector<1x16xf32>,
        %get3A_409 = arith.index_cast %scan3A_381 : i32 to index
        %get3A_410 = arith.constant 48 : index
        %get3A_411 = tpu.vector_load %arg9[%get3A_409, %get3A_410] {strides = array<i32>} : memref<200x128xf32, #tpu.memory_space<vmem>>, vector<1x16xf32>,
        %get3A_412 = vector.shape_cast %get3A_411 : vector<1x16xf32> to vector<16xf32>
        %swap3A_413 = arith.index_cast %scan3A_381 : i32 to index
        %swap3A_414 = arith.constant 48 : index
        %swap3A_415 = tpu.vector_load %arg11[%swap3A_413, %swap3A_414] {strides = array<i32>} : memref<200x64xf32, #tpu.memory_space<vmem>>, vector<1x16xf32>,
        %swap3A_416 = vector.shape_cast %swap3A_415 : vector<1x16xf32> to vector<16xf32>
        %swap3A_417 = vector.shape_cast %get3A_412 : vector<16xf32> to vector<1x16xf32>
        tpu.vector_store %arg11[%swap3A_413, %swap3A_414], %swap3A_417 {strides = array<i32>} : memref<200x64xf32, #tpu.memory_space<vmem>>, vector<1x16xf32>,
        %scan3A_418 = arith.constant 5 : i32
        %scan3A_419 = arith.addi %scan3A_231, %scan3A_418 : i32
        %get3A_420 = arith.index_cast %scan3A_419 : i32 to index
        %get3A_421 = arith.constant 0 : index
        %get3A_422 = tpu.vector_load %arg9[%get3A_420, %get3A_421] {strides = array<i32>} : memref<200x128xf32, #tpu.memory_space<vmem>>, vector<1x16xf32>,
        %get3A_423 = vector.shape_cast %get3A_422 : vector<1x16xf32> to vector<16xf32>
        %swap3A_424 = arith.index_cast %scan3A_419 : i32 to index
        %swap3A_425 = arith.constant 0 : index
        %swap3A_426 = tpu.vector_load %arg11[%swap3A_424, %swap3A_425] {strides = array<i32>} : memref<200x64xf32, #tpu.memory_space<vmem>>, vector<1x16xf32>,
        %swap3A_427 = vector.shape_cast %swap3A_426 : vector<1x16xf32> to vector<16xf32>
        %swap3A_428 = vector.shape_cast %get3A_423 : vector<16xf32> to vector<1x16xf32>
        tpu.vector_store %arg11[%swap3A_424, %swap3A_425], %swap3A_428 {strides = array<i32>} : memref<200x64xf32, #tpu.memory_space<vmem>>, vector<1x16xf32>,
        %get3A_429 = arith.index_cast %scan3A_419 : i32 to index
        %get3A_430 = arith.constant 16 : index
        %get3A_431 = tpu.vector_load %arg9[%get3A_429, %get3A_430] {strides = array<i32>} : memref<200x128xf32, #tpu.memory_space<vmem>>, vector<1x16xf32>,
        %get3A_432 = vector.shape_cast %get3A_431 : vector<1x16xf32> to vector<16xf32>
        %swap3A_433 = arith.index_cast %scan3A_419 : i32 to index
        %swap3A_434 = arith.constant 16 : index
        %swap3A_435 = tpu.vector_load %arg11[%swap3A_433, %swap3A_434] {strides = array<i32>} : memref<200x64xf32, #tpu.memory_space<vmem>>, vector<1x16xf32>,
        %swap3A_436 = vector.shape_cast %swap3A_435 : vector<1x16xf32> to vector<16xf32>
        %swap3A_437 = vector.shape_cast %get3A_432 : vector<16xf32> to vector<1x16xf32>
        tpu.vector_store %arg11[%swap3A_433, %swap3A_434], %swap3A_437 {strides = array<i32>} : memref<200x64xf32, #tpu.memory_space<vmem>>, vector<1x16xf32>,
        %get3A_438 = arith.index_cast %scan3A_419 : i32 to index
        %get3A_439 = arith.constant 32 : index
        %get3A_440 = tpu.vector_load %arg9[%get3A_438, %get3A_439] {strides = array<i32>} : memref<200x128xf32, #tpu.memory_space<vmem>>, vector<1x16xf32>,
        %get3A_441 = vector.shape_cast %get3A_440 : vector<1x16xf32> to vector<16xf32>
        %swap3A_442 = arith.index_cast %scan3A_419 : i32 to index
        %swap3A_443 = arith.constant 32 : index
        %swap3A_444 = tpu.vector_load %arg11[%swap3A_442, %swap3A_443] {strides = array<i32>} : memref<200x64xf32, #tpu.memory_space<vmem>>, vector<1x16xf32>,
        %swap3A_445 = vector.shape_cast %swap3A_444 : vector<1x16xf32> to vector<16xf32>
        %swap3A_446 = vector.shape_cast %get3A_441 : vector<16xf32> to vector<1x16xf32>
        tpu.vector_store %arg11[%swap3A_442, %swap3A_443], %swap3A_446 {strides = array<i32>} : memref<200x64xf32, #tpu.memory_space<vmem>>, vector<1x16xf32>,
        %get3A_447 = arith.index_cast %scan3A_419 : i32 to index
        %get3A_448 = arith.constant 48 : index
        %get3A_449 = tpu.vector_load %arg9[%get3A_447, %get3A_448] {strides = array<i32>} : memref<200x128xf32, #tpu.memory_space<vmem>>, vector<1x16xf32>,
        %get3A_450 = vector.shape_cast %get3A_449 : vector<1x16xf32> to vector<16xf32>
        %swap3A_451 = arith.index_cast %scan3A_419 : i32 to index
        %swap3A_452 = arith.constant 48 : index
        %swap3A_453 = tpu.vector_load %arg11[%swap3A_451, %swap3A_452] {strides = array<i32>} : memref<200x64xf32, #tpu.memory_space<vmem>>, vector<1x16xf32>,
        %swap3A_454 = vector.shape_cast %swap3A_453 : vector<1x16xf32> to vector<16xf32>
        %swap3A_455 = vector.shape_cast %get3A_450 : vector<16xf32> to vector<1x16xf32>
        tpu.vector_store %arg11[%swap3A_451, %swap3A_452], %swap3A_455 {strides = array<i32>} : memref<200x64xf32, #tpu.memory_space<vmem>>, vector<1x16xf32>,
        %scan3A_456 = arith.constant 6 : i32
        %scan3A_457 = arith.addi %scan3A_231, %scan3A_456 : i32
        %get3A_458 = arith.index_cast %scan3A_457 : i32 to index
        %get3A_459 = arith.constant 0 : index
        %get3A_460 = tpu.vector_load %arg9[%get3A_458, %get3A_459] {strides = array<i32>} : memref<200x128xf32, #tpu.memory_space<vmem>>, vector<1x16xf32>,
        %get3A_461 = vector.shape_cast %get3A_460 : vector<1x16xf32> to vector<16xf32>
        %swap3A_462 = arith.index_cast %scan3A_457 : i32 to index
        %swap3A_463 = arith.constant 0 : index
        %swap3A_464 = tpu.vector_load %arg11[%swap3A_462, %swap3A_463] {strides = array<i32>} : memref<200x64xf32, #tpu.memory_space<vmem>>, vector<1x16xf32>,
        %swap3A_465 = vector.shape_cast %swap3A_464 : vector<1x16xf32> to vector<16xf32>
        %swap3A_466 = vector.shape_cast %get3A_461 : vector<16xf32> to vector<1x16xf32>
        tpu.vector_store %arg11[%swap3A_462, %swap3A_463], %swap3A_466 {strides = array<i32>} : memref<200x64xf32, #tpu.memory_space<vmem>>, vector<1x16xf32>,
        %get3A_467 = arith.index_cast %scan3A_457 : i32 to index
        %get3A_468 = arith.constant 16 : index
        %get3A_469 = tpu.vector_load %arg9[%get3A_467, %get3A_468] {strides = array<i32>} : memref<200x128xf32, #tpu.memory_space<vmem>>, vector<1x16xf32>,
        %get3A_470 = vector.shape_cast %get3A_469 : vector<1x16xf32> to vector<16xf32>
        %swap3A_471 = arith.index_cast %scan3A_457 : i32 to index
        %swap3A_472 = arith.constant 16 : index
        %swap3A_473 = tpu.vector_load %arg11[%swap3A_471, %swap3A_472] {strides = array<i32>} : memref<200x64xf32, #tpu.memory_space<vmem>>, vector<1x16xf32>,
        %swap3A_474 = vector.shape_cast %swap3A_473 : vector<1x16xf32> to vector<16xf32>
        %swap3A_475 = vector.shape_cast %get3A_470 : vector<16xf32> to vector<1x16xf32>
        tpu.vector_store %arg11[%swap3A_471, %swap3A_472], %swap3A_475 {strides = array<i32>} : memref<200x64xf32, #tpu.memory_space<vmem>>, vector<1x16xf32>,
        %get3A_476 = arith.index_cast %scan3A_457 : i32 to index
        %get3A_477 = arith.constant 32 : index
        %get3A_478 = tpu.vector_load %arg9[%get3A_476, %get3A_477] {strides = array<i32>} : memref<200x128xf32, #tpu.memory_space<vmem>>, vector<1x16xf32>,
        %get3A_479 = vector.shape_cast %get3A_478 : vector<1x16xf32> to vector<16xf32>
        %swap3A_480 = arith.index_cast %scan3A_457 : i32 to index
        %swap3A_481 = arith.constant 32 : index
        %swap3A_482 = tpu.vector_load %arg11[%swap3A_480, %swap3A_481] {strides = array<i32>} : memref<200x64xf32, #tpu.memory_space<vmem>>, vector<1x16xf32>,
        %swap3A_483 = vector.shape_cast %swap3A_482 : vector<1x16xf32> to vector<16xf32>
        %swap3A_484 = vector.shape_cast %get3A_479 : vector<16xf32> to vector<1x16xf32>
        tpu.vector_store %arg11[%swap3A_480, %swap3A_481], %swap3A_484 {strides = array<i32>} : memref<200x64xf32, #tpu.memory_space<vmem>>, vector<1x16xf32>,
        %get3A_485 = arith.index_cast %scan3A_457 : i32 to index
        %get3A_486 = arith.constant 48 : index
        %get3A_487 = tpu.vector_load %arg9[%get3A_485, %get3A_486] {strides = array<i32>} : memref<200x128xf32, #tpu.memory_space<vmem>>, vector<1x16xf32>,
        %get3A_488 = vector.shape_cast %get3A_487 : vector<1x16xf32> to vector<16xf32>
        %swap3A_489 = arith.index_cast %scan3A_457 : i32 to index
        %swap3A_490 = arith.constant 48 : index
        %swap3A_491 = tpu.vector_load %arg11[%swap3A_489, %swap3A_490] {strides = array<i32>} : memref<200x64xf32, #tpu.memory_space<vmem>>, vector<1x16xf32>,
        %swap3A_492 = vector.shape_cast %swap3A_491 : vector<1x16xf32> to vector<16xf32>
        %swap3A_493 = vector.shape_cast %get3A_488 : vector<16xf32> to vector<1x16xf32>
        tpu.vector_store %arg11[%swap3A_489, %swap3A_490], %swap3A_493 {strides = array<i32>} : memref<200x64xf32, #tpu.memory_space<vmem>>, vector<1x16xf32>,
        %scan3A_494 = arith.constant 7 : i32
        %scan3A_495 = arith.addi %scan3A_231, %scan3A_494 : i32
        %get3A_496 = arith.index_cast %scan3A_495 : i32 to index
        %get3A_497 = arith.constant 0 : index
        %get3A_498 = tpu.vector_load %arg9[%get3A_496, %get3A_497] {strides = array<i32>} : memref<200x128xf32, #tpu.memory_space<vmem>>, vector<1x16xf32>,
        %get3A_499 = vector.shape_cast %get3A_498 : vector<1x16xf32> to vector<16xf32>
        %swap3A_500 = arith.index_cast %scan3A_495 : i32 to index
        %swap3A_501 = arith.constant 0 : index
        %swap3A_502 = tpu.vector_load %arg11[%swap3A_500, %swap3A_501] {strides = array<i32>} : memref<200x64xf32, #tpu.memory_space<vmem>>, vector<1x16xf32>,
        %swap3A_503 = vector.shape_cast %swap3A_502 : vector<1x16xf32> to vector<16xf32>
        %swap3A_504 = vector.shape_cast %get3A_499 : vector<16xf32> to vector<1x16xf32>
        tpu.vector_store %arg11[%swap3A_500, %swap3A_501], %swap3A_504 {strides = array<i32>} : memref<200x64xf32, #tpu.memory_space<vmem>>, vector<1x16xf32>,
        %get3A_505 = arith.index_cast %scan3A_495 : i32 to index
        %get3A_506 = arith.constant 16 : index
        %get3A_507 = tpu.vector_load %arg9[%get3A_505, %get3A_506] {strides = array<i32>} : memref<200x128xf32, #tpu.memory_space<vmem>>, vector<1x16xf32>,
        %get3A_508 = vector.shape_cast %get3A_507 : vector<1x16xf32> to vector<16xf32>
        %swap3A_509 = arith.index_cast %scan3A_495 : i32 to index
        %swap3A_510 = arith.constant 16 : index
        %swap3A_511 = tpu.vector_load %arg11[%swap3A_509, %swap3A_510] {strides = array<i32>} : memref<200x64xf32, #tpu.memory_space<vmem>>, vector<1x16xf32>,
        %swap3A_512 = vector.shape_cast %swap3A_511 : vector<1x16xf32> to vector<16xf32>
        %swap3A_513 = vector.shape_cast %get3A_508 : vector<16xf32> to vector<1x16xf32>
        tpu.vector_store %arg11[%swap3A_509, %swap3A_510], %swap3A_513 {strides = array<i32>} : memref<200x64xf32, #tpu.memory_space<vmem>>, vector<1x16xf32>,
        %get3A_514 = arith.index_cast %scan3A_495 : i32 to index
        %get3A_515 = arith.constant 32 : index
        %get3A_516 = tpu.vector_load %arg9[%get3A_514, %get3A_515] {strides = array<i32>} : memref<200x128xf32, #tpu.memory_space<vmem>>, vector<1x16xf32>,
        %get3A_517 = vector.shape_cast %get3A_516 : vector<1x16xf32> to vector<16xf32>
        %swap3A_518 = arith.index_cast %scan3A_495 : i32 to index
        %swap3A_519 = arith.constant 32 : index
        %swap3A_520 = tpu.vector_load %arg11[%swap3A_518, %swap3A_519] {strides = array<i32>} : memref<200x64xf32, #tpu.memory_space<vmem>>, vector<1x16xf32>,
        %swap3A_521 = vector.shape_cast %swap3A_520 : vector<1x16xf32> to vector<16xf32>
        %swap3A_522 = vector.shape_cast %get3A_517 : vector<16xf32> to vector<1x16xf32>
        tpu.vector_store %arg11[%swap3A_518, %swap3A_519], %swap3A_522 {strides = array<i32>} : memref<200x64xf32, #tpu.memory_space<vmem>>, vector<1x16xf32>,
        %get3A_523 = arith.index_cast %scan3A_495 : i32 to index
        %get3A_524 = arith.constant 48 : index
        %get3A_525 = tpu.vector_load %arg9[%get3A_523, %get3A_524] {strides = array<i32>} : memref<200x128xf32, #tpu.memory_space<vmem>>, vector<1x16xf32>,
        %get3A_526 = vector.shape_cast %get3A_525 : vector<1x16xf32> to vector<16xf32>
        %swap3A_527 = arith.index_cast %scan3A_495 : i32 to index
        %swap3A_528 = arith.constant 48 : index
        %swap3A_529 = tpu.vector_load %arg11[%swap3A_527, %swap3A_528] {strides = array<i32>} : memref<200x64xf32, #tpu.memory_space<vmem>>, vector<1x16xf32>,
        %swap3A_530 = vector.shape_cast %swap3A_529 : vector<1x16xf32> to vector<16xf32>
        %swap3A_531 = vector.shape_cast %get3A_526 : vector<16xf32> to vector<1x16xf32>
        tpu.vector_store %arg11[%swap3A_527, %swap3A_528], %swap3A_531 {strides = array<i32>} : memref<200x64xf32, #tpu.memory_space<vmem>>, vector<1x16xf32>,
      }
      %scan3A_194 = arith.constant 200 : i32
      %mul3A_195 = arith.constant 200 : i32
      %mul3A_196 = arith.muli %add3A_185, %mul3A_195 : i32
      %add3A_197 = arith.addi %mul3A_2, %mul3A_196 : i32
      %multiple_of3A_198 = tpu.assume_multiple %add3A_197, 8 : i32
      %dma_start3A_199 = arith.constant 0 : i32
      %dma_start3A_200 = tpu.memref_slice %arg4[%multiple_of3A_198, %dma_start3A_199] : memref<819200x64xf32, #tpu.memory_space<hbm>> -> memref<200x64xf32, #tpu.memory_space<hbm>>
      %dma_start3A_201 = arith.constant 0 : i32
      %dma_start3A_202 = tpu.memref_slice %arg4[%multiple_of3A_198, %dma_start3A_201] : memref<819200x64xf32, #tpu.memory_space<hbm>> -> memref<200x64xf32, #tpu.memory_space<hbm>>
      tpu.enqueue_dma source(%arg11 : memref<200x64xf32, #tpu.memory_space<vmem>>) target(%dma_start3A_202 : memref<200x64xf32, #tpu.memory_space<hbm>>) target_semaphore(%arg19 : memref<!tpu.dma_semaphore, #tpu.memory_space<semaphore_mem>>)
      %mul3A_203 = arith.constant 2 : i32
      %mul3A_204 = arith.muli %mul3A_203, %add3A_135 : i32
      %add3A_205 = arith.constant 1 : i32
      %add3A_206 = arith.addi %mul3A_204, %add3A_205 : i32
      %dma_wait3A_207 = arith.constant 0 : i32
      %dma_wait3A_208 = arith.constant 0 : i32
      %dma_wait3A_209 = tpu.memref_slice %arg2[%dma_wait3A_207, %dma_wait3A_208] : memref<1000000x128xf32, #tpu.memory_space<hbm>> -> memref<1000000x128xf32, #tpu.memory_space<hbm>>
      tpu.wait_indirect_dma semaphore(%arg18 : memref<!tpu.dma_semaphore, #tpu.memory_space<semaphore_mem>>) src(%dma_wait3A_209 : memref<1000000x128xf32, #tpu.memory_space<hbm>>) dst(%arg10 : memref<200x128xf32, #tpu.memory_space<vmem>>)
      %scan3A_210 = arith.constant 0 : i32
      %scan3A_211 = arith.constant 0 : i32
      %scan3A_212 = arith.constant 200 : i32
      %scan3A_213 = arith.addi %scan3A_211, %scan3A_212 : i32
      %scan3A_214 = arith.constant 8 : i32
      scf.for %scan3A_231 = %scan3A_211 to %scan3A_213 step %scan3A_214  : i32 {
        %get3A = arith.index_cast %scan3A_231 : i32 to index
        %get3A_232 = arith.constant 0 : index
        %get3A_233 = tpu.vector_load %arg10[%get3A, %get3A_232] {strides = array<i32>} : memref<200x128xf32, #tpu.memory_space<vmem>>, vector<1x16xf32>,
        %get3A_234 = vector.shape_cast %get3A_233 : vector<1x16xf32> to vector<16xf32>
        %swap3A = arith.index_cast %scan3A_231 : i32 to index
        %swap3A_235 = arith.constant 0 : index
        %swap3A_236 = tpu.vector_load %arg12[%swap3A, %swap3A_235] {strides = array<i32>} : memref<200x64xf32, #tpu.memory_space<vmem>>, vector<1x16xf32>,
        %swap3A_237 = vector.shape_cast %swap3A_236 : vector<1x16xf32> to vector<16xf32>
        %swap3A_238 = vector.shape_cast %get3A_234 : vector<16xf32> to vector<1x16xf32>
        tpu.vector_store %arg12[%swap3A, %swap3A_235], %swap3A_238 {strides = array<i32>} : memref<200x64xf32, #tpu.memory_space<vmem>>, vector<1x16xf32>,
        %get3A_239 = arith.index_cast %scan3A_231 : i32 to index
        %get3A_240 = arith.constant 16 : index
        %get3A_241 = tpu.vector_load %arg10[%get3A_239, %get3A_240] {strides = array<i32>} : memref<200x128xf32, #tpu.memory_space<vmem>>, vector<1x16xf32>,
        %get3A_242 = vector.shape_cast %get3A_241 : vector<1x16xf32> to vector<16xf32>
        %swap3A_243 = arith.index_cast %scan3A_231 : i32 to index
        %swap3A_244 = arith.constant 16 : index
        %swap3A_245 = tpu.vector_load %arg12[%swap3A_243, %swap3A_244] {strides = array<i32>} : memref<200x64xf32, #tpu.memory_space<vmem>>, vector<1x16xf32>,
        %swap3A_246 = vector.shape_cast %swap3A_245 : vector<1x16xf32> to vector<16xf32>
        %swap3A_247 = vector.shape_cast %get3A_242 : vector<16xf32> to vector<1x16xf32>
        tpu.vector_store %arg12[%swap3A_243, %swap3A_244], %swap3A_247 {strides = array<i32>} : memref<200x64xf32, #tpu.memory_space<vmem>>, vector<1x16xf32>,
        %get3A_248 = arith.index_cast %scan3A_231 : i32 to index
        %get3A_249 = arith.constant 32 : index
        %get3A_250 = tpu.vector_load %arg10[%get3A_248, %get3A_249] {strides = array<i32>} : memref<200x128xf32, #tpu.memory_space<vmem>>, vector<1x16xf32>,
        %get3A_251 = vector.shape_cast %get3A_250 : vector<1x16xf32> to vector<16xf32>
        %swap3A_252 = arith.index_cast %scan3A_231 : i32 to index
        %swap3A_253 = arith.constant 32 : index
        %swap3A_254 = tpu.vector_load %arg12[%swap3A_252, %swap3A_253] {strides = array<i32>} : memref<200x64xf32, #tpu.memory_space<vmem>>, vector<1x16xf32>,
        %swap3A_255 = vector.shape_cast %swap3A_254 : vector<1x16xf32> to vector<16xf32>
        %swap3A_256 = vector.shape_cast %get3A_251 : vector<16xf32> to vector<1x16xf32>
        tpu.vector_store %arg12[%swap3A_252, %swap3A_253], %swap3A_256 {strides = array<i32>} : memref<200x64xf32, #tpu.memory_space<vmem>>, vector<1x16xf32>,
        %get3A_257 = arith.index_cast %scan3A_231 : i32 to index
        %get3A_258 = arith.constant 48 : index
        %get3A_259 = tpu.vector_load %arg10[%get3A_257, %get3A_258] {strides = array<i32>} : memref<200x128xf32, #tpu.memory_space<vmem>>, vector<1x16xf32>,
        %get3A_260 = vector.shape_cast %get3A_259 : vector<1x16xf32> to vector<16xf32>
        %swap3A_261 = arith.index_cast %scan3A_231 : i32 to index
        %swap3A_262 = arith.constant 48 : index
        %swap3A_263 = tpu.vector_load %arg12[%swap3A_261, %swap3A_262] {strides = array<i32>} : memref<200x64xf32, #tpu.memory_space<vmem>>, vector<1x16xf32>,
        %swap3A_264 = vector.shape_cast %swap3A_263 : vector<1x16xf32> to vector<16xf32>
        %swap3A_265 = vector.shape_cast %get3A_260 : vector<16xf32> to vector<1x16xf32>
        tpu.vector_store %arg12[%swap3A_261, %swap3A_262], %swap3A_265 {strides = array<i32>} : memref<200x64xf32, #tpu.memory_space<vmem>>, vector<1x16xf32>,
        %scan3A_266 = arith.constant 1 : i32
        %scan3A_267 = arith.addi %scan3A_231, %scan3A_266 : i32
        %get3A_268 = arith.index_cast %scan3A_267 : i32 to index
        %get3A_269 = arith.constant 0 : index
        %get3A_270 = tpu.vector_load %arg10[%get3A_268, %get3A_269] {strides = array<i32>} : memref<200x128xf32, #tpu.memory_space<vmem>>, vector<1x16xf32>,
        %get3A_271 = vector.shape_cast %get3A_270 : vector<1x16xf32> to vector<16xf32>
        %swap3A_272 = arith.index_cast %scan3A_267 : i32 to index
        %swap3A_273 = arith.constant 0 : index
        %swap3A_274 = tpu.vector_load %arg12[%swap3A_272, %swap3A_273] {strides = array<i32>} : memref<200x64xf32, #tpu.memory_space<vmem>>, vector<1x16xf32>,
        %swap3A_275 = vector.shape_cast %swap3A_274 : vector<1x16xf32> to vector<16xf32>
        %swap3A_276 = vector.shape_cast %get3A_271 : vector<16xf32> to vector<1x16xf32>
        tpu.vector_store %arg12[%swap3A_272, %swap3A_273], %swap3A_276 {strides = array<i32>} : memref<200x64xf32, #tpu.memory_space<vmem>>, vector<1x16xf32>,
        %get3A_277 = arith.index_cast %scan3A_267 : i32 to index
        %get3A_278 = arith.constant 16 : index
        %get3A_279 = tpu.vector_load %arg10[%get3A_277, %get3A_278] {strides = array<i32>} : memref<200x128xf32, #tpu.memory_space<vmem>>, vector<1x16xf32>,
        %get3A_280 = vector.shape_cast %get3A_279 : vector<1x16xf32> to vector<16xf32>
        %swap3A_281 = arith.index_cast %scan3A_267 : i32 to index
        %swap3A_282 = arith.constant 16 : index
        %swap3A_283 = tpu.vector_load %arg12[%swap3A_281, %swap3A_282] {strides = array<i32>} : memref<200x64xf32, #tpu.memory_space<vmem>>, vector<1x16xf32>,
        %swap3A_284 = vector.shape_cast %swap3A_283 : vector<1x16xf32> to vector<16xf32>
        %swap3A_285 = vector.shape_cast %get3A_280 : vector<16xf32> to vector<1x16xf32>
        tpu.vector_store %arg12[%swap3A_281, %swap3A_282], %swap3A_285 {strides = array<i32>} : memref<200x64xf32, #tpu.memory_space<vmem>>, vector<1x16xf32>,
        %get3A_286 = arith.index_cast %scan3A_267 : i32 to index
        %get3A_287 = arith.constant 32 : index
        %get3A_288 = tpu.vector_load %arg10[%get3A_286, %get3A_287] {strides = array<i32>} : memref<200x128xf32, #tpu.memory_space<vmem>>, vector<1x16xf32>,
        %get3A_289 = vector.shape_cast %get3A_288 : vector<1x16xf32> to vector<16xf32>
        %swap3A_290 = arith.index_cast %scan3A_267 : i32 to index
        %swap3A_291 = arith.constant 32 : index
        %swap3A_292 = tpu.vector_load %arg12[%swap3A_290, %swap3A_291] {strides = array<i32>} : memref<200x64xf32, #tpu.memory_space<vmem>>, vector<1x16xf32>,
        %swap3A_293 = vector.shape_cast %swap3A_292 : vector<1x16xf32> to vector<16xf32>
        %swap3A_294 = vector.shape_cast %get3A_289 : vector<16xf32> to vector<1x16xf32>
        tpu.vector_store %arg12[%swap3A_290, %swap3A_291], %swap3A_294 {strides = array<i32>} : memref<200x64xf32, #tpu.memory_space<vmem>>, vector<1x16xf32>,
        %get3A_295 = arith.index_cast %scan3A_267 : i32 to index
        %get3A_296 = arith.constant 48 : index
        %get3A_297 = tpu.vector_load %arg10[%get3A_295, %get3A_296] {strides = array<i32>} : memref<200x128xf32, #tpu.memory_space<vmem>>, vector<1x16xf32>,
        %get3A_298 = vector.shape_cast %get3A_297 : vector<1x16xf32> to vector<16xf32>
        %swap3A_299 = arith.index_cast %scan3A_267 : i32 to index
        %swap3A_300 = arith.constant 48 : index
        %swap3A_301 = tpu.vector_load %arg12[%swap3A_299, %swap3A_300] {strides = array<i32>} : memref<200x64xf32, #tpu.memory_space<vmem>>, vector<1x16xf32>,
        %swap3A_302 = vector.shape_cast %swap3A_301 : vector<1x16xf32> to vector<16xf32>
        %swap3A_303 = vector.shape_cast %get3A_298 : vector<16xf32> to vector<1x16xf32>
        tpu.vector_store %arg12[%swap3A_299, %swap3A_300], %swap3A_303 {strides = array<i32>} : memref<200x64xf32, #tpu.memory_space<vmem>>, vector<1x16xf32>,
        %scan3A_304 = arith.constant 2 : i32
        %scan3A_305 = arith.addi %scan3A_231, %scan3A_304 : i32
        %get3A_306 = arith.index_cast %scan3A_305 : i32 to index
        %get3A_307 = arith.constant 0 : index
        %get3A_308 = tpu.vector_load %arg10[%get3A_306, %get3A_307] {strides = array<i32>} : memref<200x128xf32, #tpu.memory_space<vmem>>, vector<1x16xf32>,
        %get3A_309 = vector.shape_cast %get3A_308 : vector<1x16xf32> to vector<16xf32>
        %swap3A_310 = arith.index_cast %scan3A_305 : i32 to index
        %swap3A_311 = arith.constant 0 : index
        %swap3A_312 = tpu.vector_load %arg12[%swap3A_310, %swap3A_311] {strides = array<i32>} : memref<200x64xf32, #tpu.memory_space<vmem>>, vector<1x16xf32>,
        %swap3A_313 = vector.shape_cast %swap3A_312 : vector<1x16xf32> to vector<16xf32>
        %swap3A_314 = vector.shape_cast %get3A_309 : vector<16xf32> to vector<1x16xf32>
        tpu.vector_store %arg12[%swap3A_310, %swap3A_311], %swap3A_314 {strides = array<i32>} : memref<200x64xf32, #tpu.memory_space<vmem>>, vector<1x16xf32>,
        %get3A_315 = arith.index_cast %scan3A_305 : i32 to index
        %get3A_316 = arith.constant 16 : index
        %get3A_317 = tpu.vector_load %arg10[%get3A_315, %get3A_316] {strides = array<i32>} : memref<200x128xf32, #tpu.memory_space<vmem>>, vector<1x16xf32>,
        %get3A_318 = vector.shape_cast %get3A_317 : vector<1x16xf32> to vector<16xf32>
        %swap3A_319 = arith.index_cast %scan3A_305 : i32 to index
        %swap3A_320 = arith.constant 16 : index
        %swap3A_321 = tpu.vector_load %arg12[%swap3A_319, %swap3A_320] {strides = array<i32>} : memref<200x64xf32, #tpu.memory_space<vmem>>, vector<1x16xf32>,
        %swap3A_322 = vector.shape_cast %swap3A_321 : vector<1x16xf32> to vector<16xf32>
        %swap3A_323 = vector.shape_cast %get3A_318 : vector<16xf32> to vector<1x16xf32>
        tpu.vector_store %arg12[%swap3A_319, %swap3A_320], %swap3A_323 {strides = array<i32>} : memref<200x64xf32, #tpu.memory_space<vmem>>, vector<1x16xf32>,
        %get3A_324 = arith.index_cast %scan3A_305 : i32 to index
        %get3A_325 = arith.constant 32 : index
        %get3A_326 = tpu.vector_load %arg10[%get3A_324, %get3A_325] {strides = array<i32>} : memref<200x128xf32, #tpu.memory_space<vmem>>, vector<1x16xf32>,
        %get3A_327 = vector.shape_cast %get3A_326 : vector<1x16xf32> to vector<16xf32>
        %swap3A_328 = arith.index_cast %scan3A_305 : i32 to index
        %swap3A_329 = arith.constant 32 : index
        %swap3A_330 = tpu.vector_load %arg12[%swap3A_328, %swap3A_329] {strides = array<i32>} : memref<200x64xf32, #tpu.memory_space<vmem>>, vector<1x16xf32>,
        %swap3A_331 = vector.shape_cast %swap3A_330 : vector<1x16xf32> to vector<16xf32>
        %swap3A_332 = vector.shape_cast %get3A_327 : vector<16xf32> to vector<1x16xf32>
        tpu.vector_store %arg12[%swap3A_328, %swap3A_329], %swap3A_332 {strides = array<i32>} : memref<200x64xf32, #tpu.memory_space<vmem>>, vector<1x16xf32>,
        %get3A_333 = arith.index_cast %scan3A_305 : i32 to index
        %get3A_334 = arith.constant 48 : index
        %get3A_335 = tpu.vector_load %arg10[%get3A_333, %get3A_334] {strides = array<i32>} : memref<200x128xf32, #tpu.memory_space<vmem>>, vector<1x16xf32>,
        %get3A_336 = vector.shape_cast %get3A_335 : vector<1x16xf32> to vector<16xf32>
        %swap3A_337 = arith.index_cast %scan3A_305 : i32 to index
        %swap3A_338 = arith.constant 48 : index
        %swap3A_339 = tpu.vector_load %arg12[%swap3A_337, %swap3A_338] {strides = array<i32>} : memref<200x64xf32, #tpu.memory_space<vmem>>, vector<1x16xf32>,
        %swap3A_340 = vector.shape_cast %swap3A_339 : vector<1x16xf32> to vector<16xf32>
        %swap3A_341 = vector.shape_cast %get3A_336 : vector<16xf32> to vector<1x16xf32>
        tpu.vector_store %arg12[%swap3A_337, %swap3A_338], %swap3A_341 {strides = array<i32>} : memref<200x64xf32, #tpu.memory_space<vmem>>, vector<1x16xf32>,
        %scan3A_342 = arith.constant 3 : i32
        %scan3A_343 = arith.addi %scan3A_231, %scan3A_342 : i32
        %get3A_344 = arith.index_cast %scan3A_343 : i32 to index
        %get3A_345 = arith.constant 0 : index
        %get3A_346 = tpu.vector_load %arg10[%get3A_344, %get3A_345] {strides = array<i32>} : memref<200x128xf32, #tpu.memory_space<vmem>>, vector<1x16xf32>,
        %get3A_347 = vector.shape_cast %get3A_346 : vector<1x16xf32> to vector<16xf32>
        %swap3A_348 = arith.index_cast %scan3A_343 : i32 to index
        %swap3A_349 = arith.constant 0 : index
        %swap3A_350 = tpu.vector_load %arg12[%swap3A_348, %swap3A_349] {strides = array<i32>} : memref<200x64xf32, #tpu.memory_space<vmem>>, vector<1x16xf32>,
        %swap3A_351 = vector.shape_cast %swap3A_350 : vector<1x16xf32> to vector<16xf32>
        %swap3A_352 = vector.shape_cast %get3A_347 : vector<16xf32> to vector<1x16xf32>
        tpu.vector_store %arg12[%swap3A_348, %swap3A_349], %swap3A_352 {strides = array<i32>} : memref<200x64xf32, #tpu.memory_space<vmem>>, vector<1x16xf32>,
        %get3A_353 = arith.index_cast %scan3A_343 : i32 to index
        %get3A_354 = arith.constant 16 : index
        %get3A_355 = tpu.vector_load %arg10[%get3A_353, %get3A_354] {strides = array<i32>} : memref<200x128xf32, #tpu.memory_space<vmem>>, vector<1x16xf32>,
        %get3A_356 = vector.shape_cast %get3A_355 : vector<1x16xf32> to vector<16xf32>
        %swap3A_357 = arith.index_cast %scan3A_343 : i32 to index
        %swap3A_358 = arith.constant 16 : index
        %swap3A_359 = tpu.vector_load %arg12[%swap3A_357, %swap3A_358] {strides = array<i32>} : memref<200x64xf32, #tpu.memory_space<vmem>>, vector<1x16xf32>,
        %swap3A_360 = vector.shape_cast %swap3A_359 : vector<1x16xf32> to vector<16xf32>
        %swap3A_361 = vector.shape_cast %get3A_356 : vector<16xf32> to vector<1x16xf32>
        tpu.vector_store %arg12[%swap3A_357, %swap3A_358], %swap3A_361 {strides = array<i32>} : memref<200x64xf32, #tpu.memory_space<vmem>>, vector<1x16xf32>,
        %get3A_362 = arith.index_cast %scan3A_343 : i32 to index
        %get3A_363 = arith.constant 32 : index
        %get3A_364 = tpu.vector_load %arg10[%get3A_362, %get3A_363] {strides = array<i32>} : memref<200x128xf32, #tpu.memory_space<vmem>>, vector<1x16xf32>,
        %get3A_365 = vector.shape_cast %get3A_364 : vector<1x16xf32> to vector<16xf32>
        %swap3A_366 = arith.index_cast %scan3A_343 : i32 to index
        %swap3A_367 = arith.constant 32 : index
        %swap3A_368 = tpu.vector_load %arg12[%swap3A_366, %swap3A_367] {strides = array<i32>} : memref<200x64xf32, #tpu.memory_space<vmem>>, vector<1x16xf32>,
        %swap3A_369 = vector.shape_cast %swap3A_368 : vector<1x16xf32> to vector<16xf32>
        %swap3A_370 = vector.shape_cast %get3A_365 : vector<16xf32> to vector<1x16xf32>
        tpu.vector_store %arg12[%swap3A_366, %swap3A_367], %swap3A_370 {strides = array<i32>} : memref<200x64xf32, #tpu.memory_space<vmem>>, vector<1x16xf32>,
        %get3A_371 = arith.index_cast %scan3A_343 : i32 to index
        %get3A_372 = arith.constant 48 : index
        %get3A_373 = tpu.vector_load %arg10[%get3A_371, %get3A_372] {strides = array<i32>} : memref<200x128xf32, #tpu.memory_space<vmem>>, vector<1x16xf32>,
        %get3A_374 = vector.shape_cast %get3A_373 : vector<1x16xf32> to vector<16xf32>
        %swap3A_375 = arith.index_cast %scan3A_343 : i32 to index
        %swap3A_376 = arith.constant 48 : index
        %swap3A_377 = tpu.vector_load %arg12[%swap3A_375, %swap3A_376] {strides = array<i32>} : memref<200x64xf32, #tpu.memory_space<vmem>>, vector<1x16xf32>,
        %swap3A_378 = vector.shape_cast %swap3A_377 : vector<1x16xf32> to vector<16xf32>
        %swap3A_379 = vector.shape_cast %get3A_374 : vector<16xf32> to vector<1x16xf32>
        tpu.vector_store %arg12[%swap3A_375, %swap3A_376], %swap3A_379 {strides = array<i32>} : memref<200x64xf32, #tpu.memory_space<vmem>>, vector<1x16xf32>,
        %scan3A_380 = arith.constant 4 : i32
        %scan3A_381 = arith.addi %scan3A_231, %scan3A_380 : i32
        %get3A_382 = arith.index_cast %scan3A_381 : i32 to index
        %get3A_383 = arith.constant 0 : index
        %get3A_384 = tpu.vector_load %arg10[%get3A_382, %get3A_383] {strides = array<i32>} : memref<200x128xf32, #tpu.memory_space<vmem>>, vector<1x16xf32>,
        %get3A_385 = vector.shape_cast %get3A_384 : vector<1x16xf32> to vector<16xf32>
        %swap3A_386 = arith.index_cast %scan3A_381 : i32 to index
        %swap3A_387 = arith.constant 0 : index
        %swap3A_388 = tpu.vector_load %arg12[%swap3A_386, %swap3A_387] {strides = array<i32>} : memref<200x64xf32, #tpu.memory_space<vmem>>, vector<1x16xf32>,
        %swap3A_389 = vector.shape_cast %swap3A_388 : vector<1x16xf32> to vector<16xf32>
        %swap3A_390 = vector.shape_cast %get3A_385 : vector<16xf32> to vector<1x16xf32>
        tpu.vector_store %arg12[%swap3A_386, %swap3A_387], %swap3A_390 {strides = array<i32>} : memref<200x64xf32, #tpu.memory_space<vmem>>, vector<1x16xf32>,
        %get3A_391 = arith.index_cast %scan3A_381 : i32 to index
        %get3A_392 = arith.constant 16 : index
        %get3A_393 = tpu.vector_load %arg10[%get3A_391, %get3A_392] {strides = array<i32>} : memref<200x128xf32, #tpu.memory_space<vmem>>, vector<1x16xf32>,
        %get3A_394 = vector.shape_cast %get3A_393 : vector<1x16xf32> to vector<16xf32>
        %swap3A_395 = arith.index_cast %scan3A_381 : i32 to index
        %swap3A_396 = arith.constant 16 : index
        %swap3A_397 = tpu.vector_load %arg12[%swap3A_395, %swap3A_396] {strides = array<i32>} : memref<200x64xf32, #tpu.memory_space<vmem>>, vector<1x16xf32>,
        %swap3A_398 = vector.shape_cast %swap3A_397 : vector<1x16xf32> to vector<16xf32>
        %swap3A_399 = vector.shape_cast %get3A_394 : vector<16xf32> to vector<1x16xf32>
        tpu.vector_store %arg12[%swap3A_395, %swap3A_396], %swap3A_399 {strides = array<i32>} : memref<200x64xf32, #tpu.memory_space<vmem>>, vector<1x16xf32>,
        %get3A_400 = arith.index_cast %scan3A_381 : i32 to index
        %get3A_401 = arith.constant 32 : index
        %get3A_402 = tpu.vector_load %arg10[%get3A_400, %get3A_401] {strides = array<i32>} : memref<200x128xf32, #tpu.memory_space<vmem>>, vector<1x16xf32>,
        %get3A_403 = vector.shape_cast %get3A_402 : vector<1x16xf32> to vector<16xf32>
        %swap3A_404 = arith.index_cast %scan3A_381 : i32 to index
        %swap3A_405 = arith.constant 32 : index
        %swap3A_406 = tpu.vector_load %arg12[%swap3A_404, %swap3A_405] {strides = array<i32>} : memref<200x64xf32, #tpu.memory_space<vmem>>, vector<1x16xf32>,
        %swap3A_407 = vector.shape_cast %swap3A_406 : vector<1x16xf32> to vector<16xf32>
        %swap3A_408 = vector.shape_cast %get3A_403 : vector<16xf32> to vector<1x16xf32>
        tpu.vector_store %arg12[%swap3A_404, %swap3A_405], %swap3A_408 {strides = array<i32>} : memref<200x64xf32, #tpu.memory_space<vmem>>, vector<1x16xf32>,
        %get3A_409 = arith.index_cast %scan3A_381 : i32 to index
        %get3A_410 = arith.constant 48 : index
        %get3A_411 = tpu.vector_load %arg10[%get3A_409, %get3A_410] {strides = array<i32>} : memref<200x128xf32, #tpu.memory_space<vmem>>, vector<1x16xf32>,
        %get3A_412 = vector.shape_cast %get3A_411 : vector<1x16xf32> to vector<16xf32>
        %swap3A_413 = arith.index_cast %scan3A_381 : i32 to index
        %swap3A_414 = arith.constant 48 : index
        %swap3A_415 = tpu.vector_load %arg12[%swap3A_413, %swap3A_414] {strides = array<i32>} : memref<200x64xf32, #tpu.memory_space<vmem>>, vector<1x16xf32>,
        %swap3A_416 = vector.shape_cast %swap3A_415 : vector<1x16xf32> to vector<16xf32>
        %swap3A_417 = vector.shape_cast %get3A_412 : vector<16xf32> to vector<1x16xf32>
        tpu.vector_store %arg12[%swap3A_413, %swap3A_414], %swap3A_417 {strides = array<i32>} : memref<200x64xf32, #tpu.memory_space<vmem>>, vector<1x16xf32>,
        %scan3A_418 = arith.constant 5 : i32
        %scan3A_419 = arith.addi %scan3A_231, %scan3A_418 : i32
        %get3A_420 = arith.index_cast %scan3A_419 : i32 to index
        %get3A_421 = arith.constant 0 : index
        %get3A_422 = tpu.vector_load %arg10[%get3A_420, %get3A_421] {strides = array<i32>} : memref<200x128xf32, #tpu.memory_space<vmem>>, vector<1x16xf32>,
        %get3A_423 = vector.shape_cast %get3A_422 : vector<1x16xf32> to vector<16xf32>
        %swap3A_424 = arith.index_cast %scan3A_419 : i32 to index
        %swap3A_425 = arith.constant 0 : index
        %swap3A_426 = tpu.vector_load %arg12[%swap3A_424, %swap3A_425] {strides = array<i32>} : memref<200x64xf32, #tpu.memory_space<vmem>>, vector<1x16xf32>,
        %swap3A_427 = vector.shape_cast %swap3A_426 : vector<1x16xf32> to vector<16xf32>
        %swap3A_428 = vector.shape_cast %get3A_423 : vector<16xf32> to vector<1x16xf32>
        tpu.vector_store %arg12[%swap3A_424, %swap3A_425], %swap3A_428 {strides = array<i32>} : memref<200x64xf32, #tpu.memory_space<vmem>>, vector<1x16xf32>,
        %get3A_429 = arith.index_cast %scan3A_419 : i32 to index
        %get3A_430 = arith.constant 16 : index
        %get3A_431 = tpu.vector_load %arg10[%get3A_429, %get3A_430] {strides = array<i32>} : memref<200x128xf32, #tpu.memory_space<vmem>>, vector<1x16xf32>,
        %get3A_432 = vector.shape_cast %get3A_431 : vector<1x16xf32> to vector<16xf32>
        %swap3A_433 = arith.index_cast %scan3A_419 : i32 to index
        %swap3A_434 = arith.constant 16 : index
        %swap3A_435 = tpu.vector_load %arg12[%swap3A_433, %swap3A_434] {strides = array<i32>} : memref<200x64xf32, #tpu.memory_space<vmem>>, vector<1x16xf32>,
        %swap3A_436 = vector.shape_cast %swap3A_435 : vector<1x16xf32> to vector<16xf32>
        %swap3A_437 = vector.shape_cast %get3A_432 : vector<16xf32> to vector<1x16xf32>
        tpu.vector_store %arg12[%swap3A_433, %swap3A_434], %swap3A_437 {strides = array<i32>} : memref<200x64xf32, #tpu.memory_space<vmem>>, vector<1x16xf32>,
        %get3A_438 = arith.index_cast %scan3A_419 : i32 to index
        %get3A_439 = arith.constant 32 : index
        %get3A_440 = tpu.vector_load %arg10[%get3A_438, %get3A_439] {strides = array<i32>} : memref<200x128xf32, #tpu.memory_space<vmem>>, vector<1x16xf32>,
        %get3A_441 = vector.shape_cast %get3A_440 : vector<1x16xf32> to vector<16xf32>
        %swap3A_442 = arith.index_cast %scan3A_419 : i32 to index
        %swap3A_443 = arith.constant 32 : index
        %swap3A_444 = tpu.vector_load %arg12[%swap3A_442, %swap3A_443] {strides = array<i32>} : memref<200x64xf32, #tpu.memory_space<vmem>>, vector<1x16xf32>,
        %swap3A_445 = vector.shape_cast %swap3A_444 : vector<1x16xf32> to vector<16xf32>
        %swap3A_446 = vector.shape_cast %get3A_441 : vector<16xf32> to vector<1x16xf32>
        tpu.vector_store %arg12[%swap3A_442, %swap3A_443], %swap3A_446 {strides = array<i32>} : memref<200x64xf32, #tpu.memory_space<vmem>>, vector<1x16xf32>,
        %get3A_447 = arith.index_cast %scan3A_419 : i32 to index
        %get3A_448 = arith.constant 48 : index
        %get3A_449 = tpu.vector_load %arg10[%get3A_447, %get3A_448] {strides = array<i32>} : memref<200x128xf32, #tpu.memory_space<vmem>>, vector<1x16xf32>,
        %get3A_450 = vector.shape_cast %get3A_449 : vector<1x16xf32> to vector<16xf32>
        %swap3A_451 = arith.index_cast %scan3A_419 : i32 to index
        %swap3A_452 = arith.constant 48 : index
        %swap3A_453 = tpu.vector_load %arg12[%swap3A_451, %swap3A_452] {strides = array<i32>} : memref<200x64xf32, #tpu.memory_space<vmem>>, vector<1x16xf32>,
        %swap3A_454 = vector.shape_cast %swap3A_453 : vector<1x16xf32> to vector<16xf32>
        %swap3A_455 = vector.shape_cast %get3A_450 : vector<16xf32> to vector<1x16xf32>
        tpu.vector_store %arg12[%swap3A_451, %swap3A_452], %swap3A_455 {strides = array<i32>} : memref<200x64xf32, #tpu.memory_space<vmem>>, vector<1x16xf32>,
        %scan3A_456 = arith.constant 6 : i32
        %scan3A_457 = arith.addi %scan3A_231, %scan3A_456 : i32
        %get3A_458 = arith.index_cast %scan3A_457 : i32 to index
        %get3A_459 = arith.constant 0 : index
        %get3A_460 = tpu.vector_load %arg10[%get3A_458, %get3A_459] {strides = array<i32>} : memref<200x128xf32, #tpu.memory_space<vmem>>, vector<1x16xf32>,
        %get3A_461 = vector.shape_cast %get3A_460 : vector<1x16xf32> to vector<16xf32>
        %swap3A_462 = arith.index_cast %scan3A_457 : i32 to index
        %swap3A_463 = arith.constant 0 : index
        %swap3A_464 = tpu.vector_load %arg12[%swap3A_462, %swap3A_463] {strides = array<i32>} : memref<200x64xf32, #tpu.memory_space<vmem>>, vector<1x16xf32>,
        %swap3A_465 = vector.shape_cast %swap3A_464 : vector<1x16xf32> to vector<16xf32>
        %swap3A_466 = vector.shape_cast %get3A_461 : vector<16xf32> to vector<1x16xf32>
        tpu.vector_store %arg12[%swap3A_462, %swap3A_463], %swap3A_466 {strides = array<i32>} : memref<200x64xf32, #tpu.memory_space<vmem>>, vector<1x16xf32>,
        %get3A_467 = arith.index_cast %scan3A_457 : i32 to index
        %get3A_468 = arith.constant 16 : index
        %get3A_469 = tpu.vector_load %arg10[%get3A_467, %get3A_468] {strides = array<i32>} : memref<200x128xf32, #tpu.memory_space<vmem>>, vector<1x16xf32>,
        %get3A_470 = vector.shape_cast %get3A_469 : vector<1x16xf32> to vector<16xf32>
        %swap3A_471 = arith.index_cast %scan3A_457 : i32 to index
        %swap3A_472 = arith.constant 16 : index
        %swap3A_473 = tpu.vector_load %arg12[%swap3A_471, %swap3A_472] {strides = array<i32>} : memref<200x64xf32, #tpu.memory_space<vmem>>, vector<1x16xf32>,
        %swap3A_474 = vector.shape_cast %swap3A_473 : vector<1x16xf32> to vector<16xf32>
        %swap3A_475 = vector.shape_cast %get3A_470 : vector<16xf32> to vector<1x16xf32>
        tpu.vector_store %arg12[%swap3A_471, %swap3A_472], %swap3A_475 {strides = array<i32>} : memref<200x64xf32, #tpu.memory_space<vmem>>, vector<1x16xf32>,
        %get3A_476 = arith.index_cast %scan3A_457 : i32 to index
        %get3A_477 = arith.constant 32 : index
        %get3A_478 = tpu.vector_load %arg10[%get3A_476, %get3A_477] {strides = array<i32>} : memref<200x128xf32, #tpu.memory_space<vmem>>, vector<1x16xf32>,
        %get3A_479 = vector.shape_cast %get3A_478 : vector<1x16xf32> to vector<16xf32>
        %swap3A_480 = arith.index_cast %scan3A_457 : i32 to index
        %swap3A_481 = arith.constant 32 : index
        %swap3A_482 = tpu.vector_load %arg12[%swap3A_480, %swap3A_481] {strides = array<i32>} : memref<200x64xf32, #tpu.memory_space<vmem>>, vector<1x16xf32>,
        %swap3A_483 = vector.shape_cast %swap3A_482 : vector<1x16xf32> to vector<16xf32>
        %swap3A_484 = vector.shape_cast %get3A_479 : vector<16xf32> to vector<1x16xf32>
        tpu.vector_store %arg12[%swap3A_480, %swap3A_481], %swap3A_484 {strides = array<i32>} : memref<200x64xf32, #tpu.memory_space<vmem>>, vector<1x16xf32>,
        %get3A_485 = arith.index_cast %scan3A_457 : i32 to index
        %get3A_486 = arith.constant 48 : index
        %get3A_487 = tpu.vector_load %arg10[%get3A_485, %get3A_486] {strides = array<i32>} : memref<200x128xf32, #tpu.memory_space<vmem>>, vector<1x16xf32>,
        %get3A_488 = vector.shape_cast %get3A_487 : vector<1x16xf32> to vector<16xf32>
        %swap3A_489 = arith.index_cast %scan3A_457 : i32 to index
        %swap3A_490 = arith.constant 48 : index
        %swap3A_491 = tpu.vector_load %arg12[%swap3A_489, %swap3A_490] {strides = array<i32>} : memref<200x64xf32, #tpu.memory_space<vmem>>, vector<1x16xf32>,
        %swap3A_492 = vector.shape_cast %swap3A_491 : vector<1x16xf32> to vector<16xf32>
        %swap3A_493 = vector.shape_cast %get3A_488 : vector<16xf32> to vector<1x16xf32>
        tpu.vector_store %arg12[%swap3A_489, %swap3A_490], %swap3A_493 {strides = array<i32>} : memref<200x64xf32, #tpu.memory_space<vmem>>, vector<1x16xf32>,
        %scan3A_494 = arith.constant 7 : i32
        %scan3A_495 = arith.addi %scan3A_231, %scan3A_494 : i32
        %get3A_496 = arith.index_cast %scan3A_495 : i32 to index
        %get3A_497 = arith.constant 0 : index
        %get3A_498 = tpu.vector_load %arg10[%get3A_496, %get3A_497] {strides = array<i32>} : memref<200x128xf32, #tpu.memory_space<vmem>>, vector<1x16xf32>,
        %get3A_499 = vector.shape_cast %get3A_498 : vector<1x16xf32> to vector<16xf32>
        %swap3A_500 = arith.index_cast %scan3A_495 : i32 to index
        %swap3A_501 = arith.constant 0 : index
        %swap3A_502 = tpu.vector_load %arg12[%swap3A_500, %swap3A_501] {strides = array<i32>} : memref<200x64xf32, #tpu.memory_space<vmem>>, vector<1x16xf32>,
        %swap3A_503 = vector.shape_cast %swap3A_502 : vector<1x16xf32> to vector<16xf32>
        %swap3A_504 = vector.shape_cast %get3A_499 : vector<16xf32> to vector<1x16xf32>
        tpu.vector_store %arg12[%swap3A_500, %swap3A_501], %swap3A_504 {strides = array<i32>} : memref<200x64xf32, #tpu.memory_space<vmem>>, vector<1x16xf32>,
        %get3A_505 = arith.index_cast %scan3A_495 : i32 to index
        %get3A_506 = arith.constant 16 : index
        %get3A_507 = tpu.vector_load %arg10[%get3A_505, %get3A_506] {strides = array<i32>} : memref<200x128xf32, #tpu.memory_space<vmem>>, vector<1x16xf32>,
        %get3A_508 = vector.shape_cast %get3A_507 : vector<1x16xf32> to vector<16xf32>
        %swap3A_509 = arith.index_cast %scan3A_495 : i32 to index
        %swap3A_510 = arith.constant 16 : index
        %swap3A_511 = tpu.vector_load %arg12[%swap3A_509, %swap3A_510] {strides = array<i32>} : memref<200x64xf32, #tpu.memory_space<vmem>>, vector<1x16xf32>,
        %swap3A_512 = vector.shape_cast %swap3A_511 : vector<1x16xf32> to vector<16xf32>
        %swap3A_513 = vector.shape_cast %get3A_508 : vector<16xf32> to vector<1x16xf32>
        tpu.vector_store %arg12[%swap3A_509, %swap3A_510], %swap3A_513 {strides = array<i32>} : memref<200x64xf32, #tpu.memory_space<vmem>>, vector<1x16xf32>,
        %get3A_514 = arith.index_cast %scan3A_495 : i32 to index
        %get3A_515 = arith.constant 32 : index
        %get3A_516 = tpu.vector_load %arg10[%get3A_514, %get3A_515] {strides = array<i32>} : memref<200x128xf32, #tpu.memory_space<vmem>>, vector<1x16xf32>,
        %get3A_517 = vector.shape_cast %get3A_516 : vector<1x16xf32> to vector<16xf32>
        %swap3A_518 = arith.index_cast %scan3A_495 : i32 to index
        %swap3A_519 = arith.constant 32 : index
        %swap3A_520 = tpu.vector_load %arg12[%swap3A_518, %swap3A_519] {strides = array<i32>} : memref<200x64xf32, #tpu.memory_space<vmem>>, vector<1x16xf32>,
        %swap3A_521 = vector.shape_cast %swap3A_520 : vector<1x16xf32> to vector<16xf32>
        %swap3A_522 = vector.shape_cast %get3A_517 : vector<16xf32> to vector<1x16xf32>
        tpu.vector_store %arg12[%swap3A_518, %swap3A_519], %swap3A_522 {strides = array<i32>} : memref<200x64xf32, #tpu.memory_space<vmem>>, vector<1x16xf32>,
        %get3A_523 = arith.index_cast %scan3A_495 : i32 to index
        %get3A_524 = arith.constant 48 : index
        %get3A_525 = tpu.vector_load %arg10[%get3A_523, %get3A_524] {strides = array<i32>} : memref<200x128xf32, #tpu.memory_space<vmem>>, vector<1x16xf32>,
        %get3A_526 = vector.shape_cast %get3A_525 : vector<1x16xf32> to vector<16xf32>
        %swap3A_527 = arith.index_cast %scan3A_495 : i32 to index
        %swap3A_528 = arith.constant 48 : index
        %swap3A_529 = tpu.vector_load %arg12[%swap3A_527, %swap3A_528] {strides = array<i32>} : memref<200x64xf32, #tpu.memory_space<vmem>>, vector<1x16xf32>,
        %swap3A_530 = vector.shape_cast %swap3A_529 : vector<1x16xf32> to vector<16xf32>
        %swap3A_531 = vector.shape_cast %get3A_526 : vector<16xf32> to vector<1x16xf32>
        tpu.vector_store %arg12[%swap3A_527, %swap3A_528], %swap3A_531 {strides = array<i32>} : memref<200x64xf32, #tpu.memory_space<vmem>>, vector<1x16xf32>,
      }
      %scan3A_215 = arith.constant 200 : i32
      %mul3A_216 = arith.constant 200 : i32
      %mul3A_217 = arith.muli %add3A_206, %mul3A_216 : i32
      %add3A_218 = arith.addi %mul3A_2, %mul3A_217 : i32
      %multiple_of3A_219 = tpu.assume_multiple %add3A_218, 8 : i32
      %dma_start3A_220 = arith.constant 0 : i32
      %dma_start3A_221 = tpu.memref_slice %arg4[%multiple_of3A_219, %dma_start3A_220] : memref<819200x64xf32, #tpu.memory_space<hbm>> -> memref<200x64xf32, #tpu.memory_space<hbm>>
      %dma_start3A_222 = arith.constant 0 : i32
      %dma_start3A_223 = tpu.memref_slice %arg4[%multiple_of3A_219, %dma_start3A_222] : memref<819200x64xf32, #tpu.memory_space<hbm>> -> memref<200x64xf32, #tpu.memory_space<hbm>>
      tpu.enqueue_dma source(%arg12 : memref<200x64xf32, #tpu.memory_space<vmem>>) target(%dma_start3A_223 : memref<200x64xf32, #tpu.memory_space<hbm>>) target_semaphore(%arg20 : memref<!tpu.dma_semaphore, #tpu.memory_space<semaphore_mem>>)
      %add3A_224 = arith.constant 2 : i32
      %add3A_225 = arith.addi %add3A_135, %add3A_224 : i32
      %lt3A_226 = arith.constant 64 : i32
      %lt3A_227 = arith.cmpi slt, %add3A_225, %lt3A_226 : i32
      %convert_element_type3A_228 = arith.extui %lt3A_227 : i1 to i32
      %cond3A_229 = arith.constant 0 : i32
      %cond3A_230 = arith.cmpi ne, %convert_element_type3A_228, %cond3A_229 : i32
      scf.if %cond3A_230 {
        %add3A_231 = arith.constant 2 : i32
        %add3A_232 = arith.addi %add3A_135, %add3A_231 : i32
        %mul3A_233 = arith.constant 2 : i32
        %mul3A_234 = arith.muli %mul3A_233, %add3A_232 : i32
        %add3A_235 = arith.constant 0 : i32
        %add3A_236 = arith.addi %mul3A_234, %add3A_235 : i32
        %mul3A_237 = arith.constant 200 : i32
        %mul3A_238 = arith.muli %add3A_236, %mul3A_237 : i32
        %add3A_239 = arith.addi %mul3A_2, %mul3A_238 : i32
        %multiple_of3A_240 = tpu.assume_multiple %add3A_239, 8 : i32
        %dma_start3A_241 = tpu.memref_slice %arg3[%multiple_of3A_240] : memref<819200xi32, #tpu.memory_space<hbm>> -> memref<200xi32, #tpu.memory_space<hbm>>
        %dma_start3A_242 = tpu.memref_slice %arg3[%multiple_of3A_240] : memref<819200xi32, #tpu.memory_space<hbm>> -> memref<200xi32, #tpu.memory_space<hbm>>
        tpu.enqueue_dma source(%dma_start3A_242 : memref<200xi32, #tpu.memory_space<hbm>>) target(%arg7 : memref<200xi32, #tpu.memory_space<vmem>>) target_semaphore(%arg15 : memref<!tpu.dma_semaphore, #tpu.memory_space<semaphore_mem>>)
        %add3A_243 = arith.constant 2 : i32
        %add3A_244 = arith.addi %add3A_135, %add3A_243 : i32
        %mul3A_245 = arith.constant 2 : i32
        %mul3A_246 = arith.muli %mul3A_245, %add3A_244 : i32
        %add3A_247 = arith.constant 1 : i32
        %add3A_248 = arith.addi %mul3A_246, %add3A_247 : i32
        %mul3A_249 = arith.constant 200 : i32
        %mul3A_250 = arith.muli %add3A_248, %mul3A_249 : i32
        %add3A_251 = arith.addi %mul3A_2, %mul3A_250 : i32
        %multiple_of3A_252 = tpu.assume_multiple %add3A_251, 8 : i32
        %dma_start3A_253 = tpu.memref_slice %arg3[%multiple_of3A_252] : memref<819200xi32, #tpu.memory_space<hbm>> -> memref<200xi32, #tpu.memory_space<hbm>>
        %dma_start3A_254 = tpu.memref_slice %arg3[%multiple_of3A_252] : memref<819200xi32, #tpu.memory_space<hbm>> -> memref<200xi32, #tpu.memory_space<hbm>>
        tpu.enqueue_dma source(%dma_start3A_254 : memref<200xi32, #tpu.memory_space<hbm>>) target(%arg8 : memref<200xi32, #tpu.memory_space<vmem>>) target_semaphore(%arg16 : memref<!tpu.dma_semaphore, #tpu.memory_space<semaphore_mem>>)
      } else {
      }
    }
    %scan3A_25 = arith.constant 32 : i32
    %add3A_26 = arith.constant 25200 : i32
    %add3A_27 = arith.addi %mul3A_2, %add3A_26 : i32
    %multiple_of3A_28 = tpu.assume_multiple %add3A_27, 8 : i32
    %dma_wait3A = arith.constant 0 : i32
    %dma_wait3A_29 = tpu.memref_slice %arg4[%multiple_of3A_28, %dma_wait3A] : memref<819200x64xf32, #tpu.memory_space<hbm>> -> memref<200x64xf32, #tpu.memory_space<hbm>>
    %dma_wait3A_30 = arith.constant 0 : i32
    %dma_wait3A_31 = tpu.memref_slice %arg4[%multiple_of3A_28, %dma_wait3A_30] : memref<819200x64xf32, #tpu.memory_space<hbm>> -> memref<200x64xf32, #tpu.memory_space<hbm>>
    tpu.wait_dma2 semaphore(%arg19 : memref<!tpu.dma_semaphore, #tpu.memory_space<semaphore_mem>>) src(%arg11 : memref<200x64xf32, #tpu.memory_space<vmem>>) dst(%dma_wait3A_31 : memref<200x64xf32, #tpu.memory_space<hbm>>)
    %add3A_32 = arith.constant 25400 : i32
    %add3A_33 = arith.addi %mul3A_2, %add3A_32 : i32
    %multiple_of3A_34 = tpu.assume_multiple %add3A_33, 8 : i32
    %dma_wait3A_35 = arith.constant 0 : i32
    %dma_wait3A_36 = tpu.memref_slice %arg4[%multiple_of3A_34, %dma_wait3A_35] : memref<819200x64xf32, #tpu.memory_space<hbm>> -> memref<200x64xf32, #tpu.memory_space<hbm>>
    %dma_wait3A_37 = arith.constant 0 : i32
    %dma_wait3A_38 = tpu.memref_slice %arg4[%multiple_of3A_34, %dma_wait3A_37] : memref<819200x64xf32, #tpu.memory_space<hbm>> -> memref<200x64xf32, #tpu.memory_space<hbm>>
    tpu.wait_dma2 semaphore(%arg20 : memref<!tpu.dma_semaphore, #tpu.memory_space<semaphore_mem>>) src(%arg12 : memref<200x64xf32, #tpu.memory_space<vmem>>) dst(%dma_wait3A_38 : memref<200x64xf32, #tpu.memory_space<hbm>>)
    return
  }
}

</mosaic_0001>

<sc_bundles>
// kernel: kernel.3.cloned.1.call-start
scs
__scs_entry_jumppad:
0x0: {  	(pc) =	sbr.rel $0x88, $3  }
0x1: {  	(tag) =	ssettag $0x0;
	lr =	simm.s32 $0x1  }
0x2: {  	[smem:$0x3F9F] =	sst lr;
	_ =	strace $0xD0000000  }
0x3: {  	_ = 	snop  }
0x4: {  	_ = 	snop  }
0x5: {  	_ = 	snop  }
0x6: {  	_ = 	snop  }
0x7: {  	_ = 	snop  }
__scs_overlays_trampoline_lowered:
0x8: {  	[smem:$0x3FAE] =	sst s0  }
0x9: {  	[smem:$0x3FAF] =	sst s1  }
0xa: {  	[smem:$0x3FB0] =	sst s2  }
0xb: {  	[smem:$0x3FB1] =	sst s3  }
0xc: {  	[smem:$0x3FB2] =	sst s4  }
0xd: {  	[smem:$0x3FB3] =	sst s5  }
0xe: {  	[smem:$0x3FB4] =	sst s6  }
0xf: {  	[smem:$0x3FB5] =	sst s7  }
0x10: {  	[smem:$0x3FB6] =	sst s8  }
0x11: {  	[smem:$0x3FB7] =	sst s9;
	s0 =	simm.s32 @!p0 $0x0  }
0x12: {  	s1 =	sld [smem:$0x3F9D];
	s0 =	simm.s32 @p0 $0x1  }
0x13: {  	[smem:$0x3FB8] =	sst s0;
	s0 =	simm.s32 @!p1 $0x0  }
0x14: {  	s2 =	sld [smem:$0x3F9C];
	s0 =	simm.s32 @p1 $0x1  }
0x15: {  	[smem:$0x3FB9] =	sst s0;
	s0 =	simm.s32 @!p2 $0x0  }
0x16: {  	s3 =	sld [smem:$0x3FDB];
	s0 =	simm.s32 @p2 $0x1  }
0x17: {  	s4 =	simm.s32 $0x1BF5;
	[smem:$0x3FBB] =	sst s0  }
0x18: {  	s0 =	sld [smem:$0x3F9E];
	_ =	swait.ge [sflag:s4], $0x0  }
0x19: {  	s7 =	sld [smem:$0x3F9F]  }
0x1a: {  	s8 =	sadd.s32 $0xFFFFE003, lr  }
0x1b: {  	s9 =	sadd.s32 $0xFFFFFEF7, lr;
	s5 =	simm.s32 $0xFFFFFFFF;
	p2 =	slt.u32 s8, $0xFFFFF086  }
0x1c: {  	p1 =	slt.u32 s9, $0xF7A;
	s5 =	simm.s32 @!p2 $0x0  }
0x1d: {  	s5 =	simm.s32 @p1 $0x1;
	p0 =	seq.s32 s7, s2  }
0x1e: {  	s7 =	smul.u32 @!p0 $0xF7A, s2;
	p2 =	seq.s32 @!p0 s5, $0x0  }
0x1f: {  	s9 =	smul.u32 $0xF7A, s1;
	s8 =	simm.s32 @!p0 $0x1BF5;
	p2 =	por !p2, p0  }
0x20: {  	[sflag:s8] =	ssyncset.s32 @!p0 $0xFFFFF086;
	s6 =	sadd.s32 @!p0 s3, s7;
	s7 =	simm.s32 @!p0 $0x108  }
0x21: {  	s3 =	sadd.s32 s3, s9;
	s6 =	sadd.s32 @!p0 $0x88, s6;
	s7 =	simm.s32 @p2 $0x1082  }
0x22: {  	[simem:s7], [sflag:s8] =	dma.local @!p0 [hbm:s6], $0xF7A  }
0x23: {  	s9 =	sor.u32 $0xD0000000, s2;
	s6 =	simm.s32 $0x108;
	_ =	swait.ge @!p0 [sflag:s8], $0x0  }
0x24: {  	s3 =	sadd.s32 $0x88, s3;
	s6 =	simm.s32 @!p1 $0x1082;
	[sflag:s4] =	ssyncset.s32 $0xFFFFF086  }
0x25: {  	[simem:s6], [sflag:s4] =	dma.local [hbm:s3], $0xF7A  }
0x26: {  	[smem:$0x3F9F] =	sst s1;
	(tag) =	ssettag s2;
	_ =	strace s9  }
0x27: {  	s1 =	sld [smem:$0x3FAF]  }
0x28: {  	s2 =	sld [smem:$0x3FB0]  }
0x29: {  	s4 =	sld [smem:$0x3FB2]  }
0x2a: {  	p0 =	seq.s32 s5, $0x0;
	s5 =	sld [smem:$0x3FB3]  }
0x2b: {  	s6 =	sld [smem:$0x3FB4]  }
0x2c: {  	s7 =	sld [smem:$0x3FB5]  }
0x2d: {  	s3 =	simm.s32 $0x108;
	s8 =	sld [smem:$0x3FB6]  }
0x2e: {  	s3 =	simm.s32 @!p0 $0x1082;
	s9 =	sld [smem:$0x3FB7]  }
0x2f: {  	lr =	sadd.s32 s0, s3;
	s0 =	sld [smem:$0x3FAE]  }
0x30: {  	s3 =	sld [smem:$0x3FB1]  }
0x31: {  	[smem:$0x3FBA] =	sst s10  }
0x32: {  	s10 =	sld [smem:$0x3FB8];
	_ =	sdelay $0x3  }
0x33: {  	p0 =	seq.s32 s10, $0x1;
	s10 =	sld [smem:$0x3FBA];
	_ =	sdelay $0x3  }
0x34: {  	[smem:$0x3FBA] =	sst s10  }
0x35: {  	s10 =	sld [smem:$0x3FB9];
	_ =	sdelay $0x3  }
0x36: {  	p1 =	seq.s32 s10, $0x1;
	s10 =	sld [smem:$0x3FBA];
	_ =	sdelay $0x3  }
0x37: {  	[smem:$0x3FBA] =	sst s10  }
0x38: {  	s10 =	sld [smem:$0x3FBB]  }
0x39: {  	_ = 	snop;
	(pc) =	sbr.ind lr, $3  }
0x3a: {  	_ = 	snop  }
0x3b: {  	_ = 	snop  }
0x3c: {  	p2 =	seq.s32 s10, $0x1;
	s10 =	sld [smem:$0x3FBA]  }
0x3d: {  	_ =	shalt  }
0x3e: {  	_ =	shalt  }
0x3f: {  	_ =	shalt  }
0x40: {  	_ =	shalt  }
0x41: {  	_ =	shalt  }
0x42: {  	_ =	shalt  }
0x43: {  	_ =	shalt  }
0x44: {  	_ =	shalt  }
0x45: {  	_ =	shalt  }
0x46: {  	_ =	shalt  }
0x47: {  	_ =	shalt  }
0x48: {  	_ =	shalt  }
0x49: {  	_ =	shalt  }
0x4a: {  	_ =	shalt  }
0x4b: {  	_ =	shalt  }
0x4c: {  	_ =	shalt  }
0x4d: {  	_ =	shalt  }
0x4e: {  	_ =	shalt  }
0x4f: {  	_ =	shalt  }
0x50: {  	_ =	shalt  }
0x51: {  	_ =	shalt  }
0x52: {  	_ =	shalt  }
0x53: {  	_ =	shalt  }
0x54: {  	_ =	shalt  }
0x55: {  	_ =	shalt  }
0x56: {  	_ =	shalt  }
0x57: {  	_ =	shalt  }
0x58: {  	_ =	shalt  }
0x59: {  	_ =	shalt  }
0x5a: {  	_ =	shalt  }
0x5b: {  	_ =	shalt  }
0x5c: {  	_ =	shalt  }
0x5d: {  	_ =	shalt  }
0x5e: {  	_ =	shalt  }
0x5f: {  	_ =	shalt  }
0x60: {  	_ =	shalt  }
0x61: {  	_ =	shalt  }
0x62: {  	_ =	shalt  }
0x63: {  	_ =	shalt  }
0x64: {  	_ =	shalt  }
0x65: {  	_ =	shalt  }
0x66: {  	_ =	shalt  }
0x67: {  	_ =	shalt  }
0x68: {  	_ =	shalt  }
0x69: {  	_ =	shalt  }
0x6a: {  	_ =	shalt  }
0x6b: {  	_ =	shalt  }
0x6c: {  	_ =	shalt  }
0x6d: {  	_ =	shalt  }
0x6e: {  	_ =	shalt  }
0x6f: {  	_ =	shalt  }
0x70: {  	_ =	shalt  }
0x71: {  	_ =	shalt  }
0x72: {  	_ =	shalt  }
0x73: {  	_ =	shalt  }
0x74: {  	_ =	shalt  }
0x75: {  	_ =	shalt  }
0x76: {  	_ =	shalt  }
0x77: {  	_ =	shalt  }
0x78: {  	_ =	shalt  }
0x79: {  	_ =	shalt  }
0x7a: {  	_ =	shalt  }
0x7b: {  	_ =	shalt  }
0x7c: {  	_ =	shalt  }
0x7d: {  	_ =	shalt  }
0x7e: {  	_ =	shalt  }
0x7f: {  	_ =	shalt  }
0x80: {  	_ =	shalt  }
0x81: {  	_ =	shalt  }
0x82: {  	_ =	shalt  }
0x83: {  	_ =	shalt  }
0x84: {  	_ =	shalt  }
0x85: {  	_ =	shalt  }
0x86: {  	_ =	shalt  }
0x87: {  	_ =	shalt  }
.Lfunc_end0:
.L_simem_size_0:
called_computation.1_lowered:
.L_overlay_start_0:
0x88: {  	s2 =	sld [smem:$0x3FD9]  }
0x89: {  	s3 =	sld [smem:$0x3FFE];
	_ =	sdelay $0x1  }
0x8a: {  	s1 =	srdreg.scid  }
0x8b: {  	s0 =	sand.u32 $0x1, s1  }
0x8c: {  	s17 =	sshll.u32 s0, $0xA;
	s2 =	sadd.s32 s3, s2  }
0x8d: {  	s2 =	sadd.s32 s2, s17  }
0x8e: {  	[smem:$0x3FC6] =	sst s2  }
0x8f: {  	_ = 	snop  }
0x90: {  	s2 =	sld [smem:$0x3FD0];
	(tm) =	ssettm $0x1  }
0x91: {  	s18 =	sld [smem:$0x3FFB];
	_ =	sdelay $0x3  }
0x92: {  	_ =	strace s18  }
0x93: {  	s3 =	sld [smem:$0x3FFC];
	_ =	sdelay $0x3  }
0x94: {  	_ =	strace s3  }
0x95: {  	s3 =	sld [smem:$0x3FFD];
	_ =	sdelay $0x3  }
0x96: {  	_ =	strace s3  }
0x97: {  	_ =	strace $0x8FFFFFFF  }
0x98: {  	s19 =	sld [smem:$0x3FDB];
	_ =	sdelay $0x1  }
0x99: {  	s4 =	simm.s32 $_scs_section_size  }
0x9a: {  	s5 =	simm.s32 $_size__tile_overlayer_lowered;
	s6 =	simm.s32 $_tile_overlayer_lowered  }
0x9b: {  	s22 =	simm.s32 $0x1BFF;
	s21 =	sshll.u32 s6, $0x1;
	s3 =	sadd.s32 s4, s19  }
0x9c: {  	s7 =	simm.s32 $0x0;
	s20 =	sshll.u32 s5, $0x1;
	s5 =	sadd.s32 s21, s3  }
0x9d: {  	[timem:s7], [sflag:s22] =	dma.local [hbm:s5], s20  }
0x9e: {  	_ =	swait.ge [sflag:s22], s20  }
0x9f: {  	s4 =	ssub.s32 $0x0, s20;
	[sflag:s22] =	ssyncset.done $0x0  }
0xa0: {  	[sflag:s22] =	ssyncadd.s32 s4;
	_ =	sdelay $0x1  }
0xa1: {  	s23 =	simm.s32 $0x1B8B  }
0xa2: {  	_ =	swait.ge [sflag:s23], $0x1  }
0xa3: {  	[sflag:s23] =	ssyncset.done $0x0  }
0xa4: {  	s25 =	simm.s32 $0x1B8E;
	s24 =	sld [smem:$0x3FFE];
	[sflag:s23] =	ssyncadd.s32 $0xFFFFFFFF  }
0xa5: {  	s26 =	simm.s32 $execute0_lowered;
	[smem:$0x3FD2] =	sst s25  }
0xa6: {  	s5 =	sshll.u32 s26, $0x1;
	_ =	strace $0x80000046;
	[dreg:$0x1] =	wrdreg $0xFFFFFFFF  }
0xa7: {  	s28 =	simm.s32 $_size_execute0_lowered;
	s3 =	sadd.s32 s3, s5;
	[dreg:$0x0] =	wrdreg $0x0  }
0xa8: {  	s5 =	sshll.u32 s28, $0x1;
	[dreg:$0x2] =	wrdreg s3  }
0xa9: {  	[dreg:$0x3] =	wrdreg s5  }
0xaa: {  	[dreg:$0x4] =	wrdreg $0xC0  }
0xab: {  	_ =	task [dreg:s7], $0x5FFFF  }
0xac: {  	[dreg:$0x1] =	wrdreg $0xFFFFFFFF  }
0xad: {  	[dreg:$0x0] =	wrdreg $0x60  }
0xae: {  	[dreg:$0x2] =	wrdreg s24  }
0xaf: {  	[dreg:$0x3] =	wrdreg s2  }
0xb0: {  	[dreg:$0x4] =	wrdreg $0x9  }
0xb1: {  	_ =	task.clear_ibuf [dreg:s7], $0x5FFFF;
	_ =	strace $0x90000046  }
0xb2: {  	s29 =	simm.s32 $0x9;
	_ =	strace $0x80000048  }
0xb3: {  	_ =	swait.ge [sflag:s29], $0x1  }
0xb4: {  	[sflag:s29] =	ssyncadd.s32 $0xFFFFFFFF  }
0xb5: {  	_ =	strace $0x90000048  }
0xb6: {  	_ =	sfence  }
0xb7: {  	s30 =	sld [smem:$0x0];
	_ =	sdelay $0x2  }
0xb8: {  	s31 =	sshll.u32 s1, $0xD;
	s1 =	sshrl.u32 s1, $0x2  }
0xb9: {  	s3 =	sand.u32 $0x4000, s31;
	s1 =	sadd.s32 s1, s30  }
0xba: {  	s0 =	sor.u32 s3, s0;
	s1 =	sshll.u32 s1, $0x11  }
0xbb: {  	s0 =	sor.u32 s1, s0  }
0xbc: {  	s0 =	sadd.s32 $0x8F2B, s0  }
0xbd: {  	[sflag:s0] =	ssyncadd.remote.s32 $0x1  }
0xbe: {  	_ =	sfence.sel $0xFFFF  }
0xbf: {  	[dreg:$0x0] =	wrdreg $0xFFFFFFFF;
	(pc) =	sbr.abs _section_cstart, $3  }
0xc0: {  	[dreg:$0x1] =	wrdreg $0xFFFFFFFF  }
0xc1: {  	_ =	task.clear_ibuf [dreg:s7], $0x2FFFF;
	_ =	strace $0x9FFFFFFF  }
0xc2: {  	(tm) =	ssettm $0x7FFFFFFF  }
0xc3: {  	_ =	shalt  }
tec
execute0_lowered:
.L_overlay_start_1:
0x0: {  	(tag) =	ssettag $0x1  }
0x1: {  	s0 =	srdreg.scid;
	s2 =	stileid.u32  }
0x2: {  	s1 =	rddreg [dreg:$0x0];
	s20 =	simm.s32 $0x200;
	s21 =	simm.s32 $0x300  }
0x3: {  	s28 =	simm.s32 $0x5;
	s29 =	simm.s32 $0xCC00;
	s30 =	simm.s32 $0x6  }
0x4: {  	s31 =	simm.s32 $0x13000;
	s9 =	simm.s32 $0x4;
	s10 =	simm.s32 $0x0  }
0x5: {  	s0 =	sand.u32 $0x1, s0;
	s3 =	sshll.u32 s2, $0x1;
	s2 =	rddreg [dreg:$0x1]  }
0x6: {  	s5 =	sadd.s32 $0xF42E00, s1;
	s7 =	sadd.s32 $0xA00, s1;
	s1 =	simm.s32 $0x7  }
0x7: {  	s4 =	sor.u32 s0, s3;
	s3 =	simm.s32 $0x0;
	s0 =	ssub.s32 $0x2, s0  }
0x8: {  	s4 =	smul.u32 $0x6400, s4;
	[smem:$0x7FF] =	sst s3;
	s8 =	sshrl.u32 s0, $0x1  }
0x9: {  	_ =	strace $0x80000047;
	s0 =	ssub.s32 s0, s8;
	s8 =	simm.s32 $0x8  }
0xa: {  	s6 =	sshrl.u32 s4, $0x3;
	s11 =	sor.u32 $0xC8, s4;
	s25 =	sadd.s32 $0x4B0, s4  }
0xb: {  	s12 =	sor.u32 $0x320, s4;
	s26 =	sadd.s32 $0x578, s4;
	[dreg:$0x7] =	wrdreg s25  }
0xc: {  	s13 =	sor.u32 $0x3E8, s4;
	s0 =	smax.u32 s0, $0x1;
	[dreg:$0x8] =	wrdreg s26  }
0xd: {  	s14 =	sor.u32 $0x190, s4;
	s6 =	sadd.s32 s2, s6;
	[dreg:$0x9] =	wrdreg s0  }
.Ltmp0:
0xe: {  	s22 =	sadd.s32 $0x19, s6;
	[dreg:$0x3] =	wrdreg s6;
	(pc) =	sbr.rel .LBB2_1-.Ltmp0, $4  }
0xf: {  	s15 =	sor.u32 $0x258, s4;
	s23 =	sadd.s32 $0x32, s6;
	[dreg:$0x4] =	wrdreg s22  }
0x10: {  	s25 =	simm.s32 $0x2;
	s24 =	sadd.s32 $0x4B, s6;
	[dreg:$0x5] =	wrdreg s23  }
0x11: {  	s26 =	simm.s32 $0x6800;
	s0 =	simm.s32 $0x3;
	[dreg:$0x6] =	wrdreg s24  }
0x12: {  	s22 =	simm.s32 $0x1;
	s23 =	simm.s32 $0xC8;
	s24 =	simm.s32 $0x400  }
.LBB2_12:
0x13: {  	_ =	swait.ge [sflag:s1], $0x6400  }
0x14: {  	[sflag:s1] =	ssyncset.done $0x0  }
0x15: {  	[sflag:s1] =	ssyncadd.s32 $0xFFFF9C00  }
0x16: {  	_ =	swait.ge [sflag:s8], $0x6400  }
0x17: {  	s10 =	rddreg [dreg:$0xa]  }
0x18: {  	s6 =	rddreg [dreg:$0x9];
	s10 =	sadd.s32 $0x1, s10  }
0x19: {  	p0 =	sne.s32 s10, s6  }
.Ltmp1:
0x1a: {  	_ = 	snop;
	(pc) =	sbr.rel @!p0 .LBB2_13-.Ltmp1, $3  }
0x1b: {  	_ =	sdelay $0x1  }
0x1c: {  	[sflag:s8] =	ssyncset.done $0x0  }
0x1d: {  	[sflag:s8] =	ssyncadd.s32 $0xFFFF9C00  }
.LBB2_1:
0x1e: {  	[dreg:$0xa] =	wrdreg s10  }
0x1f: {  	s6 =	rddreg [dreg:$0x3]  }
0x20: {  	[tilespmem:s3], [sflag:$0x1] =	stream.linear.gather [hbm4b:s6+s3], $0xC8, $0x38;
	[tilespmem:$0x19400] =	vst v63  }
0x21: {  	s16 =	rddreg [dreg:$0x4];
	s17 =	simm.s32 $0x100  }
0x22: {  	[tilespmem:s17], [sflag:$0x2] =	stream.linear.gather [hbm4b:s16+s3], $0xC8, $0x38;
	[tilespmem:$0x19400] =	vst v63  }
0x23: {  	s18 =	rddreg [dreg:$0x5]  }
0x24: {  	[tilespmem:s20], [sflag:$0x3] =	stream.linear.gather [hbm4b:s18+s3], $0xC8, $0x38;
	[tilespmem:$0x19400] =	vst v63  }
0x25: {  	s19 =	rddreg [dreg:$0x6];
	s18 =	simm.s32 $0x0  }
0x26: {  	[tilespmem:s21], [sflag:$0x4] =	stream.linear.gather [hbm4b:s19+s3], $0xC8, $0x38;
	[tilespmem:$0x19400] =	vst v63  }
.LBB2_2:
0x27: {  	p0 =	seq.s32 s18, $0x0  }
0x28: {  	s6 =	simm.s32 @!p0 $0x7  }
0x29: {  	_ =	swait.ge @!p0 [sflag:s6], $0x6400  }
0x2a: {  	[sflag:s6] =	ssyncset.done @!p0 $0x0  }
0x2b: {  	[sflag:s6] =	ssyncadd.s32 @!p0 $0xFFFF9C00  }
0x2c: {  	_ =	swait.ge [sflag:s22], $0xC8  }
0x2d: {  	[sflag:s22] =	ssyncset.done $0x0  }
0x2e: {  	s6 =	simm.s32 @!p0 $0x8;
	[sflag:s22] =	ssyncadd.s32 $0xFFFFFF38  }
0x2f: {  	[tilespmem:s24], [sflag:$0x5] =	stream.indirect.gather [hbm4b:s5+s23], $0x80, s3, s23, $0xb8;
	[tilespmem:$0x19400] =	vst v63  }
0x30: {  	_ =	swait.ge @!p0 [sflag:s6], $0x6400  }
0x31: {  	[sflag:s6] =	ssyncset.done @!p0 $0x0  }
0x32: {  	[sflag:s6] =	ssyncadd.s32 @!p0 $0xFFFF9C00  }
0x33: {  	_ =	swait.ge [sflag:s25], $0xC8  }
0x34: {  	[sflag:s25] =	ssyncset.done $0x0  }
0x35: {  	s17 =	simm.s32 $0x100;
	[sflag:s25] =	ssyncadd.s32 $0xFFFFFF38  }
0x36: {  	[tilespmem:s26], [sflag:$0x6] =	stream.indirect.gather [hbm4b:s5+s23], $0x80, s17, s23, $0xb8;
	[tilespmem:$0x19400] =	vst v63  }
0x37: {  	_ =	swait.ge [sflag:s28], $0x6400  }
0x38: {  	[sflag:s28] =	ssyncset.done $0x0  }
0x39: {  	s19 =	simm.s32 $0x600;
	[sflag:s28] =	ssyncadd.s32 $0xFFFF9C00  }
0x3a: {  	v0 =	vld [tilespmem:s19+$0xFFFFFE00];
	_ =	sdelay $0x3  }
0x3b: {  	s10 =	simm.s32 $0xCE00  }
0x3c: {  	[tilespmem:s10+$0xFFFFFE00] =	vst v0  }
0x3d: {  	v0 =	vld [tilespmem:s19+$0xFFFFFE10];
	_ =	sdelay $0x4  }
0x3e: {  	[tilespmem:s10+$0xFFFFFE10] =	vst v0  }
0x3f: {  	v0 =	vld [tilespmem:s19+$0xFFFFFE20];
	_ =	sdelay $0x4  }
0x40: {  	[tilespmem:s10+$0xFFFFFE20] =	vst v0  }
0x41: {  	v0 =	vld [tilespmem:s19+$0xFFFFFE30];
	_ =	sdelay $0x4  }
0x42: {  	[tilespmem:s10+$0xFFFFFE30] =	vst v0  }
0x43: {  	v0 =	vld [tilespmem:s19+$0xFFFFFE80];
	_ =	sdelay $0x4  }
0x44: {  	[tilespmem:s10+$0xFFFFFE80] =	vst v0  }
0x45: {  	v0 =	vld [tilespmem:s19+$0xFFFFFE90];
	_ =	sdelay $0x4  }
0x46: {  	[tilespmem:s10+$0xFFFFFE90] =	vst v0  }
0x47: {  	v0 =	vld [tilespmem:s19+$0xFFFFFEA0];
	_ =	sdelay $0x4  }
0x48: {  	[tilespmem:s10+$0xFFFFFEA0] =	vst v0  }
0x49: {  	v0 =	vld [tilespmem:s19+$0xFFFFFEB0];
	_ =	sdelay $0x4  }
0x4a: {  	[tilespmem:s10+$0xFFFFFEB0] =	vst v0  }
0x4b: {  	v0 =	vld [tilespmem:s19+$0xFFFFFF00];
	_ =	sdelay $0x4  }
0x4c: {  	[tilespmem:s10+$0xFFFFFF00] =	vst v0  }
0x4d: {  	v0 =	vld [tilespmem:s19+$0xFFFFFF10];
	_ =	sdelay $0x4  }
0x4e: {  	[tilespmem:s10+$0xFFFFFF10] =	vst v0  }
0x4f: {  	v0 =	vld [tilespmem:s19+$0xFFFFFF20];
	_ =	sdelay $0x4  }
0x50: {  	[tilespmem:s10+$0xFFFFFF20] =	vst v0  }
0x51: {  	v0 =	vld [tilespmem:s19+$0xFFFFFF30];
	_ =	sdelay $0x4  }
0x52: {  	[tilespmem:s10+$0xFFFFFF30] =	vst v0  }
0x53: {  	v0 =	vld [tilespmem:s19+$0xFFFFFF80];
	_ =	sdelay $0x4  }
0x54: {  	[tilespmem:s10+$0xFFFFFF80] =	vst v0  }
0x55: {  	v0 =	vld [tilespmem:s19+$0xFFFFFF90];
	_ =	sdelay $0x4  }
0x56: {  	[tilespmem:s10+$0xFFFFFF90] =	vst v0  }
0x57: {  	v0 =	vld [tilespmem:s19+$0xFFFFFFA0];
	_ =	sdelay $0x4  }
0x58: {  	[tilespmem:s10+$0xFFFFFFA0] =	vst v0  }
0x59: {  	v0 =	vld [tilespmem:s19+$0xFFFFFFB0];
	_ =	sdelay $0x4  }
0x5a: {  	[tilespmem:s10+$0xFFFFFFB0] =	vst v0  }
0x5b: {  	v0 =	vld [tilespmem:s19+$0x0];
	_ =	sdelay $0x4  }
0x5c: {  	[tilespmem:s10+$0x0] =	vst v0  }
0x5d: {  	v0 =	vld [tilespmem:s19+$0x10];
	_ =	sdelay $0x4  }
0x5e: {  	[tilespmem:s10+$0x10] =	vst v0  }
0x5f: {  	v0 =	vld [tilespmem:s19+$0x20];
	_ =	sdelay $0x4  }
0x60: {  	[tilespmem:s10+$0x20] =	vst v0  }
0x61: {  	v0 =	vld [tilespmem:s19+$0x30];
	_ =	sdelay $0x4  }
0x62: {  	[tilespmem:s10+$0x30] =	vst v0  }
0x63: {  	v0 =	vld [tilespmem:s19+$0x80];
	_ =	sdelay $0x4  }
0x64: {  	[tilespmem:s10+$0x80] =	vst v0  }
0x65: {  	v0 =	vld [tilespmem:s19+$0x90];
	_ =	sdelay $0x4  }
0x66: {  	[tilespmem:s10+$0x90] =	vst v0  }
0x67: {  	v0 =	vld [tilespmem:s19+$0xA0];
	_ =	sdelay $0x4  }
0x68: {  	[tilespmem:s10+$0xA0] =	vst v0  }
0x69: {  	v0 =	vld [tilespmem:s19+$0xB0];
	_ =	sdelay $0x4  }
0x6a: {  	[tilespmem:s10+$0xB0] =	vst v0  }
0x6b: {  	v0 =	vld [tilespmem:s19+$0x100];
	_ =	sdelay $0x4  }
0x6c: {  	[tilespmem:s10+$0x100] =	vst v0  }
0x6d: {  	v0 =	vld [tilespmem:s19+$0x110];
	_ =	sdelay $0x4  }
0x6e: {  	[tilespmem:s10+$0x110] =	vst v0  }
0x6f: {  	v0 =	vld [tilespmem:s19+$0x120];
	_ =	sdelay $0x4  }
0x70: {  	[tilespmem:s10+$0x120] =	vst v0  }
0x71: {  	v0 =	vld [tilespmem:s19+$0x130];
	_ =	sdelay $0x4  }
0x72: {  	[tilespmem:s10+$0x130] =	vst v0  }
0x73: {  	v0 =	vld [tilespmem:s19+$0x180];
	_ =	sdelay $0x4  }
0x74: {  	[tilespmem:s10+$0x180] =	vst v0  }
0x75: {  	v0 =	vld [tilespmem:s19+$0x190];
	_ =	sdelay $0x4  }
0x76: {  	[tilespmem:s10+$0x190] =	vst v0  }
0x77: {  	v0 =	vld [tilespmem:s19+$0x1A0];
	_ =	sdelay $0x4  }
0x78: {  	[tilespmem:s10+$0x1A0] =	vst v0  }
0x79: {  	v0 =	vld [tilespmem:s19+$0x1B0];
	_ =	sdelay $0x2  }
0x7a: {  	s6 =	smul.u32 $0x320, s18;
	_ =	sdelay $0x1  }
0x7b: {  	s16 =	simm.s32 $0x0;
	s17 =	simm.s32 $0xA00;
	s19 =	sadd.s32 s4, s6;
	[tilespmem:s10+$0x1B0] =	vst v0  }
.LBB2_3:
0x7c: {  	v0 =	vld [tilespmem:s17+$0xFFFFFE00];
	s16 =	sadd.s32 $0x8, s16  }
0x7d: {  	p0 =	slt.u32 s16, $0xC0;
	_ =	sdelay $0x2  }
0x7e: {  	s10 =	sadd.s32 $0x400, s10  }
0x7f: {  	[tilespmem:s10+$0xFFFFFE00] =	vst v0  }
0x80: {  	v0 =	vld [tilespmem:s17+$0xFFFFFE10];
	_ =	sdelay $0x4  }
0x81: {  	[tilespmem:s10+$0xFFFFFE10] =	vst v0  }
0x82: {  	v0 =	vld [tilespmem:s17+$0xFFFFFE20];
	_ =	sdelay $0x4  }
0x83: {  	[tilespmem:s10+$0xFFFFFE20] =	vst v0  }
0x84: {  	v0 =	vld [tilespmem:s17+$0xFFFFFE30];
	_ =	sdelay $0x4  }
0x85: {  	[tilespmem:s10+$0xFFFFFE30] =	vst v0  }
0x86: {  	v0 =	vld [tilespmem:s17+$0xFFFFFE80];
	_ =	sdelay $0x4  }
0x87: {  	[tilespmem:s10+$0xFFFFFE80] =	vst v0  }
0x88: {  	v0 =	vld [tilespmem:s17+$0xFFFFFE90];
	_ =	sdelay $0x4  }
0x89: {  	[tilespmem:s10+$0xFFFFFE90] =	vst v0  }
0x8a: {  	v0 =	vld [tilespmem:s17+$0xFFFFFEA0];
	_ =	sdelay $0x4  }
0x8b: {  	[tilespmem:s10+$0xFFFFFEA0] =	vst v0  }
0x8c: {  	v0 =	vld [tilespmem:s17+$0xFFFFFEB0];
	_ =	sdelay $0x4  }
0x8d: {  	[tilespmem:s10+$0xFFFFFEB0] =	vst v0  }
0x8e: {  	v0 =	vld [tilespmem:s17+$0xFFFFFF00];
	_ =	sdelay $0x4  }
0x8f: {  	[tilespmem:s10+$0xFFFFFF00] =	vst v0  }
0x90: {  	v0 =	vld [tilespmem:s17+$0xFFFFFF10];
	_ =	sdelay $0x4  }
0x91: {  	[tilespmem:s10+$0xFFFFFF10] =	vst v0  }
0x92: {  	v0 =	vld [tilespmem:s17+$0xFFFFFF20];
	_ =	sdelay $0x4  }
0x93: {  	[tilespmem:s10+$0xFFFFFF20] =	vst v0  }
0x94: {  	v0 =	vld [tilespmem:s17+$0xFFFFFF30];
	_ =	sdelay $0x4  }
0x95: {  	[tilespmem:s10+$0xFFFFFF30] =	vst v0  }
0x96: {  	v0 =	vld [tilespmem:s17+$0xFFFFFF80];
	_ =	sdelay $0x4  }
0x97: {  	[tilespmem:s10+$0xFFFFFF80] =	vst v0  }
0x98: {  	v0 =	vld [tilespmem:s17+$0xFFFFFF90];
	_ =	sdelay $0x4  }
0x99: {  	[tilespmem:s10+$0xFFFFFF90] =	vst v0  }
0x9a: {  	v0 =	vld [tilespmem:s17+$0xFFFFFFA0];
	_ =	sdelay $0x4  }
0x9b: {  	[tilespmem:s10+$0xFFFFFFA0] =	vst v0  }
0x9c: {  	v0 =	vld [tilespmem:s17+$0xFFFFFFB0];
	_ =	sdelay $0x4  }
0x9d: {  	[tilespmem:s10+$0xFFFFFFB0] =	vst v0  }
0x9e: {  	v0 =	vld [tilespmem:s17+$0x0];
	_ =	sdelay $0x4  }
0x9f: {  	[tilespmem:s10+$0x0] =	vst v0  }
0xa0: {  	v0 =	vld [tilespmem:s17+$0x10];
	_ =	sdelay $0x4  }
0xa1: {  	[tilespmem:s10+$0x10] =	vst v0  }
0xa2: {  	v0 =	vld [tilespmem:s17+$0x20];
	_ =	sdelay $0x4  }
0xa3: {  	[tilespmem:s10+$0x20] =	vst v0  }
0xa4: {  	v0 =	vld [tilespmem:s17+$0x30];
	_ =	sdelay $0x4  }
0xa5: {  	[tilespmem:s10+$0x30] =	vst v0  }
0xa6: {  	v0 =	vld [tilespmem:s17+$0x80];
	_ =	sdelay $0x4  }
0xa7: {  	[tilespmem:s10+$0x80] =	vst v0  }
0xa8: {  	v0 =	vld [tilespmem:s17+$0x90];
	_ =	sdelay $0x4  }
0xa9: {  	[tilespmem:s10+$0x90] =	vst v0  }
0xaa: {  	v0 =	vld [tilespmem:s17+$0xA0];
	_ =	sdelay $0x4  }
0xab: {  	[tilespmem:s10+$0xA0] =	vst v0  }
0xac: {  	v0 =	vld [tilespmem:s17+$0xB0];
	_ =	sdelay $0x4  }
0xad: {  	[tilespmem:s10+$0xB0] =	vst v0  }
0xae: {  	v0 =	vld [tilespmem:s17+$0x100];
	_ =	sdelay $0x4  }
0xaf: {  	[tilespmem:s10+$0x100] =	vst v0  }
0xb0: {  	v0 =	vld [tilespmem:s17+$0x110];
	_ =	sdelay $0x4  }
0xb1: {  	[tilespmem:s10+$0x110] =	vst v0  }
0xb2: {  	v0 =	vld [tilespmem:s17+$0x120];
	_ =	sdelay $0x4  }
0xb3: {  	[tilespmem:s10+$0x120] =	vst v0  }
0xb4: {  	v0 =	vld [tilespmem:s17+$0x130];
	_ =	sdelay $0x4  }
0xb5: {  	[tilespmem:s10+$0x130] =	vst v0  }
0xb6: {  	v0 =	vld [tilespmem:s17+$0x180];
	_ =	sdelay $0x4  }
0xb7: {  	[tilespmem:s10+$0x180] =	vst v0  }
0xb8: {  	v0 =	vld [tilespmem:s17+$0x190];
	_ =	sdelay $0x4  }
0xb9: {  	[tilespmem:s10+$0x190] =	vst v0  }
0xba: {  	v0 =	vld [tilespmem:s17+$0x1A0];
	_ =	sdelay $0x4  }
0xbb: {  	[tilespmem:s10+$0x1A0] =	vst v0  }
0xbc: {  	v0 =	vld [tilespmem:s17+$0x1B0]  }
.Ltmp2:
0xbd: {  	(pc) =	sbr.rel @p0 .LBB2_3-.Ltmp2, $2  }
0xbe: {  	_ =	sdelay $0x2  }
0xbf: {  	s17 =	sadd.s32 $0x400, s17;
	[tilespmem:s10+$0x1B0] =	vst v0  }
0xc0: {  	s10 =	sshll.u32 s19, $0x4  }
0xc1: {  	s10 =	sadd.s32 s7, s10  }
0xc2: {  	[hbm4b:s10+s3] =	stream.linear.scatter [tilespmem:s29], [sflag:$0x7], $0x6400, $0x38;
	[tilespmem:$0x19400] =	vst v63  }
0xc3: {  	_ =	swait.ge [sflag:s30], $0x6400  }
0xc4: {  	[sflag:s30] =	ssyncset.done $0x0  }
0xc5: {  	s16 =	simm.s32 $0x6A00;
	[sflag:s30] =	ssyncadd.s32 $0xFFFF9C00  }
0xc6: {  	v0 =	vld [tilespmem:s16+$0xFFFFFE00];
	_ =	sdelay $0x3  }
0xc7: {  	s10 =	simm.s32 $0x13200  }
0xc8: {  	[tilespmem:s10+$0xFFFFFE00] =	vst v0  }
0xc9: {  	v0 =	vld [tilespmem:s16+$0xFFFFFE10];
	_ =	sdelay $0x4  }
0xca: {  	[tilespmem:s10+$0xFFFFFE10] =	vst v0  }
0xcb: {  	v0 =	vld [tilespmem:s16+$0xFFFFFE20];
	_ =	sdelay $0x4  }
0xcc: {  	[tilespmem:s10+$0xFFFFFE20] =	vst v0  }
0xcd: {  	v0 =	vld [tilespmem:s16+$0xFFFFFE30];
	_ =	sdelay $0x4  }
0xce: {  	[tilespmem:s10+$0xFFFFFE30] =	vst v0  }
0xcf: {  	v0 =	vld [tilespmem:s16+$0xFFFFFE80];
	_ =	sdelay $0x4  }
0xd0: {  	[tilespmem:s10+$0xFFFFFE80] =	vst v0  }
0xd1: {  	v0 =	vld [tilespmem:s16+$0xFFFFFE90];
	_ =	sdelay $0x4  }
0xd2: {  	[tilespmem:s10+$0xFFFFFE90] =	vst v0  }
0xd3: {  	v0 =	vld [tilespmem:s16+$0xFFFFFEA0];
	_ =	sdelay $0x4  }
0xd4: {  	[tilespmem:s10+$0xFFFFFEA0] =	vst v0  }
0xd5: {  	v0 =	vld [tilespmem:s16+$0xFFFFFEB0];
	_ =	sdelay $0x4  }
0xd6: {  	[tilespmem:s10+$0xFFFFFEB0] =	vst v0  }
0xd7: {  	v0 =	vld [tilespmem:s16+$0xFFFFFF00];
	_ =	sdelay $0x4  }
0xd8: {  	[tilespmem:s10+$0xFFFFFF00] =	vst v0  }
0xd9: {  	v0 =	vld [tilespmem:s16+$0xFFFFFF10];
	_ =	sdelay $0x4  }
0xda: {  	[tilespmem:s10+$0xFFFFFF10] =	vst v0  }
0xdb: {  	v0 =	vld [tilespmem:s16+$0xFFFFFF20];
	_ =	sdelay $0x4  }
0xdc: {  	[tilespmem:s10+$0xFFFFFF20] =	vst v0  }
0xdd: {  	v0 =	vld [tilespmem:s16+$0xFFFFFF30];
	_ =	sdelay $0x4  }
0xde: {  	[tilespmem:s10+$0xFFFFFF30] =	vst v0  }
0xdf: {  	v0 =	vld [tilespmem:s16+$0xFFFFFF80];
	_ =	sdelay $0x4  }
0xe0: {  	[tilespmem:s10+$0xFFFFFF80] =	vst v0  }
0xe1: {  	v0 =	vld [tilespmem:s16+$0xFFFFFF90];
	_ =	sdelay $0x4  }
0xe2: {  	[tilespmem:s10+$0xFFFFFF90] =	vst v0  }
0xe3: {  	v0 =	vld [tilespmem:s16+$0xFFFFFFA0];
	_ =	sdelay $0x4  }
0xe4: {  	[tilespmem:s10+$0xFFFFFFA0] =	vst v0  }
0xe5: {  	v0 =	vld [tilespmem:s16+$0xFFFFFFB0];
	_ =	sdelay $0x4  }
0xe6: {  	[tilespmem:s10+$0xFFFFFFB0] =	vst v0  }
0xe7: {  	v0 =	vld [tilespmem:s16+$0x0];
	_ =	sdelay $0x4  }
0xe8: {  	[tilespmem:s10+$0x0] =	vst v0  }
0xe9: {  	v0 =	vld [tilespmem:s16+$0x10];
	_ =	sdelay $0x4  }
0xea: {  	[tilespmem:s10+$0x10] =	vst v0  }
0xeb: {  	v0 =	vld [tilespmem:s16+$0x20];
	_ =	sdelay $0x4  }
0xec: {  	[tilespmem:s10+$0x20] =	vst v0  }
0xed: {  	v0 =	vld [tilespmem:s16+$0x30];
	_ =	sdelay $0x4  }
0xee: {  	[tilespmem:s10+$0x30] =	vst v0  }
0xef: {  	v0 =	vld [tilespmem:s16+$0x80];
	_ =	sdelay $0x4  }
0xf0: {  	[tilespmem:s10+$0x80] =	vst v0  }
0xf1: {  	v0 =	vld [tilespmem:s16+$0x90];
	_ =	sdelay $0x4  }
0xf2: {  	[tilespmem:s10+$0x90] =	vst v0  }
0xf3: {  	v0 =	vld [tilespmem:s16+$0xA0];
	_ =	sdelay $0x4  }
0xf4: {  	[tilespmem:s10+$0xA0] =	vst v0  }
0xf5: {  	v0 =	vld [tilespmem:s16+$0xB0];
	_ =	sdelay $0x4  }
0xf6: {  	[tilespmem:s10+$0xB0] =	vst v0  }
0xf7: {  	v0 =	vld [tilespmem:s16+$0x100];
	_ =	sdelay $0x4  }
0xf8: {  	[tilespmem:s10+$0x100] =	vst v0  }
0xf9: {  	v0 =	vld [tilespmem:s16+$0x110];
	_ =	sdelay $0x4  }
0xfa: {  	[tilespmem:s10+$0x110] =	vst v0  }
0xfb: {  	v0 =	vld [tilespmem:s16+$0x120];
	_ =	sdelay $0x4  }
0xfc: {  	[tilespmem:s10+$0x120] =	vst v0  }
0xfd: {  	v0 =	vld [tilespmem:s16+$0x130];
	_ =	sdelay $0x4  }
0xfe: {  	[tilespmem:s10+$0x130] =	vst v0  }
0xff: {  	v0 =	vld [tilespmem:s16+$0x180];
	_ =	sdelay $0x4  }
0x100: {  	[tilespmem:s10+$0x180] =	vst v0  }
0x101: {  	v0 =	vld [tilespmem:s16+$0x190];
	_ =	sdelay $0x4  }
0x102: {  	[tilespmem:s10+$0x190] =	vst v0  }
0x103: {  	v0 =	vld [tilespmem:s16+$0x1A0];
	_ =	sdelay $0x4  }
0x104: {  	[tilespmem:s10+$0x1A0] =	vst v0  }
0x105: {  	v0 =	vld [tilespmem:s16+$0x1B0];
	_ =	sdelay $0x4  }
0x106: {  	s17 =	simm.s32 $0x6E00;
	s16 =	simm.s32 $0x0;
	[tilespmem:s10+$0x1B0] =	vst v0  }
.LBB2_5:
0x107: {  	v0 =	vld [tilespmem:s17+$0xFFFFFE00];
	s16 =	sadd.s32 $0x8, s16  }
0x108: {  	p0 =	slt.u32 s16, $0xC0;
	_ =	sdelay $0x2  }
0x109: {  	s10 =	sadd.s32 $0x400, s10  }
0x10a: {  	[tilespmem:s10+$0xFFFFFE00] =	vst v0  }
0x10b: {  	v0 =	vld [tilespmem:s17+$0xFFFFFE10];
	_ =	sdelay $0x4  }
0x10c: {  	[tilespmem:s10+$0xFFFFFE10] =	vst v0  }
0x10d: {  	v0 =	vld [tilespmem:s17+$0xFFFFFE20];
	_ =	sdelay $0x4  }
0x10e: {  	[tilespmem:s10+$0xFFFFFE20] =	vst v0  }
0x10f: {  	v0 =	vld [tilespmem:s17+$0xFFFFFE30];
	_ =	sdelay $0x4  }
0x110: {  	[tilespmem:s10+$0xFFFFFE30] =	vst v0  }
0x111: {  	v0 =	vld [tilespmem:s17+$0xFFFFFE80];
	_ =	sdelay $0x4  }
0x112: {  	[tilespmem:s10+$0xFFFFFE80] =	vst v0  }
0x113: {  	v0 =	vld [tilespmem:s17+$0xFFFFFE90];
	_ =	sdelay $0x4  }
0x114: {  	[tilespmem:s10+$0xFFFFFE90] =	vst v0  }
0x115: {  	v0 =	vld [tilespmem:s17+$0xFFFFFEA0];
	_ =	sdelay $0x4  }
0x116: {  	[tilespmem:s10+$0xFFFFFEA0] =	vst v0  }
0x117: {  	v0 =	vld [tilespmem:s17+$0xFFFFFEB0];
	_ =	sdelay $0x4  }
0x118: {  	[tilespmem:s10+$0xFFFFFEB0] =	vst v0  }
0x119: {  	v0 =	vld [tilespmem:s17+$0xFFFFFF00];
	_ =	sdelay $0x4  }
0x11a: {  	[tilespmem:s10+$0xFFFFFF00] =	vst v0  }
0x11b: {  	v0 =	vld [tilespmem:s17+$0xFFFFFF10];
	_ =	sdelay $0x4  }
0x11c: {  	[tilespmem:s10+$0xFFFFFF10] =	vst v0  }
0x11d: {  	v0 =	vld [tilespmem:s17+$0xFFFFFF20];
	_ =	sdelay $0x4  }
0x11e: {  	[tilespmem:s10+$0xFFFFFF20] =	vst v0  }
0x11f: {  	v0 =	vld [tilespmem:s17+$0xFFFFFF30];
	_ =	sdelay $0x4  }
0x120: {  	[tilespmem:s10+$0xFFFFFF30] =	vst v0  }
0x121: {  	v0 =	vld [tilespmem:s17+$0xFFFFFF80];
	_ =	sdelay $0x4  }
0x122: {  	[tilespmem:s10+$0xFFFFFF80] =	vst v0  }
0x123: {  	v0 =	vld [tilespmem:s17+$0xFFFFFF90];
	_ =	sdelay $0x4  }
0x124: {  	[tilespmem:s10+$0xFFFFFF90] =	vst v0  }
0x125: {  	v0 =	vld [tilespmem:s17+$0xFFFFFFA0];
	_ =	sdelay $0x4  }
0x126: {  	[tilespmem:s10+$0xFFFFFFA0] =	vst v0  }
0x127: {  	v0 =	vld [tilespmem:s17+$0xFFFFFFB0];
	_ =	sdelay $0x4  }
0x128: {  	[tilespmem:s10+$0xFFFFFFB0] =	vst v0  }
0x129: {  	v0 =	vld [tilespmem:s17+$0x0];
	_ =	sdelay $0x4  }
0x12a: {  	[tilespmem:s10+$0x0] =	vst v0  }
0x12b: {  	v0 =	vld [tilespmem:s17+$0x10];
	_ =	sdelay $0x4  }
0x12c: {  	[tilespmem:s10+$0x10] =	vst v0  }
0x12d: {  	v0 =	vld [tilespmem:s17+$0x20];
	_ =	sdelay $0x4  }
0x12e: {  	[tilespmem:s10+$0x20] =	vst v0  }
0x12f: {  	v0 =	vld [tilespmem:s17+$0x30];
	_ =	sdelay $0x4  }
0x130: {  	[tilespmem:s10+$0x30] =	vst v0  }
0x131: {  	v0 =	vld [tilespmem:s17+$0x80];
	_ =	sdelay $0x4  }
0x132: {  	[tilespmem:s10+$0x80] =	vst v0  }
0x133: {  	v0 =	vld [tilespmem:s17+$0x90];
	_ =	sdelay $0x4  }
0x134: {  	[tilespmem:s10+$0x90] =	vst v0  }
0x135: {  	v0 =	vld [tilespmem:s17+$0xA0];
	_ =	sdelay $0x4  }
0x136: {  	[tilespmem:s10+$0xA0] =	vst v0  }
0x137: {  	v0 =	vld [tilespmem:s17+$0xB0];
	_ =	sdelay $0x4  }
0x138: {  	[tilespmem:s10+$0xB0] =	vst v0  }
0x139: {  	v0 =	vld [tilespmem:s17+$0x100];
	_ =	sdelay $0x4  }
0x13a: {  	[tilespmem:s10+$0x100] =	vst v0  }
0x13b: {  	v0 =	vld [tilespmem:s17+$0x110];
	_ =	sdelay $0x4  }
0x13c: {  	[tilespmem:s10+$0x110] =	vst v0  }
0x13d: {  	v0 =	vld [tilespmem:s17+$0x120];
	_ =	sdelay $0x4  }
0x13e: {  	[tilespmem:s10+$0x120] =	vst v0  }
0x13f: {  	v0 =	vld [tilespmem:s17+$0x130];
	_ =	sdelay $0x4  }
0x140: {  	[tilespmem:s10+$0x130] =	vst v0  }
0x141: {  	v0 =	vld [tilespmem:s17+$0x180];
	_ =	sdelay $0x4  }
0x142: {  	[tilespmem:s10+$0x180] =	vst v0  }
0x143: {  	v0 =	vld [tilespmem:s17+$0x190];
	_ =	sdelay $0x4  }
0x144: {  	[tilespmem:s10+$0x190] =	vst v0  }
0x145: {  	v0 =	vld [tilespmem:s17+$0x1A0];
	_ =	sdelay $0x4  }
0x146: {  	[tilespmem:s10+$0x1A0] =	vst v0  }
0x147: {  	v0 =	vld [tilespmem:s17+$0x1B0]  }
.Ltmp3:
0x148: {  	(pc) =	sbr.rel @p0 .LBB2_5-.Ltmp3, $2  }
0x149: {  	_ =	sdelay $0x2  }
0x14a: {  	s17 =	sadd.s32 $0x400, s17;
	[tilespmem:s10+$0x1B0] =	vst v0  }
0x14b: {  	s10 =	sadd.s32 s6, s11  }
0x14c: {  	s10 =	sshll.u32 s10, $0x4  }
0x14d: {  	p0 =	seq.s32 s18, $0x1F;
	s10 =	sadd.s32 s7, s10  }
0x14e: {  	[hbm4b:s10+s3] =	stream.linear.scatter [tilespmem:s31], [sflag:$0x8], $0x6400, $0x38;
	[tilespmem:$0x19400] =	vst v63  }
0x14f: {  	s10 =	sadd.s32 @!p0 s6, s12  }
0x150: {  	s10 =	sshrl.u32 @!p0 s10, $0x3  }
0x151: {  	s16 =	simm.s32 @!p0 $0x0;
	s10 =	sadd.s32 @!p0 s2, s10  }
0x152: {  	[tilespmem:s16], [sflag:$0x1] =	stream.linear.gather @!p0 [hbm4b:s10+s16], $0xC8, $0x38;
	[tilespmem:$0x19400] =	vst v63  }
0x153: {  	s10 =	sadd.s32 @!p0 s6, s13  }
0x154: {  	s10 =	sshrl.u32 @!p0 s10, $0x3  }
0x155: {  	s17 =	simm.s32 @!p0 $0x100;
	s10 =	sadd.s32 @!p0 s2, s10  }
0x156: {  	[tilespmem:s17], [sflag:$0x2] =	stream.linear.gather @!p0 [hbm4b:s10+s16], $0xC8, $0x38;
	[tilespmem:$0x19400] =	vst v63  }
0x157: {  	_ =	swait.ge [sflag:s1], $0x6400  }
0x158: {  	[sflag:s1] =	ssyncset.done $0x0  }
0x159: {  	[sflag:s1] =	ssyncadd.s32 $0xFFFF9C00  }
0x15a: {  	_ =	swait.ge [sflag:s0], $0xC8  }
0x15b: {  	[sflag:s0] =	ssyncset.done $0x0  }
0x15c: {  	[sflag:s0] =	ssyncadd.s32 $0xFFFFFF38  }
0x15d: {  	[tilespmem:s24], [sflag:$0x5] =	stream.indirect.gather [hbm4b:s5+s23], $0x80, s20, s23, $0xb8;
	[tilespmem:$0x19400] =	vst v63  }
0x15e: {  	_ =	swait.ge [sflag:s8], $0x6400  }
0x15f: {  	[sflag:s8] =	ssyncset.done $0x0  }
0x160: {  	[sflag:s8] =	ssyncadd.s32 $0xFFFF9C00  }
0x161: {  	_ =	swait.ge [sflag:s9], $0xC8  }
0x162: {  	[sflag:s9] =	ssyncset.done $0x0  }
0x163: {  	[sflag:s9] =	ssyncadd.s32 $0xFFFFFF38  }
0x164: {  	[tilespmem:s26], [sflag:$0x6] =	stream.indirect.gather [hbm4b:s5+s23], $0x80, s21, s23, $0xb8;
	[tilespmem:$0x19400] =	vst v63  }
0x165: {  	_ =	swait.ge [sflag:s28], $0x6400  }
0x166: {  	[sflag:s28] =	ssyncset.done $0x0  }
0x167: {  	s19 =	simm.s32 $0x600;
	[sflag:s28] =	ssyncadd.s32 $0xFFFF9C00  }
0x168: {  	v0 =	vld [tilespmem:s19+$0xFFFFFE00];
	_ =	sdelay $0x3  }
0x169: {  	s10 =	simm.s32 $0xCE00  }
0x16a: {  	[tilespmem:s10+$0xFFFFFE00] =	vst v0  }
0x16b: {  	v0 =	vld [tilespmem:s19+$0xFFFFFE10];
	_ =	sdelay $0x4  }
0x16c: {  	[tilespmem:s10+$0xFFFFFE10] =	vst v0  }
0x16d: {  	v0 =	vld [tilespmem:s19+$0xFFFFFE20];
	_ =	sdelay $0x4  }
0x16e: {  	[tilespmem:s10+$0xFFFFFE20] =	vst v0  }
0x16f: {  	v0 =	vld [tilespmem:s19+$0xFFFFFE30];
	_ =	sdelay $0x4  }
0x170: {  	[tilespmem:s10+$0xFFFFFE30] =	vst v0  }
0x171: {  	v0 =	vld [tilespmem:s19+$0xFFFFFE80];
	_ =	sdelay $0x4  }
0x172: {  	[tilespmem:s10+$0xFFFFFE80] =	vst v0  }
0x173: {  	v0 =	vld [tilespmem:s19+$0xFFFFFE90];
	_ =	sdelay $0x4  }
0x174: {  	[tilespmem:s10+$0xFFFFFE90] =	vst v0  }
0x175: {  	v0 =	vld [tilespmem:s19+$0xFFFFFEA0];
	_ =	sdelay $0x4  }
0x176: {  	[tilespmem:s10+$0xFFFFFEA0] =	vst v0  }
0x177: {  	v0 =	vld [tilespmem:s19+$0xFFFFFEB0];
	_ =	sdelay $0x4  }
0x178: {  	[tilespmem:s10+$0xFFFFFEB0] =	vst v0  }
0x179: {  	v0 =	vld [tilespmem:s19+$0xFFFFFF00];
	_ =	sdelay $0x4  }
0x17a: {  	[tilespmem:s10+$0xFFFFFF00] =	vst v0  }
0x17b: {  	v0 =	vld [tilespmem:s19+$0xFFFFFF10];
	_ =	sdelay $0x4  }
0x17c: {  	[tilespmem:s10+$0xFFFFFF10] =	vst v0  }
0x17d: {  	v0 =	vld [tilespmem:s19+$0xFFFFFF20];
	_ =	sdelay $0x4  }
0x17e: {  	[tilespmem:s10+$0xFFFFFF20] =	vst v0  }
0x17f: {  	v0 =	vld [tilespmem:s19+$0xFFFFFF30];
	_ =	sdelay $0x4  }
0x180: {  	[tilespmem:s10+$0xFFFFFF30] =	vst v0  }
0x181: {  	v0 =	vld [tilespmem:s19+$0xFFFFFF80];
	_ =	sdelay $0x4  }
0x182: {  	[tilespmem:s10+$0xFFFFFF80] =	vst v0  }
0x183: {  	v0 =	vld [tilespmem:s19+$0xFFFFFF90];
	_ =	sdelay $0x4  }
0x184: {  	[tilespmem:s10+$0xFFFFFF90] =	vst v0  }
0x185: {  	v0 =	vld [tilespmem:s19+$0xFFFFFFA0];
	_ =	sdelay $0x4  }
0x186: {  	[tilespmem:s10+$0xFFFFFFA0] =	vst v0  }
0x187: {  	v0 =	vld [tilespmem:s19+$0xFFFFFFB0];
	_ =	sdelay $0x4  }
0x188: {  	[tilespmem:s10+$0xFFFFFFB0] =	vst v0  }
0x189: {  	v0 =	vld [tilespmem:s19+$0x0];
	_ =	sdelay $0x4  }
0x18a: {  	[tilespmem:s10+$0x0] =	vst v0  }
0x18b: {  	v0 =	vld [tilespmem:s19+$0x10];
	_ =	sdelay $0x4  }
0x18c: {  	[tilespmem:s10+$0x10] =	vst v0  }
0x18d: {  	v0 =	vld [tilespmem:s19+$0x20];
	_ =	sdelay $0x4  }
0x18e: {  	[tilespmem:s10+$0x20] =	vst v0  }
0x18f: {  	v0 =	vld [tilespmem:s19+$0x30];
	_ =	sdelay $0x4  }
0x190: {  	[tilespmem:s10+$0x30] =	vst v0  }
0x191: {  	v0 =	vld [tilespmem:s19+$0x80];
	_ =	sdelay $0x4  }
0x192: {  	[tilespmem:s10+$0x80] =	vst v0  }
0x193: {  	v0 =	vld [tilespmem:s19+$0x90];
	_ =	sdelay $0x4  }
0x194: {  	[tilespmem:s10+$0x90] =	vst v0  }
0x195: {  	v0 =	vld [tilespmem:s19+$0xA0];
	_ =	sdelay $0x4  }
0x196: {  	[tilespmem:s10+$0xA0] =	vst v0  }
0x197: {  	v0 =	vld [tilespmem:s19+$0xB0];
	_ =	sdelay $0x4  }
0x198: {  	[tilespmem:s10+$0xB0] =	vst v0  }
0x199: {  	v0 =	vld [tilespmem:s19+$0x100];
	_ =	sdelay $0x4  }
0x19a: {  	[tilespmem:s10+$0x100] =	vst v0  }
0x19b: {  	v0 =	vld [tilespmem:s19+$0x110];
	_ =	sdelay $0x4  }
0x19c: {  	[tilespmem:s10+$0x110] =	vst v0  }
0x19d: {  	v0 =	vld [tilespmem:s19+$0x120];
	_ =	sdelay $0x4  }
0x19e: {  	[tilespmem:s10+$0x120] =	vst v0  }
0x19f: {  	v0 =	vld [tilespmem:s19+$0x130];
	_ =	sdelay $0x4  }
0x1a0: {  	[tilespmem:s10+$0x130] =	vst v0  }
0x1a1: {  	v0 =	vld [tilespmem:s19+$0x180];
	_ =	sdelay $0x4  }
0x1a2: {  	[tilespmem:s10+$0x180] =	vst v0  }
0x1a3: {  	v0 =	vld [tilespmem:s19+$0x190];
	_ =	sdelay $0x4  }
0x1a4: {  	[tilespmem:s10+$0x190] =	vst v0  }
0x1a5: {  	v0 =	vld [tilespmem:s19+$0x1A0];
	_ =	sdelay $0x4  }
0x1a6: {  	[tilespmem:s10+$0x1A0] =	vst v0  }
0x1a7: {  	v0 =	vld [tilespmem:s19+$0x1B0];
	_ =	sdelay $0x4  }
0x1a8: {  	s16 =	simm.s32 $0x0;
	s17 =	simm.s32 $0xA00;
	[tilespmem:s10+$0x1B0] =	vst v0  }
.LBB2_7:
0x1a9: {  	v0 =	vld [tilespmem:s17+$0xFFFFFE00];
	s16 =	sadd.s32 $0x8, s16  }
0x1aa: {  	p1 =	slt.u32 s16, $0xC0;
	_ =	sdelay $0x2  }
0x1ab: {  	s10 =	sadd.s32 $0x400, s10  }
0x1ac: {  	[tilespmem:s10+$0xFFFFFE00] =	vst v0  }
0x1ad: {  	v0 =	vld [tilespmem:s17+$0xFFFFFE10];
	_ =	sdelay $0x4  }
0x1ae: {  	[tilespmem:s10+$0xFFFFFE10] =	vst v0  }
0x1af: {  	v0 =	vld [tilespmem:s17+$0xFFFFFE20];
	_ =	sdelay $0x4  }
0x1b0: {  	[tilespmem:s10+$0xFFFFFE20] =	vst v0  }
0x1b1: {  	v0 =	vld [tilespmem:s17+$0xFFFFFE30];
	_ =	sdelay $0x4  }
0x1b2: {  	[tilespmem:s10+$0xFFFFFE30] =	vst v0  }
0x1b3: {  	v0 =	vld [tilespmem:s17+$0xFFFFFE80];
	_ =	sdelay $0x4  }
0x1b4: {  	[tilespmem:s10+$0xFFFFFE80] =	vst v0  }
0x1b5: {  	v0 =	vld [tilespmem:s17+$0xFFFFFE90];
	_ =	sdelay $0x4  }
0x1b6: {  	[tilespmem:s10+$0xFFFFFE90] =	vst v0  }
0x1b7: {  	v0 =	vld [tilespmem:s17+$0xFFFFFEA0];
	_ =	sdelay $0x4  }
0x1b8: {  	[tilespmem:s10+$0xFFFFFEA0] =	vst v0  }
0x1b9: {  	v0 =	vld [tilespmem:s17+$0xFFFFFEB0];
	_ =	sdelay $0x4  }
0x1ba: {  	[tilespmem:s10+$0xFFFFFEB0] =	vst v0  }
0x1bb: {  	v0 =	vld [tilespmem:s17+$0xFFFFFF00];
	_ =	sdelay $0x4  }
0x1bc: {  	[tilespmem:s10+$0xFFFFFF00] =	vst v0  }
0x1bd: {  	v0 =	vld [tilespmem:s17+$0xFFFFFF10];
	_ =	sdelay $0x4  }
0x1be: {  	[tilespmem:s10+$0xFFFFFF10] =	vst v0  }
0x1bf: {  	v0 =	vld [tilespmem:s17+$0xFFFFFF20];
	_ =	sdelay $0x4  }
0x1c0: {  	[tilespmem:s10+$0xFFFFFF20] =	vst v0  }
0x1c1: {  	v0 =	vld [tilespmem:s17+$0xFFFFFF30];
	_ =	sdelay $0x4  }
0x1c2: {  	[tilespmem:s10+$0xFFFFFF30] =	vst v0  }
0x1c3: {  	v0 =	vld [tilespmem:s17+$0xFFFFFF80];
	_ =	sdelay $0x4  }
0x1c4: {  	[tilespmem:s10+$0xFFFFFF80] =	vst v0  }
0x1c5: {  	v0 =	vld [tilespmem:s17+$0xFFFFFF90];
	_ =	sdelay $0x4  }
0x1c6: {  	[tilespmem:s10+$0xFFFFFF90] =	vst v0  }
0x1c7: {  	v0 =	vld [tilespmem:s17+$0xFFFFFFA0];
	_ =	sdelay $0x4  }
0x1c8: {  	[tilespmem:s10+$0xFFFFFFA0] =	vst v0  }
0x1c9: {  	v0 =	vld [tilespmem:s17+$0xFFFFFFB0];
	_ =	sdelay $0x4  }
0x1ca: {  	[tilespmem:s10+$0xFFFFFFB0] =	vst v0  }
0x1cb: {  	v0 =	vld [tilespmem:s17+$0x0];
	_ =	sdelay $0x4  }
0x1cc: {  	[tilespmem:s10+$0x0] =	vst v0  }
0x1cd: {  	v0 =	vld [tilespmem:s17+$0x10];
	_ =	sdelay $0x4  }
0x1ce: {  	[tilespmem:s10+$0x10] =	vst v0  }
0x1cf: {  	v0 =	vld [tilespmem:s17+$0x20];
	_ =	sdelay $0x4  }
0x1d0: {  	[tilespmem:s10+$0x20] =	vst v0  }
0x1d1: {  	v0 =	vld [tilespmem:s17+$0x30];
	_ =	sdelay $0x4  }
0x1d2: {  	[tilespmem:s10+$0x30] =	vst v0  }
0x1d3: {  	v0 =	vld [tilespmem:s17+$0x80];
	_ =	sdelay $0x4  }
0x1d4: {  	[tilespmem:s10+$0x80] =	vst v0  }
0x1d5: {  	v0 =	vld [tilespmem:s17+$0x90];
	_ =	sdelay $0x4  }
0x1d6: {  	[tilespmem:s10+$0x90] =	vst v0  }
0x1d7: {  	v0 =	vld [tilespmem:s17+$0xA0];
	_ =	sdelay $0x4  }
0x1d8: {  	[tilespmem:s10+$0xA0] =	vst v0  }
0x1d9: {  	v0 =	vld [tilespmem:s17+$0xB0];
	_ =	sdelay $0x4  }
0x1da: {  	[tilespmem:s10+$0xB0] =	vst v0  }
0x1db: {  	v0 =	vld [tilespmem:s17+$0x100];
	_ =	sdelay $0x4  }
0x1dc: {  	[tilespmem:s10+$0x100] =	vst v0  }
0x1dd: {  	v0 =	vld [tilespmem:s17+$0x110];
	_ =	sdelay $0x4  }
0x1de: {  	[tilespmem:s10+$0x110] =	vst v0  }
0x1df: {  	v0 =	vld [tilespmem:s17+$0x120];
	_ =	sdelay $0x4  }
0x1e0: {  	[tilespmem:s10+$0x120] =	vst v0  }
0x1e1: {  	v0 =	vld [tilespmem:s17+$0x130];
	_ =	sdelay $0x4  }
0x1e2: {  	[tilespmem:s10+$0x130] =	vst v0  }
0x1e3: {  	v0 =	vld [tilespmem:s17+$0x180];
	_ =	sdelay $0x4  }
0x1e4: {  	[tilespmem:s10+$0x180] =	vst v0  }
0x1e5: {  	v0 =	vld [tilespmem:s17+$0x190];
	_ =	sdelay $0x4  }
0x1e6: {  	[tilespmem:s10+$0x190] =	vst v0  }
0x1e7: {  	v0 =	vld [tilespmem:s17+$0x1A0];
	_ =	sdelay $0x4  }
0x1e8: {  	[tilespmem:s10+$0x1A0] =	vst v0  }
0x1e9: {  	v0 =	vld [tilespmem:s17+$0x1B0]  }
.Ltmp4:
0x1ea: {  	(pc) =	sbr.rel @p1 .LBB2_7-.Ltmp4, $2  }
0x1eb: {  	_ =	sdelay $0x2  }
0x1ec: {  	s17 =	sadd.s32 $0x400, s17;
	[tilespmem:s10+$0x1B0] =	vst v0  }
0x1ed: {  	s10 =	sadd.s32 s6, s14  }
0x1ee: {  	s10 =	sshll.u32 s10, $0x4  }
0x1ef: {  	s10 =	sadd.s32 s7, s10  }
0x1f0: {  	[hbm4b:s10+s3] =	stream.linear.scatter [tilespmem:s29], [sflag:$0x7], $0x6400, $0x38;
	[tilespmem:$0x19400] =	vst v63  }
0x1f1: {  	_ =	swait.ge [sflag:s30], $0x6400  }
0x1f2: {  	[sflag:s30] =	ssyncset.done $0x0  }
0x1f3: {  	s16 =	simm.s32 $0x6A00;
	[sflag:s30] =	ssyncadd.s32 $0xFFFF9C00  }
0x1f4: {  	v0 =	vld [tilespmem:s16+$0xFFFFFE00];
	_ =	sdelay $0x3  }
0x1f5: {  	s10 =	simm.s32 $0x13200  }
0x1f6: {  	[tilespmem:s10+$0xFFFFFE00] =	vst v0  }
0x1f7: {  	v0 =	vld [tilespmem:s16+$0xFFFFFE10];
	_ =	sdelay $0x4  }
0x1f8: {  	[tilespmem:s10+$0xFFFFFE10] =	vst v0  }
0x1f9: {  	v0 =	vld [tilespmem:s16+$0xFFFFFE20];
	_ =	sdelay $0x4  }
0x1fa: {  	[tilespmem:s10+$0xFFFFFE20] =	vst v0  }
0x1fb: {  	v0 =	vld [tilespmem:s16+$0xFFFFFE30];
	_ =	sdelay $0x4  }
0x1fc: {  	[tilespmem:s10+$0xFFFFFE30] =	vst v0  }
0x1fd: {  	v0 =	vld [tilespmem:s16+$0xFFFFFE80];
	_ =	sdelay $0x4  }
0x1fe: {  	[tilespmem:s10+$0xFFFFFE80] =	vst v0  }
0x1ff: {  	v0 =	vld [tilespmem:s16+$0xFFFFFE90];
	_ =	sdelay $0x4  }
0x200: {  	[tilespmem:s10+$0xFFFFFE90] =	vst v0  }
0x201: {  	v0 =	vld [tilespmem:s16+$0xFFFFFEA0];
	_ =	sdelay $0x4  }
0x202: {  	[tilespmem:s10+$0xFFFFFEA0] =	vst v0  }
0x203: {  	v0 =	vld [tilespmem:s16+$0xFFFFFEB0];
	_ =	sdelay $0x4  }
0x204: {  	[tilespmem:s10+$0xFFFFFEB0] =	vst v0  }
0x205: {  	v0 =	vld [tilespmem:s16+$0xFFFFFF00];
	_ =	sdelay $0x4  }
0x206: {  	[tilespmem:s10+$0xFFFFFF00] =	vst v0  }
0x207: {  	v0 =	vld [tilespmem:s16+$0xFFFFFF10];
	_ =	sdelay $0x4  }
0x208: {  	[tilespmem:s10+$0xFFFFFF10] =	vst v0  }
0x209: {  	v0 =	vld [tilespmem:s16+$0xFFFFFF20];
	_ =	sdelay $0x4  }
0x20a: {  	[tilespmem:s10+$0xFFFFFF20] =	vst v0  }
0x20b: {  	v0 =	vld [tilespmem:s16+$0xFFFFFF30];
	_ =	sdelay $0x4  }
0x20c: {  	[tilespmem:s10+$0xFFFFFF30] =	vst v0  }
0x20d: {  	v0 =	vld [tilespmem:s16+$0xFFFFFF80];
	_ =	sdelay $0x4  }
0x20e: {  	[tilespmem:s10+$0xFFFFFF80] =	vst v0  }
0x20f: {  	v0 =	vld [tilespmem:s16+$0xFFFFFF90];
	_ =	sdelay $0x4  }
0x210: {  	[tilespmem:s10+$0xFFFFFF90] =	vst v0  }
0x211: {  	v0 =	vld [tilespmem:s16+$0xFFFFFFA0];
	_ =	sdelay $0x4  }
0x212: {  	[tilespmem:s10+$0xFFFFFFA0] =	vst v0  }
0x213: {  	v0 =	vld [tilespmem:s16+$0xFFFFFFB0];
	_ =	sdelay $0x4  }
0x214: {  	[tilespmem:s10+$0xFFFFFFB0] =	vst v0  }
0x215: {  	v0 =	vld [tilespmem:s16+$0x0];
	_ =	sdelay $0x4  }
0x216: {  	[tilespmem:s10+$0x0] =	vst v0  }
0x217: {  	v0 =	vld [tilespmem:s16+$0x10];
	_ =	sdelay $0x4  }
0x218: {  	[tilespmem:s10+$0x10] =	vst v0  }
0x219: {  	v0 =	vld [tilespmem:s16+$0x20];
	_ =	sdelay $0x4  }
0x21a: {  	[tilespmem:s10+$0x20] =	vst v0  }
0x21b: {  	v0 =	vld [tilespmem:s16+$0x30];
	_ =	sdelay $0x4  }
0x21c: {  	[tilespmem:s10+$0x30] =	vst v0  }
0x21d: {  	v0 =	vld [tilespmem:s16+$0x80];
	_ =	sdelay $0x4  }
0x21e: {  	[tilespmem:s10+$0x80] =	vst v0  }
0x21f: {  	v0 =	vld [tilespmem:s16+$0x90];
	_ =	sdelay $0x4  }
0x220: {  	[tilespmem:s10+$0x90] =	vst v0  }
0x221: {  	v0 =	vld [tilespmem:s16+$0xA0];
	_ =	sdelay $0x4  }
0x222: {  	[tilespmem:s10+$0xA0] =	vst v0  }
0x223: {  	v0 =	vld [tilespmem:s16+$0xB0];
	_ =	sdelay $0x4  }
0x224: {  	[tilespmem:s10+$0xB0] =	vst v0  }
0x225: {  	v0 =	vld [tilespmem:s16+$0x100];
	_ =	sdelay $0x4  }
0x226: {  	[tilespmem:s10+$0x100] =	vst v0  }
0x227: {  	v0 =	vld [tilespmem:s16+$0x110];
	_ =	sdelay $0x4  }
0x228: {  	[tilespmem:s10+$0x110] =	vst v0  }
0x229: {  	v0 =	vld [tilespmem:s16+$0x120];
	_ =	sdelay $0x4  }
0x22a: {  	[tilespmem:s10+$0x120] =	vst v0  }
0x22b: {  	v0 =	vld [tilespmem:s16+$0x130];
	_ =	sdelay $0x4  }
0x22c: {  	[tilespmem:s10+$0x130] =	vst v0  }
0x22d: {  	v0 =	vld [tilespmem:s16+$0x180];
	_ =	sdelay $0x4  }
0x22e: {  	[tilespmem:s10+$0x180] =	vst v0  }
0x22f: {  	v0 =	vld [tilespmem:s16+$0x190];
	_ =	sdelay $0x4  }
0x230: {  	[tilespmem:s10+$0x190] =	vst v0  }
0x231: {  	v0 =	vld [tilespmem:s16+$0x1A0];
	_ =	sdelay $0x4  }
0x232: {  	[tilespmem:s10+$0x1A0] =	vst v0  }
0x233: {  	v0 =	vld [tilespmem:s16+$0x1B0];
	_ =	sdelay $0x4  }
0x234: {  	s17 =	simm.s32 $0x6E00;
	s16 =	simm.s32 $0x0;
	[tilespmem:s10+$0x1B0] =	vst v0  }
.LBB2_9:
0x235: {  	v0 =	vld [tilespmem:s17+$0xFFFFFE00];
	s16 =	sadd.s32 $0x8, s16  }
0x236: {  	p1 =	slt.u32 s16, $0xC0;
	_ =	sdelay $0x2  }
0x237: {  	s10 =	sadd.s32 $0x400, s10  }
0x238: {  	[tilespmem:s10+$0xFFFFFE00] =	vst v0  }
0x239: {  	v0 =	vld [tilespmem:s17+$0xFFFFFE10];
	_ =	sdelay $0x4  }
0x23a: {  	[tilespmem:s10+$0xFFFFFE10] =	vst v0  }
0x23b: {  	v0 =	vld [tilespmem:s17+$0xFFFFFE20];
	_ =	sdelay $0x4  }
0x23c: {  	[tilespmem:s10+$0xFFFFFE20] =	vst v0  }
0x23d: {  	v0 =	vld [tilespmem:s17+$0xFFFFFE30];
	_ =	sdelay $0x4  }
0x23e: {  	[tilespmem:s10+$0xFFFFFE30] =	vst v0  }
0x23f: {  	v0 =	vld [tilespmem:s17+$0xFFFFFE80];
	_ =	sdelay $0x4  }
0x240: {  	[tilespmem:s10+$0xFFFFFE80] =	vst v0  }
0x241: {  	v0 =	vld [tilespmem:s17+$0xFFFFFE90];
	_ =	sdelay $0x4  }
0x242: {  	[tilespmem:s10+$0xFFFFFE90] =	vst v0  }
0x243: {  	v0 =	vld [tilespmem:s17+$0xFFFFFEA0];
	_ =	sdelay $0x4  }
0x244: {  	[tilespmem:s10+$0xFFFFFEA0] =	vst v0  }
0x245: {  	v0 =	vld [tilespmem:s17+$0xFFFFFEB0];
	_ =	sdelay $0x4  }
0x246: {  	[tilespmem:s10+$0xFFFFFEB0] =	vst v0  }
0x247: {  	v0 =	vld [tilespmem:s17+$0xFFFFFF00];
	_ =	sdelay $0x4  }
0x248: {  	[tilespmem:s10+$0xFFFFFF00] =	vst v0  }
0x249: {  	v0 =	vld [tilespmem:s17+$0xFFFFFF10];
	_ =	sdelay $0x4  }
0x24a: {  	[tilespmem:s10+$0xFFFFFF10] =	vst v0  }
0x24b: {  	v0 =	vld [tilespmem:s17+$0xFFFFFF20];
	_ =	sdelay $0x4  }
0x24c: {  	[tilespmem:s10+$0xFFFFFF20] =	vst v0  }
0x24d: {  	v0 =	vld [tilespmem:s17+$0xFFFFFF30];
	_ =	sdelay $0x4  }
0x24e: {  	[tilespmem:s10+$0xFFFFFF30] =	vst v0  }
0x24f: {  	v0 =	vld [tilespmem:s17+$0xFFFFFF80];
	_ =	sdelay $0x4  }
0x250: {  	[tilespmem:s10+$0xFFFFFF80] =	vst v0  }
0x251: {  	v0 =	vld [tilespmem:s17+$0xFFFFFF90];
	_ =	sdelay $0x4  }
0x252: {  	[tilespmem:s10+$0xFFFFFF90] =	vst v0  }
0x253: {  	v0 =	vld [tilespmem:s17+$0xFFFFFFA0];
	_ =	sdelay $0x4  }
0x254: {  	[tilespmem:s10+$0xFFFFFFA0] =	vst v0  }
0x255: {  	v0 =	vld [tilespmem:s17+$0xFFFFFFB0];
	_ =	sdelay $0x4  }
0x256: {  	[tilespmem:s10+$0xFFFFFFB0] =	vst v0  }
0x257: {  	v0 =	vld [tilespmem:s17+$0x0];
	_ =	sdelay $0x4  }
0x258: {  	[tilespmem:s10+$0x0] =	vst v0  }
0x259: {  	v0 =	vld [tilespmem:s17+$0x10];
	_ =	sdelay $0x4  }
0x25a: {  	[tilespmem:s10+$0x10] =	vst v0  }
0x25b: {  	v0 =	vld [tilespmem:s17+$0x20];
	_ =	sdelay $0x4  }
0x25c: {  	[tilespmem:s10+$0x20] =	vst v0  }
0x25d: {  	v0 =	vld [tilespmem:s17+$0x30];
	_ =	sdelay $0x4  }
0x25e: {  	[tilespmem:s10+$0x30] =	vst v0  }
0x25f: {  	v0 =	vld [tilespmem:s17+$0x80];
	_ =	sdelay $0x4  }
0x260: {  	[tilespmem:s10+$0x80] =	vst v0  }
0x261: {  	v0 =	vld [tilespmem:s17+$0x90];
	_ =	sdelay $0x4  }
0x262: {  	[tilespmem:s10+$0x90] =	vst v0  }
0x263: {  	v0 =	vld [tilespmem:s17+$0xA0];
	_ =	sdelay $0x4  }
0x264: {  	[tilespmem:s10+$0xA0] =	vst v0  }
0x265: {  	v0 =	vld [tilespmem:s17+$0xB0];
	_ =	sdelay $0x4  }
0x266: {  	[tilespmem:s10+$0xB0] =	vst v0  }
0x267: {  	v0 =	vld [tilespmem:s17+$0x100];
	_ =	sdelay $0x4  }
0x268: {  	[tilespmem:s10+$0x100] =	vst v0  }
0x269: {  	v0 =	vld [tilespmem:s17+$0x110];
	_ =	sdelay $0x4  }
0x26a: {  	[tilespmem:s10+$0x110] =	vst v0  }
0x26b: {  	v0 =	vld [tilespmem:s17+$0x120];
	_ =	sdelay $0x4  }
0x26c: {  	[tilespmem:s10+$0x120] =	vst v0  }
0x26d: {  	v0 =	vld [tilespmem:s17+$0x130];
	_ =	sdelay $0x4  }
0x26e: {  	[tilespmem:s10+$0x130] =	vst v0  }
0x26f: {  	v0 =	vld [tilespmem:s17+$0x180];
	_ =	sdelay $0x4  }
0x270: {  	[tilespmem:s10+$0x180] =	vst v0  }
0x271: {  	v0 =	vld [tilespmem:s17+$0x190];
	_ =	sdelay $0x4  }
0x272: {  	[tilespmem:s10+$0x190] =	vst v0  }
0x273: {  	v0 =	vld [tilespmem:s17+$0x1A0];
	_ =	sdelay $0x4  }
0x274: {  	[tilespmem:s10+$0x1A0] =	vst v0  }
0x275: {  	v0 =	vld [tilespmem:s17+$0x1B0]  }
.Ltmp5:
0x276: {  	(pc) =	sbr.rel @p1 .LBB2_9-.Ltmp5, $2  }
0x277: {  	_ =	sdelay $0x2  }
0x278: {  	s17 =	sadd.s32 $0x400, s17;
	[tilespmem:s10+$0x1B0] =	vst v0  }
.Ltmp6:
0x279: {  	(pc) =	sbr.rel @p0 .LBB2_12-.Ltmp6, $4  }
0x27a: {  	s10 =	sadd.s32 s6, s15  }
0x27b: {  	s10 =	sshll.u32 s10, $0x4  }
0x27c: {  	s10 =	sadd.s32 s7, s10  }
0x27d: {  	[hbm4b:s10+s3] =	stream.linear.scatter [tilespmem:s31], [sflag:$0x8], $0x6400, $0x38;
	[tilespmem:$0x19400] =	vst v63  }
0x27e: {  	s10 =	rddreg [dreg:$0x7]  }
0x27f: {  	s17 =	rddreg [dreg:$0x8];
	s10 =	sadd.s32 s6, s10  }
.Ltmp7:
0x280: {  	s19 =	sadd.s32 s6, s17;
	s10 =	sshrl.u32 s10, $0x3;
	(pc) =	sbr.rel .LBB2_2-.Ltmp7, $4  }
0x281: {  	s6 =	sshrl.u32 s19, $0x3;
	s10 =	sadd.s32 s2, s10  }
0x282: {  	[tilespmem:s20], [sflag:$0x3] =	stream.linear.gather [hbm4b:s10+s3], $0xC8, $0x38;
	[tilespmem:$0x19400] =	vst v63  }
0x283: {  	s18 =	sadd.s32 $0x1, s18;
	s6 =	sadd.s32 s2, s6  }
0x284: {  	[tilespmem:s21], [sflag:$0x4] =	stream.linear.gather [hbm4b:s6+s3], $0xC8, $0x38;
	[tilespmem:$0x19400] =	vst v63  }
.LBB2_13:
0x285: {  	_ =	sfence.sel $0x180000  }
0x286: {  	[bflag:$0x0] =	sbarrier.arrive $0xFFFF  }
0x287: {  	_ =	strace $0x90000047  }
0x288: {  	s0 =	stileid.u32;
	[bflag:$0x2] =	sbarrier.arrive $0xFFFF  }
0x289: {  	p0 =	sne.s32 s0, $0x0;
	s0 =	rddreg [dreg:$0x2]  }
0x28a: {  	s0 =	sadd.s32 @!p0 $0x100000, s0  }
0x28b: {  	[sflag:s0] =	ssyncadd.tile.s32 @!p0 $0x1;
	_ =	shalt  }
.Lfunc_end2:
_tile_overlayer_lowered:
.L_overlay_start_2:
0x28c: {  	(tag) =	ssettag $0x2  }
0x28d: {  	s0 =	rddreg [dreg:$0x0];
	s2 =	stileid.u32  }
0x28e: {  	s1 =	rddreg [dreg:$0x1];
	p0 =	sne.s32 s2, $0x0  }
0x28f: {  	s3 =	rddreg [dreg:$0x2];
	[bflag:$0x3] =	sbarrier.arrive $0xFFFF;
	s2 =	simm.s32 @!p0 $0x1C09  }
0x290: {  	[timem:s3], [sflag:s2] =	dma.local @!p0 [hbm:s0], s1  }
0x291: {  	s0 =	simm.s32 @!p0 $0x9  }
0x292: {  	_ =	swait.ge @!p0 [sflag:s0], s1  }
0x293: {  	s1 =	ssub.s32 @!p0 $0x0, s1;
	[sflag:s0] =	ssyncset.done @!p0 $0x0  }
0x294: {  	[sflag:s0] =	ssyncadd.s32 @!p0 s1  }
0x295: {  	[bflag:$0x3] =	sbarrier.arrive $0xFFFF  }
0x296: {  	_ =	shalt  }

// kernel: sparse-core-data-format-call.cloned.1.call-start
scs
called_computation_lowered:
.L_overlay_start_0:
0x0: {  	s2 =	sld [smem:$0x3FD9]  }
0x1: {  	s3 =	sld [smem:$0x3FFE];
	_ =	sdelay $0x1  }
0x2: {  	s1 =	srdreg.scid  }
0x3: {  	s0 =	sand.u32 $0x1, s1  }
0x4: {  	s18 =	sshll.u32 s0, $0xA;
	s2 =	sadd.s32 s3, s2  }
0x5: {  	s2 =	sadd.s32 s2, s18  }
0x6: {  	[smem:$0x3FC6] =	sst s2  }
0x7: {  	_ = 	snop  }
0x8: {  	s2 =	sld [smem:$0x3FD0];
	(tm) =	ssettm $0x1  }
0x9: {  	s19 =	sld [smem:$0x3FFB];
	_ =	sdelay $0x3  }
0xa: {  	_ =	strace s19  }
0xb: {  	s3 =	sld [smem:$0x3FFC];
	_ =	sdelay $0x3  }
0xc: {  	_ =	strace s3  }
0xd: {  	s3 =	sld [smem:$0x3FFD];
	_ =	sdelay $0x3  }
0xe: {  	_ =	strace s3  }
0xf: {  	_ =	strace $0x8FFFFFFF  }
0x10: {  	s20 =	sld [smem:$0x3FDB];
	_ =	sdelay $0x1  }
0x11: {  	s4 =	simm.s32 $_scs_section_size  }
0x12: {  	s5 =	simm.s32 $_size__tile_overlayer_lowered;
	s6 =	simm.s32 $_tile_overlayer_lowered  }
0x13: {  	s23 =	simm.s32 $0x1BFF;
	s22 =	sshll.u32 s6, $0x1;
	s3 =	sadd.s32 s4, s20  }
0x14: {  	s7 =	simm.s32 $0x0;
	s21 =	sshll.u32 s5, $0x1;
	s5 =	sadd.s32 s22, s3  }
0x15: {  	[timem:s7], [sflag:s23] =	dma.local [hbm:s5], s21  }
0x16: {  	_ =	swait.ge [sflag:s23], s21  }
0x17: {  	s4 =	ssub.s32 $0x0, s21;
	[sflag:s23] =	ssyncset.done $0x0  }
0x18: {  	[sflag:s23] =	ssyncadd.s32 s4;
	_ =	sdelay $0x1  }
0x19: {  	s24 =	simm.s32 $0x1B8B  }
0x1a: {  	_ =	swait.ge [sflag:s24], $0x1  }
0x1b: {  	[sflag:s24] =	ssyncset.done $0x0  }
0x1c: {  	s26 =	simm.s32 $0x1B8E;
	s25 =	sld [smem:$0x3FFE];
	[sflag:s24] =	ssyncadd.s32 $0xFFFFFFFF  }
0x1d: {  	s27 =	simm.s32 $execute0_lowered;
	[smem:$0x3FD2] =	sst s26  }
0x1e: {  	s5 =	sshll.u32 s27, $0x1;
	_ =	strace $0x80000049;
	[dreg:$0x1] =	wrdreg $0xFFFFFFFF  }
0x1f: {  	s28 =	simm.s32 $_size_execute0_lowered;
	s3 =	sadd.s32 s3, s5;
	[dreg:$0x0] =	wrdreg $0x0  }
0x20: {  	s5 =	sshll.u32 s28, $0x1;
	[dreg:$0x2] =	wrdreg s3  }
0x21: {  	[dreg:$0x3] =	wrdreg s5  }
0x22: {  	[dreg:$0x4] =	wrdreg $0xC0  }
0x23: {  	_ =	task [dreg:s7], $0x5FFFF  }
0x24: {  	[dreg:$0x1] =	wrdreg $0xFFFFFFFF  }
0x25: {  	[dreg:$0x0] =	wrdreg $0x60  }
0x26: {  	[dreg:$0x2] =	wrdreg s25  }
0x27: {  	[dreg:$0x3] =	wrdreg s2  }
0x28: {  	[dreg:$0x4] =	wrdreg $0x9  }
0x29: {  	_ =	task.clear_ibuf [dreg:s7], $0x5FFFF;
	_ =	strace $0x90000049  }
0x2a: {  	s29 =	simm.s32 $0x9;
	_ =	strace $0x8000004B  }
0x2b: {  	_ =	swait.ge [sflag:s29], $0x1  }
0x2c: {  	[sflag:s29] =	ssyncadd.s32 $0xFFFFFFFF  }
0x2d: {  	_ =	strace $0x9000004B  }
0x2e: {  	_ =	sfence  }
0x2f: {  	s30 =	sld [smem:$0x0];
	_ =	sdelay $0x2  }
0x30: {  	s31 =	sshll.u32 s1, $0xD;
	s1 =	sshrl.u32 s1, $0x2  }
0x31: {  	s3 =	sand.u32 $0x4000, s31;
	s1 =	sadd.s32 s1, s30  }
0x32: {  	s0 =	sor.u32 s3, s0;
	s1 =	sshll.u32 s1, $0x11  }
0x33: {  	s0 =	sor.u32 s1, s0  }
0x34: {  	s0 =	sadd.s32 $0x8F2B, s0  }
0x35: {  	[sflag:s0] =	ssyncadd.remote.s32 $0x1  }
0x36: {  	_ =	sfence.sel $0xFFFF  }
0x37: {  	[dreg:$0x0] =	wrdreg $0xFFFFFFFF;
	(pc) =	sbr.abs _section_cstart, $3  }
0x38: {  	[dreg:$0x1] =	wrdreg $0xFFFFFFFF  }
0x39: {  	_ =	task.clear_ibuf [dreg:s7], $0x2FFFF;
	_ =	strace $0x9FFFFFFF  }
0x3a: {  	(tm) =	ssettm $0x7FFFFFFF  }
0x3b: {  	_ =	shalt  }
tec
execute0_lowered:
.L_overlay_start_1:
0x0: {  	(tag) =	ssettag $0x1  }
0x1: {  	s0 =	srdreg.scid  }
0x2: {  	s1 =	sshll.u32 s0, $0x4  }
0x3: {  	s0 =	stileid.u32;
	s1 =	sand.u32 $0x10, s1  }
0x4: {  	s1 =	sor.u32 s0, s1  }
0x5: {  	s6 =	rddreg [dreg:$0x0];
	s4 =	simm.s32 $0x1;
	s2 =	sshll.u32 s1, $0x7  }
0x6: {  	s7 =	simm.s32 $0x2;
	s12 =	simm.s32 $0x0;
	s1 =	ssub.s32 $0x1000, s2  }
0x7: {  	s8 =	simm.s32 $0x8000;
	s13 =	simm.s32 $0x0;
	s3 =	sand.u32 $0xF80, s1  }
0x8: {  	s9 =	simm.s32 $0x0;
	s5 =	sshrl.u32 s1, $0xC;
	p0 =	sne.s32 s3, $0x0  }
.Ltmp0:
0x9: {  	s1 =	rddreg [dreg:$0x2];
	s4 =	simm.s32 @!p0 $0x0;
	(pc) =	sbr.rel .LBB1_1-.Ltmp0, $4  }
0xa: {  	s11 =	simm.s32 $0x0;
	s3 =	rddreg [dreg:$0x1];
	s5 =	sadd.s32 s4, s5  }
0xb: {  	_ =	strace $0x8000004A;
	s4 =	simm.s32 $0x1;
	s5 =	smul.u32 $0xC8, s5  }
0xc: {  	s6 =	sadd.s32 $0xA00, s6;
	s10 =	smov.u32 s2;
	[sflag:s4] =	ssyncpa.u1 $0x0  }
0xd: {  	p0 =	por $0x0, $0x0;
	[sflag:s7] =	ssyncpa.u1 $0x0;
	s7 =	sor.u32 $0x1, s5  }
.LBB1_4:
0xe: {  	s16 =	sshll.u32 s13, $0x3;
	s17 =	sand.u32 $0x78, s13  }
0xf: {  	s30 =	sand.u32 $0x7E00, s13;
	s12 =	sshll.u32 s12, $0xF;
	s16 =	sand.u32 $0xC00, s16  }
0x10: {  	[tilespmem:s15+$0x810 ss:$0x81] =	vst.msk $0xffff, v2;
	s31 =	sand.u32 $0x7, s13;
	s16 =	sor.u32 s17, s16;
	s17 =	sadd.s32 s3, s30  }
0x11: {  	[tilespmem:s15+$0x1020 ss:$0x81] =	vst.msk $0xffff, v0;
	s13 =	sshll.u32 s31, $0x12;
	s12 =	sadd.s32 s12, s17;
	s16 =	sshrl.u32 s16, $0x3  }
0x12: {  	[tilespmem:s15+$0x0 ss:$0x81] =	vst.msk $0xffff, v1;
	s13 =	sor.u32 $0x400, s13;
	s12 =	sadd.s32 s16, s12  }
0x13: {  	[hbm4b:s12+s13] =	stream.strided.scatter [tilespmem:s14], [sflag:$0x2], $0x2000, s8, s13, $0x20;
	[tilespmem:$0x8080] =	vst v63  }
.LBB1_5:
0x14: {  	s14 =	sadd.s32 $0x1, s9  }
0x15: {  	s12 =	sadd.s32 $0x1000, s10;
	s16 =	smov.u32 s10;
	p2 =	sgt.s32 s14, $0xC7  }
0x16: {  	s16 =	smov.u32 @p2 s12  }
0x17: {  	s14 =	simm.s32 @p2 $0x0;
	p2 =	sgt.s32 s16, $0xFFF  }
0x18: {  	s16 =	smov.u32 @p2 s2;
	p2 =	sne.s32 s11, s7  }
.Ltmp1:
0x19: {  	p1 =	slt.u32 s11, $0x2;
	(pc) =	sbr.rel @!p2 .LBB1_6-.Ltmp1, $4  }
0x1a: {  	s15 =	simm.s32 @!p1 $0x2  }
0x1b: {  	s13 =	smov.u32 s10;
	p0 =	por !p0, !p0;
	_ =	swait.ge @!p1 [sflag:s15], $0x2000  }
0x1c: {  	s12 =	smov.u32 s9;
	[sflag:s15] =	ssyncset.done @!p1 $0x0;
	s9 =	smov.u32 s14  }
0x1d: {  	s11 =	sadd.s32 $0x1, s11;
	[sflag:s15] =	ssyncadd.s32 @!p1 $0xFFFFE000;
	s10 =	smov.u32 s16  }
.LBB1_1:
0x1e: {  	p1 =	sge.u32 s11, s5  }
0x1f: {  	s14 =	sand.u32 @!p1 $0x1FFFFFF, s9  }
0x20: {  	s15 =	smulhi.u32 @!p1 $0x147AE15, s14;
	_ =	sdelay $0x1  }
0x21: {  	s15 =	smul.u32 @!p1 $0xC8, s15  }
0x22: {  	s16 =	sxor.u32 @!p1 $0xFFFFFFFF, s11;
	s17 =	smul.u32 @!p1 $0xC80, s10  }
0x23: {  	s31 =	sadd.s32 $0xFFFFFFFF, s11;
	s16 =	sshll.u32 @!p1 s16, $0xD;
	s14 =	ssub.s32 @!p1 s14, s15  }
0x24: {  	s15 =	sand.u32 @!p1 $0x2000, s16;
	s16 =	sadd.s32 @!p1 s6, s17;
	s14 =	sshll.u32 @!p1 s14, $0x4  }
0x25: {  	s17 =	simm.s32 @!p1 $0x6400;
	s14 =	sadd.s32 @!p1 s14, s16;
	s16 =	simm.s32 @!p1 $0x40  }
0x26: {  	[tilespmem:s15], [sflag:$0x1] =	stream.strided.gather @!p1 [hbm4b:s14+s16], $0x2000, s17, s16, $0x38;
	[tilespmem:$0x8080] =	vst v63  }
0x27: {  	p1 =	sge.u32 s31, s5  }
.Ltmp2:
0x28: {  	_ = 	snop;
	(pc) =	sbr.rel @p1 .LBB1_5-.Ltmp2, $1  }
0x29: {  	_ =	sdelay $0x3  }
0x2a: {  	s14 =	simm.s32 $0x1  }
0x2b: {  	_ =	swait.ge [sflag:s4], $0x2000;
	s14 =	simm.s32 @!p0 $0x0  }
0x2c: {  	[sflag:s4] =	ssyncset.done $0x0;
	s15 =	sshll.u32 s14, $0xD  }
0x2d: {  	[sflag:s4] =	ssyncadd.s32 $0xFFFFE000;
	s18 =	sor.u32 $0x20, s15  }
0x2e: {  	s14 =	smul.u32 $0x8100, s14;
	v3 =	vld [tilespmem:s18+$0x10]  }
0x2f: {  	s30 =	sand.u32 $0x1, s11;
	v2 =	vld [tilespmem:s18+$0xFFFFFFF0]  }
0x30: {  	s15 =	smul.u32 $0x8100, s30;
	s14 =	sshrl.u32 s14, $0x2;
	v0 =	vld [tilespmem:s18+$0x0]  }
0x31: {  	v1 =	vld [tilespmem:s18+$0xFFFFFFE0];
	s16 =	sor.u32 $0x4000, s14  }
0x32: {  	s31 =	sshrl.u32 s15, $0x2;
	s15 =	sadd.s32 $0x0, s16  }
0x33: {  	s17 =	simm.s32 $0x4;
	s18 =	sadd.s32 $0x40, s18;
	s14 =	sor.u32 $0x4000, s31;
	[tilespmem:s15+$0x1830 ss:$0x81] =	vst.msk $0xffff, v3  }
.LBB1_3:
0x34: {  	v3 =	vld [tilespmem:s18+$0x10];
	p1 =	sne.s32 s17, $0x1FC;
	[tilespmem:s15+$0x810 ss:$0x81] =	vst.msk $0xffff, v2;
	s19 =	smov.u32 s17;
	s17 =	sadd.s32 $0x4, s17  }
.Ltmp3:
0x35: {  	v2 =	vld [tilespmem:s18+$0xFFFFFFF0];
	[tilespmem:s15+$0x1020 ss:$0x81] =	vst.msk $0xffff, v0;
	(pc) =	sbr.rel @p1 .LBB1_3-.Ltmp3, $4  }
0x36: {  	v0 =	vld [tilespmem:s18+$0x0];
	[tilespmem:s15+$0x0 ss:$0x81] =	vst.msk $0xffff, v1  }
0x37: {  	s15 =	sshra.s32 s19, $0x2;
	v1 =	vld [tilespmem:s18+$0xFFFFFFE0]  }
0x38: {  	s15 =	sadd.s32 s15, s16  }
0x39: {  	s18 =	sadd.s32 $0x40, s18;
	[tilespmem:s15+$0x1830 ss:$0x81] =	vst.msk $0xffff, v3  }
.Ltmp4:
0x3a: {  	_ = 	snop;
	(pc) =	sbr.rel .LBB1_4-.Ltmp4, $1  }
0x3b: {  	_ =	sdelay $0x3  }
.LBB1_6:
0x3c: {  	_ =	sfence.sel $0x180000  }
0x3d: {  	s2 =	simm.s32 $0x1;
	[bflag:$0x0] =	sbarrier.arrive $0xFFFF  }
0x3e: {  	s31 =	simm.s32 $0x2;
	[sflag:s2] =	ssyncpa.u1 $0x1  }
0x3f: {  	[sflag:s31] =	ssyncpa.u1 $0x1  }
0x40: {  	p0 =	sne.s32 s0, $0x0;
	_ =	strace $0x9000004A  }
0x41: {  	s0 =	sadd.s32 @!p0 $0x100000, s1;
	[bflag:$0x2] =	sbarrier.arrive $0xFFFF  }
0x42: {  	[sflag:s0] =	ssyncadd.tile.s32 @!p0 $0x1;
	_ =	shalt  }
.Lfunc_end1:
_tile_overlayer_lowered:
.L_overlay_start_2:
0x43: {  	(tag) =	ssettag $0x2  }
0x44: {  	s0 =	rddreg [dreg:$0x0];
	s2 =	stileid.u32  }
0x45: {  	s1 =	rddreg [dreg:$0x1];
	p0 =	sne.s32 s2, $0x0  }
0x46: {  	s3 =	rddreg [dreg:$0x2];
	[bflag:$0x3] =	sbarrier.arrive $0xFFFF;
	s2 =	simm.s32 @!p0 $0x1C01  }
0x47: {  	[timem:s3], [sflag:s2] =	dma.local @!p0 [hbm:s0], s1  }
0x48: {  	s0 =	simm.s32 @!p0 $0x1  }
0x49: {  	_ =	swait.ge @!p0 [sflag:s0], s1  }
0x4a: {  	s1 =	ssub.s32 @!p0 $0x0, s1;
	[sflag:s0] =	ssyncset.done @!p0 $0x0  }
0x4b: {  	[sflag:s0] =	ssyncadd.s32 @!p0 s1  }
0x4c: {  	[bflag:$0x3] =	sbarrier.arrive $0xFFFF  }
0x4d: {  	_ =	shalt  }

</sc_bundles>
